<compile_context>
chip_gen: v7x
topology: tpu7x:2x2x1
jax: 0.10.2.dev20260603
libtpu: 0.0.44.dev20260713+nightly
codegen_flags: <defaults>
</compile_context>

<pallas_src>
import functools

import jax
import jax.numpy as jnp
from jax import lax
from jax.experimental import pallas as pl
from jax.experimental.pallas import tpu as pltpu
from jax.experimental.pallas import tpu_sc as plsc

N = 10000
E = 320000
D = 128

NC = 2
NS = 16
NW = NC * NS

CHUNK = 128
ECH = E // CHUNK
ECH_C = ECH // NC
ECH_T = (ECH_C + NS - 1) // NS
NP = 10240
PBLK = NP // CHUNK
RBM = 80
RBLOCKS = N // RBM
CPT = ECH_C // NS
NTAIL = ECH_C - CPT * NS

assert ECH * CHUNK == E and ECH_C * NC == ECH and RBLOCKS * RBM == N
assert CPT % 2 == 0

_mesh = plsc.VectorSubcoreMesh(core_axis_name="c", subcore_axis_name="s")


def _fill_zero_rows(buf):
    @pl.loop(0, CHUNK)
    def _(i):
        for j in range(D // 16):
            buf[i, pl.ds(j * 16, 16)] = jnp.zeros((16,), jnp.float32)


@functools.partial(
    pl.kernel,
    out_type=jax.ShapeDtypeStruct((NC, 1, NP), jnp.float32),
    mesh=_mesh,
    scratch_types=[
        pltpu.VMEM((CHUNK,), jnp.int32),
        pltpu.VMEM((CHUNK,), jnp.int32),
        pltpu.VMEM((CHUNK,), jnp.float32),
        pltpu.VMEM((CHUNK,), jnp.float32),
        pltpu.VMEM_SHARED((NP,), jnp.float32),
        pltpu.SemaphoreType.DMA,
        pltpu.SemaphoreType.DMA,
    ],
)
def _degree_kernel(dst_hbm, out_hbm, idx0, idx1, ones_v, zero_v, acc_sh,
                   dsem0, dsem1):
    c = lax.axis_index("c")
    s = lax.axis_index("s")
    idxv = (idx0, idx1)
    dsem = (dsem0, dsem1)
    for k in range(CHUNK // 16):
        ones_v[pl.ds(k * 16, 16)] = jnp.ones((16,), jnp.float32)
        zero_v[pl.ds(k * 16, 16)] = jnp.zeros((16,), jnp.float32)

    @pl.loop(0, PBLK // NS)
    def _(k):
        b = s + k * NS
        pltpu.sync_copy(zero_v, acc_sh.at[pl.ds(b * CHUNK, CHUNK)])

    plsc.subcore_barrier()

    ebase = c * (E // NC)
    qb = s * CPT

    def fire_idx(q, b):
        pltpu.async_copy(dst_hbm.at[pl.ds(ebase + q * CHUNK, CHUNK)],
                         idxv[b], dsem[b])

    def wait_idx(q, b):
        pltpu.make_async_copy(dst_hbm.at[pl.ds(ebase + q * CHUNK, CHUNK)],
                              idxv[b], dsem[b]).wait()

    fire_idx(qb, 0)
    fire_idx(qb + 1, 1)

    @pl.loop(0, CPT, step=2)
    def _(k):
        q = qb + k
        for b in range(2):
            wait_idx(q + b, b)
            pltpu.sync_copy(ones_v, acc_sh.at[idxv[b]], add=True)

            @pl.when(k + 2 + b < CPT)
            def _():
                fire_idx(q + 2 + b, b)

    @pl.when(s < NTAIL)
    def _():
        q = CPT * NS + s
        fire_idx(q, 0)
        wait_idx(q, 0)
        pltpu.sync_copy(ones_v, acc_sh.at[idx0], add=True)

    plsc.subcore_barrier()

    @pl.loop(0, PBLK // NS)
    def _(k):
        b = s + k * NS
        sl = pl.ds(b * CHUNK, CHUNK)
        pltpu.sync_copy(acc_sh.at[sl], out_hbm.at[c, 0, sl])


NB = 3

assert CPT % NB == 0


@functools.partial(
    pl.kernel,
    out_type=jax.ShapeDtypeStruct((NC, N, D), jnp.float32),
    mesh=_mesh,
    scratch_types=(
        [pltpu.VMEM((2, CHUNK), jnp.int32) for _ in range(NB)]
        + [pltpu.VMEM((CHUNK, D), jnp.float32) for _ in range(NB)]
        + [pltpu.VMEM_SHARED((N, D), jnp.float32)]
        + [pltpu.SemaphoreType.DMA for _ in range(2 * NB + 1)]
    ),
)
def _aggregate_kernel(g_hbm, ei3_hbm, out_hbm, *scr):
    eiv = scr[0:NB]
    rows = scr[NB:2 * NB]
    acc_sh = scr[2 * NB]
    isem = scr[2 * NB + 1:2 * NB + 1 + NB]
    gsem = scr[2 * NB + 1 + NB:2 * NB + 1 + 2 * NB]
    bsem = scr[2 * NB + 1 + 2 * NB]
    c = lax.axis_index("c")
    s = lax.axis_index("s")

    _fill_zero_rows(rows[0])

    @pl.loop(0, (RBLOCKS + NS - 1) // NS)
    def _(k):
        b = s + k * NS

        @pl.when(b < RBLOCKS)
        def _():
            pltpu.async_copy(rows[0].at[pl.ds(0, RBM)],
                             acc_sh.at[pl.ds(b * RBM, RBM)], bsem)

    @pl.loop(0, (RBLOCKS + NS - 1) // NS)
    def _(k):
        b = s + k * NS

        @pl.when(b < RBLOCKS)
        def _():
            pltpu.make_async_copy(rows[0].at[pl.ds(0, RBM)],
                                  acc_sh.at[pl.ds(b * RBM, RBM)], bsem).wait()

    plsc.subcore_barrier()

    cbase = c * ECH_C
    qb = cbase + s * CPT

    def fire_idx(q, b):
        pltpu.async_copy(ei3_hbm.at[q], eiv[b], isem[b])

    def wait_idx(q, b):
        pltpu.make_async_copy(ei3_hbm.at[q], eiv[b], isem[b]).wait()

    def fire_gather(b):
        pltpu.async_copy(g_hbm.at[eiv[b].at[0]], rows[b], gsem[b])

    def wait_gather(b):
        pltpu.make_async_copy(g_hbm.at[eiv[b].at[0]], rows[b], gsem[b]).wait()

    def scatter(b):
        pltpu.sync_copy(rows[b], acc_sh.at[eiv[b].at[1]], add=True)

    for b in range(NB):
        fire_idx(qb + b, b)

    @pl.loop(0, CPT, step=NB)
    def _(k):
        q = qb + k
        for b in range(NB):
            wait_idx(q + b, b)
            fire_gather(b)
        for b in range(NB):
            wait_gather(b)
            scatter(b)

            @pl.when(k + NB + b < CPT)
            def _():
                fire_idx(q + NB + b, b)

    @pl.when(s < NTAIL)
    def _():
        q = cbase + CPT * NS + s
        fire_idx(q, 0)
        wait_idx(q, 0)
        fire_gather(0)
        wait_gather(0)
        scatter(0)

    plsc.subcore_barrier()

    @pl.loop(0, (RBLOCKS + NS - 1) // NS)
    def _(k):
        b = s + k * NS

        @pl.when(b < RBLOCKS)
        def _():
            sl = pl.ds(b * RBM, RBM)
            pltpu.async_copy(acc_sh.at[sl], out_hbm.at[c, sl], bsem)

    @pl.loop(0, (RBLOCKS + NS - 1) // NS)
    def _(k):
        b = s + k * NS

        @pl.when(b < RBLOCKS)
        def _():
            sl = pl.ds(b * RBM, RBM)
            pltpu.make_async_copy(acc_sh.at[sl], out_hbm.at[c, sl],
                                  bsem).wait()



BM = 5000
GRID = N // BM


def _mm_scale_body(x_ref, w_ref, dinv_ref, h_ref, g_ref):
    h = jnp.dot(x_ref[...], w_ref[...], preferred_element_type=jnp.float32)
    h_ref[...] = h
    g_ref[...] = h * dinv_ref[...]


_mm_scale = pl.pallas_call(
    _mm_scale_body,
    grid=(GRID,),
    in_specs=[
        pl.BlockSpec((BM, D), lambda i: (i, 0)),
        pl.BlockSpec((D, D), lambda i: (0, 0)),
        pl.BlockSpec((BM, 1), lambda i: (i, 0)),
    ],
    out_specs=[
        pl.BlockSpec((BM, D), lambda i: (i, 0)),
        pl.BlockSpec((BM, D), lambda i: (i, 0)),
    ],
    out_shape=[
        jax.ShapeDtypeStruct((N, D), jnp.float32),
        jax.ShapeDtypeStruct((N, D), jnp.float32),
    ],
)


def _combine_mm_body(agg_ref, h_ref, dinv_ref, b_ref, w_ref, h2_ref, g2_ref):
    dinv = dinv_ref[...]
    tot = agg_ref[0] + agg_ref[1]
    out1 = jnp.maximum(dinv * tot + (dinv * dinv) * h_ref[...] + b_ref[...], 0.0)
    h2 = jnp.dot(out1, w_ref[...], preferred_element_type=jnp.float32)
    h2_ref[...] = h2
    g2_ref[...] = h2 * dinv


_combine_mm = pl.pallas_call(
    _combine_mm_body,
    grid=(GRID,),
    in_specs=[
        pl.BlockSpec((NC, BM, D), lambda i: (0, i, 0)),
        pl.BlockSpec((BM, D), lambda i: (i, 0)),
        pl.BlockSpec((BM, 1), lambda i: (i, 0)),
        pl.BlockSpec((1, D), lambda i: (0, 0)),
        pl.BlockSpec((D, D), lambda i: (0, 0)),
    ],
    out_specs=[
        pl.BlockSpec((BM, D), lambda i: (i, 0)),
        pl.BlockSpec((BM, D), lambda i: (i, 0)),
    ],
    out_shape=[
        jax.ShapeDtypeStruct((N, D), jnp.float32),
        jax.ShapeDtypeStruct((N, D), jnp.float32),
    ],
)


def _combine_body(agg_ref, h_ref, dinv_ref, b_ref, out_ref):
    dinv = dinv_ref[...]
    tot = agg_ref[0] + agg_ref[1]
    out_ref[...] = dinv * tot + (dinv * dinv) * h_ref[...] + b_ref[...]


_combine = pl.pallas_call(
    _combine_body,
    grid=(GRID,),
    in_specs=[
        pl.BlockSpec((NC, BM, D), lambda i: (0, i, 0)),
        pl.BlockSpec((BM, D), lambda i: (i, 0)),
        pl.BlockSpec((BM, 1), lambda i: (i, 0)),
        pl.BlockSpec((1, D), lambda i: (0, 0)),
    ],
    out_specs=pl.BlockSpec((BM, D), lambda i: (i, 0)),
    out_shape=jax.ShapeDtypeStruct((N, D), jnp.float32),
)


def kernel(x, edge_index, W1, b1, W2, b2):
    dst = edge_index[1]
    ei3 = jnp.transpose(edge_index.reshape(2, ECH, CHUNK), (1, 0, 2))

    deg_part = _degree_kernel(dst)
    deg = deg_part[0, 0, :N] + deg_part[1, 0, :N] + 1.0
    dinv = lax.rsqrt(jnp.maximum(deg, 1.0))[:, None]

    h1, g1 = _mm_scale(x, W1, dinv)
    agg1 = _aggregate_kernel(g1, ei3)
    h2, g2 = _combine_mm(agg1, h1, dinv, b1[None, :], W2)
    agg2 = _aggregate_kernel(g2, ei3)
    out = _combine(agg2, h2, dinv, b2[None, :])
    return out

# --- scband reference (transcript-rebuilt; emitter-appended) ---
"""Pipeline reference for scband-gcn-30562987278370 (READ-ONLY COPY).

The authoritative reference and input builder live on the scoring server;
editing this copy changes nothing except your own understanding.
"""

import jax, jax.numpy as jnp
import numpy as np

N = 10000
E = 320000
D_IN = 128
D_HID = 128
D_OUT = 128


def setup_inputs(seed: int = 0) -> dict:
    key = jax.random.key(seed)
    k1, k2, k3, k4 = jax.random.split(key, 4)
    x = jax.random.normal(k1, (N, D_IN), dtype=jnp.float32)
    edge_index = jax.random.randint(k2, (2, E), 0, N, dtype=jnp.int32)
    W1 = jax.random.normal(k3, (D_IN, D_HID), dtype=jnp.float32) * (1.0 / np.sqrt(D_IN))
    b1 = jnp.zeros((D_HID,), dtype=jnp.float32)
    W2 = jax.random.normal(k4, (D_HID, D_OUT), dtype=jnp.float32) * (1.0 / np.sqrt(D_HID))
    b2 = jnp.zeros((D_OUT,), dtype=jnp.float32)
    return {"x": x, "edge_index": edge_index, "W1": W1, "b1": b1, "W2": W2, "b2": b2}


def gcn_conv(x, edge_index, W, b):
    # GCNConv: out = D^{-1/2} (A + I) D^{-1/2} X W + b
    n = x.shape[0]
    loop = jnp.arange(n, dtype=edge_index.dtype)
    src = jnp.concatenate([edge_index[0], loop])
    dst = jnp.concatenate([edge_index[1], loop])
    deg = jnp.zeros((n,), dtype=x.dtype).at[dst].add(1.0)
    dinv = jax.lax.rsqrt(jnp.maximum(deg, 1.0))
    norm = dinv[src] * dinv[dst]
    h = x @ W
    msg = h[src] * norm[:, None]
    out = jnp.zeros((n, W.shape[1]), dtype=x.dtype).at[dst].add(msg)
    return out + b


def reference(x, edge_index, W1, b1, W2, b2):
    h = gcn_conv(x, edge_index, W1, b1)
    h = jax.nn.relu(h)
    # dropout p=0.0 / eval mode -> identity
    out = gcn_conv(h, edge_index, W2, b2)
    return out

if __name__ == "__main__":
    import jax
    _d = setup_inputs()
    print(jax.jit(kernel)(*tuple(_d.values())))

</pallas_src>

<mosaic_0001>
#map = affine_map<(d0, d1) -> (0, 0)>
#map1 = affine_map<(d0, d1) -> (0, 0, 0)>
module attributes {stable_mosaic.version = 14 : i64} {
  func.func @_aggregate_kernel(%arg0: i32, %arg1: i32, %arg2: memref<10000x128xf32, #tpu.memory_space<hbm>>, %arg3: memref<2500x2x128xi32, #tpu.memory_space<hbm>>, %arg4: memref<2x10000x128xf32, #tpu.memory_space<hbm>>, %arg5: memref<2x128xi32, #tpu.memory_space<vmem>>, %arg6: memref<2x128xi32, #tpu.memory_space<vmem>>, %arg7: memref<2x128xi32, #tpu.memory_space<vmem>>, %arg8: memref<128x128xf32, #tpu.memory_space<vmem>>, %arg9: memref<128x128xf32, #tpu.memory_space<vmem>>, %arg10: memref<128x128xf32, #tpu.memory_space<vmem>>, %arg11: memref<10000x128xf32, #tpu.memory_space<vmem_shared>>, %arg12: memref<!tpu.dma_semaphore, #tpu.memory_space<semaphore_mem>>, %arg13: memref<!tpu.dma_semaphore, #tpu.memory_space<semaphore_mem>>, %arg14: memref<!tpu.dma_semaphore, #tpu.memory_space<semaphore_mem>>, %arg15: memref<!tpu.dma_semaphore, #tpu.memory_space<semaphore_mem>>, %arg16: memref<!tpu.dma_semaphore, #tpu.memory_space<semaphore_mem>>, %arg17: memref<!tpu.dma_semaphore, #tpu.memory_space<semaphore_mem>>, %arg18: memref<!tpu.dma_semaphore, #tpu.memory_space<semaphore_mem>>) attributes {dimension_semantics = [#tpu.dimension_semantics<core_parallel>, #tpu.dimension_semantics<subcore_parallel>], iteration_bounds = array<i64: 2, 16>, scalar_prefetch = 0 : i64, scratch_operands = 14 : i64, tpu.core_type = #tpu.core_type<sc_vector_subcore>, window_params = [{transform_indices = #map}, {transform_indices = #map1}, {transform_indices = #map1}]} {
    %scan3A = arith.constant 0 : i32
    %scan3A_0 = arith.constant 128 : i32
    %scan3A_1 = arith.addi %scan3A, %scan3A_0 : i32
    %scan3A_2 = arith.constant 1 : i32
    scf.for %scan3A_64 = %scan3A to %scan3A_1 step %scan3A_2  : i32 {
      %mul3A_65 = arith.constant 1 : i32
      %mul3A_66 = arith.muli %scan3A_64, %mul3A_65 : i32
      %add3A_67 = arith.constant 0 : i32
      %add3A_68 = arith.addi %add3A_67, %mul3A_66 : i32
      %broadcast_in_dim3A = arith.constant 0.000000e+00 : f32
      %broadcast_in_dim3A_69 = vector.broadcast %broadcast_in_dim3A : f32 to vector<16xf32>
      %swap3A = arith.index_cast %add3A_68 : i32 to index
      %swap3A_70 = arith.constant 0 : index
      %swap3A_71 = tpu.vector_load %arg8[%swap3A, %swap3A_70] {strides = array<i32>} : memref<128x128xf32, #tpu.memory_space<vmem>>, vector<1x16xf32>,
      %swap3A_72 = vector.shape_cast %swap3A_71 : vector<1x16xf32> to vector<16xf32>
      %swap3A_73 = vector.shape_cast %broadcast_in_dim3A_69 : vector<16xf32> to vector<1x16xf32>
      tpu.vector_store %arg8[%swap3A, %swap3A_70], %swap3A_73 {strides = array<i32>} : memref<128x128xf32, #tpu.memory_space<vmem>>, vector<1x16xf32>,
      %broadcast_in_dim3A_74 = arith.constant 0.000000e+00 : f32
      %broadcast_in_dim3A_75 = vector.broadcast %broadcast_in_dim3A_74 : f32 to vector<16xf32>
      %swap3A_76 = arith.index_cast %add3A_68 : i32 to index
      %swap3A_77 = arith.constant 16 : index
      %swap3A_78 = tpu.vector_load %arg8[%swap3A_76, %swap3A_77] {strides = array<i32>} : memref<128x128xf32, #tpu.memory_space<vmem>>, vector<1x16xf32>,
      %swap3A_79 = vector.shape_cast %swap3A_78 : vector<1x16xf32> to vector<16xf32>
      %swap3A_80 = vector.shape_cast %broadcast_in_dim3A_75 : vector<16xf32> to vector<1x16xf32>
      tpu.vector_store %arg8[%swap3A_76, %swap3A_77], %swap3A_80 {strides = array<i32>} : memref<128x128xf32, #tpu.memory_space<vmem>>, vector<1x16xf32>,
      %broadcast_in_dim3A_81 = arith.constant 0.000000e+00 : f32
      %broadcast_in_dim3A_82 = vector.broadcast %broadcast_in_dim3A_81 : f32 to vector<16xf32>
      %swap3A_83 = arith.index_cast %add3A_68 : i32 to index
      %swap3A_84 = arith.constant 32 : index
      %swap3A_85 = tpu.vector_load %arg8[%swap3A_83, %swap3A_84] {strides = array<i32>} : memref<128x128xf32, #tpu.memory_space<vmem>>, vector<1x16xf32>,
      %swap3A_86 = vector.shape_cast %swap3A_85 : vector<1x16xf32> to vector<16xf32>
      %swap3A_87 = vector.shape_cast %broadcast_in_dim3A_82 : vector<16xf32> to vector<1x16xf32>
      tpu.vector_store %arg8[%swap3A_83, %swap3A_84], %swap3A_87 {strides = array<i32>} : memref<128x128xf32, #tpu.memory_space<vmem>>, vector<1x16xf32>,
      %broadcast_in_dim3A_88 = arith.constant 0.000000e+00 : f32
      %broadcast_in_dim3A_89 = vector.broadcast %broadcast_in_dim3A_88 : f32 to vector<16xf32>
      %swap3A_90 = arith.index_cast %add3A_68 : i32 to index
      %swap3A_91 = arith.constant 48 : index
      %swap3A_92 = tpu.vector_load %arg8[%swap3A_90, %swap3A_91] {strides = array<i32>} : memref<128x128xf32, #tpu.memory_space<vmem>>, vector<1x16xf32>,
      %swap3A_93 = vector.shape_cast %swap3A_92 : vector<1x16xf32> to vector<16xf32>
      %swap3A_94 = vector.shape_cast %broadcast_in_dim3A_89 : vector<16xf32> to vector<1x16xf32>
      tpu.vector_store %arg8[%swap3A_90, %swap3A_91], %swap3A_94 {strides = array<i32>} : memref<128x128xf32, #tpu.memory_space<vmem>>, vector<1x16xf32>,
      %broadcast_in_dim3A_95 = arith.constant 0.000000e+00 : f32
      %broadcast_in_dim3A_96 = vector.broadcast %broadcast_in_dim3A_95 : f32 to vector<16xf32>
      %swap3A_97 = arith.index_cast %add3A_68 : i32 to index
      %swap3A_98 = arith.constant 64 : index
      %swap3A_99 = tpu.vector_load %arg8[%swap3A_97, %swap3A_98] {strides = array<i32>} : memref<128x128xf32, #tpu.memory_space<vmem>>, vector<1x16xf32>,
      %swap3A_100 = vector.shape_cast %swap3A_99 : vector<1x16xf32> to vector<16xf32>
      %swap3A_101 = vector.shape_cast %broadcast_in_dim3A_96 : vector<16xf32> to vector<1x16xf32>
      tpu.vector_store %arg8[%swap3A_97, %swap3A_98], %swap3A_101 {strides = array<i32>} : memref<128x128xf32, #tpu.memory_space<vmem>>, vector<1x16xf32>,
      %broadcast_in_dim3A_102 = arith.constant 0.000000e+00 : f32
      %broadcast_in_dim3A_103 = vector.broadcast %broadcast_in_dim3A_102 : f32 to vector<16xf32>
      %swap3A_104 = arith.index_cast %add3A_68 : i32 to index
      %swap3A_105 = arith.constant 80 : index
      %swap3A_106 = tpu.vector_load %arg8[%swap3A_104, %swap3A_105] {strides = array<i32>} : memref<128x128xf32, #tpu.memory_space<vmem>>, vector<1x16xf32>,
      %swap3A_107 = vector.shape_cast %swap3A_106 : vector<1x16xf32> to vector<16xf32>
      %swap3A_108 = vector.shape_cast %broadcast_in_dim3A_103 : vector<16xf32> to vector<1x16xf32>
      tpu.vector_store %arg8[%swap3A_104, %swap3A_105], %swap3A_108 {strides = array<i32>} : memref<128x128xf32, #tpu.memory_space<vmem>>, vector<1x16xf32>,
      %broadcast_in_dim3A_109 = arith.constant 0.000000e+00 : f32
      %broadcast_in_dim3A_110 = vector.broadcast %broadcast_in_dim3A_109 : f32 to vector<16xf32>
      %swap3A_111 = arith.index_cast %add3A_68 : i32 to index
      %swap3A_112 = arith.constant 96 : index
      %swap3A_113 = tpu.vector_load %arg8[%swap3A_111, %swap3A_112] {strides = array<i32>} : memref<128x128xf32, #tpu.memory_space<vmem>>, vector<1x16xf32>,
      %swap3A_114 = vector.shape_cast %swap3A_113 : vector<1x16xf32> to vector<16xf32>
      %swap3A_115 = vector.shape_cast %broadcast_in_dim3A_110 : vector<16xf32> to vector<1x16xf32>
      tpu.vector_store %arg8[%swap3A_111, %swap3A_112], %swap3A_115 {strides = array<i32>} : memref<128x128xf32, #tpu.memory_space<vmem>>, vector<1x16xf32>,
      %broadcast_in_dim3A_116 = arith.constant 0.000000e+00 : f32
      %broadcast_in_dim3A_117 = vector.broadcast %broadcast_in_dim3A_116 : f32 to vector<16xf32>
      %swap3A_118 = arith.index_cast %add3A_68 : i32 to index
      %swap3A_119 = arith.constant 112 : index
      %swap3A_120 = tpu.vector_load %arg8[%swap3A_118, %swap3A_119] {strides = array<i32>} : memref<128x128xf32, #tpu.memory_space<vmem>>, vector<1x16xf32>,
      %swap3A_121 = vector.shape_cast %swap3A_120 : vector<1x16xf32> to vector<16xf32>
      %swap3A_122 = vector.shape_cast %broadcast_in_dim3A_117 : vector<16xf32> to vector<1x16xf32>
      tpu.vector_store %arg8[%swap3A_118, %swap3A_119], %swap3A_122 {strides = array<i32>} : memref<128x128xf32, #tpu.memory_space<vmem>>, vector<1x16xf32>,
    }
    %scan3A_3 = arith.constant 128 : i32
    %scan3A_4 = arith.constant 0 : i32
    %scan3A_5 = arith.constant 8 : i32
    %scan3A_6 = arith.addi %scan3A_4, %scan3A_5 : i32
    %scan3A_7 = arith.constant 1 : i32
    scf.for %scan3A_64 = %scan3A_4 to %scan3A_6 step %scan3A_7  : i32 {
      %mul3A_65 = arith.constant 1 : i32
      %mul3A_66 = arith.muli %scan3A_64, %mul3A_65 : i32
      %add3A_67 = arith.constant 0 : i32
      %add3A_68 = arith.addi %add3A_67, %mul3A_66 : i32
      %mul3A_69 = arith.constant 16 : i32
      %mul3A_70 = arith.muli %add3A_68, %mul3A_69 : i32
      %add3A_71 = arith.addi %arg1, %mul3A_70 : i32
      %lt3A_72 = arith.constant 125 : i32
      %lt3A_73 = arith.cmpi slt, %add3A_71, %lt3A_72 : i32
      %convert_element_type3A_74 = arith.extui %lt3A_73 : i1 to i32
      %cond3A_75 = arith.constant 0 : i32
      %cond3A_76 = arith.cmpi ne, %convert_element_type3A_74, %cond3A_75 : i32
      scf.if %cond3A_76 {
        %mul3A_77 = arith.constant 80 : i32
        %mul3A_78 = arith.muli %add3A_71, %mul3A_77 : i32
        %dma_start3A_79 = arith.constant 0 : i32
        %dma_start3A_80 = arith.constant 0 : i32
        %dma_start3A_81 = tpu.memref_slice %arg8[%dma_start3A_79, %dma_start3A_80] : memref<128x128xf32, #tpu.memory_space<vmem>> -> memref<80x128xf32, #tpu.memory_space<vmem>>
        %dma_start3A_82 = arith.constant 0 : i32
        %dma_start3A_83 = tpu.memref_slice %arg11[%mul3A_78, %dma_start3A_82] : memref<10000x128xf32, #tpu.memory_space<vmem_shared>> -> memref<80x128xf32, #tpu.memory_space<vmem_shared>>
        %dma_start3A_84 = arith.constant 0 : i32
        %dma_start3A_85 = tpu.memref_slice %arg11[%mul3A_78, %dma_start3A_84] : memref<10000x128xf32, #tpu.memory_space<vmem_shared>> -> memref<80x128xf32, #tpu.memory_space<vmem_shared>>
        %dma_start3A_86 = arith.constant 0 : i32
        %dma_start3A_87 = arith.constant 0 : i32
        %dma_start3A_88 = tpu.memref_slice %arg8[%dma_start3A_86, %dma_start3A_87] : memref<128x128xf32, #tpu.memory_space<vmem>> -> memref<80x128xf32, #tpu.memory_space<vmem>>
        tpu.enqueue_dma source(%dma_start3A_88 : memref<80x128xf32, #tpu.memory_space<vmem>>) target(%dma_start3A_85 : memref<80x128xf32, #tpu.memory_space<vmem_shared>>) target_semaphore(%arg18 : memref<!tpu.dma_semaphore, #tpu.memory_space<semaphore_mem>>)
      } else {
      }
    }
    %scan3A_8 = arith.constant 8 : i32
    %scan3A_9 = arith.constant 0 : i32
    %scan3A_10 = arith.constant 8 : i32
    %scan3A_11 = arith.addi %scan3A_9, %scan3A_10 : i32
    %scan3A_12 = arith.constant 1 : i32
    scf.for %scan3A_64 = %scan3A_9 to %scan3A_11 step %scan3A_12  : i32 {
      %mul3A_65 = arith.constant 1 : i32
      %mul3A_66 = arith.muli %scan3A_64, %mul3A_65 : i32
      %add3A_67 = arith.constant 0 : i32
      %add3A_68 = arith.addi %add3A_67, %mul3A_66 : i32
      %mul3A_69 = arith.constant 16 : i32
      %mul3A_70 = arith.muli %add3A_68, %mul3A_69 : i32
      %add3A_71 = arith.addi %arg1, %mul3A_70 : i32
      %lt3A_72 = arith.constant 125 : i32
      %lt3A_73 = arith.cmpi slt, %add3A_71, %lt3A_72 : i32
      %convert_element_type3A_74 = arith.extui %lt3A_73 : i1 to i32
      %cond3A_75 = arith.constant 0 : i32
      %cond3A_76 = arith.cmpi ne, %convert_element_type3A_74, %cond3A_75 : i32
      scf.if %cond3A_76 {
        %mul3A_77 = arith.constant 80 : i32
        %mul3A_78 = arith.muli %add3A_71, %mul3A_77 : i32
        %dma_wait3A = arith.constant 0 : i32
        %dma_wait3A_79 = arith.constant 0 : i32
        %dma_wait3A_80 = tpu.memref_slice %arg8[%dma_wait3A, %dma_wait3A_79] : memref<128x128xf32, #tpu.memory_space<vmem>> -> memref<80x128xf32, #tpu.memory_space<vmem>>
        %dma_wait3A_81 = arith.constant 0 : i32
        %dma_wait3A_82 = tpu.memref_slice %arg11[%mul3A_78, %dma_wait3A_81] : memref<10000x128xf32, #tpu.memory_space<vmem_shared>> -> memref<80x128xf32, #tpu.memory_space<vmem_shared>>
        %dma_wait3A_83 = arith.constant 0 : i32
        %dma_wait3A_84 = tpu.memref_slice %arg11[%mul3A_78, %dma_wait3A_83] : memref<10000x128xf32, #tpu.memory_space<vmem_shared>> -> memref<80x128xf32, #tpu.memory_space<vmem_shared>>
        %dma_wait3A_85 = arith.constant 0 : i32
        %dma_wait3A_86 = arith.constant 0 : i32
        %dma_wait3A_87 = tpu.memref_slice %arg8[%dma_wait3A_85, %dma_wait3A_86] : memref<128x128xf32, #tpu.memory_space<vmem>> -> memref<80x128xf32, #tpu.memory_space<vmem>>
        tpu.wait_dma2 semaphore(%arg18 : memref<!tpu.dma_semaphore, #tpu.memory_space<semaphore_mem>>) src(%dma_wait3A_87 : memref<80x128xf32, #tpu.memory_space<vmem>>) dst(%dma_wait3A_84 : memref<80x128xf32, #tpu.memory_space<vmem_shared>>)
      } else {
      }
    }
    %scan3A_13 = arith.constant 8 : i32
    %barrier3A = arith.constant 0 : index
    tpu.barrier barrier_id(%barrier3A)
    %mul3A = arith.constant 1250 : i32
    %mul3A_14 = arith.muli %arg0, %mul3A : i32
    %mul3A_15 = arith.constant 78 : i32
    %mul3A_16 = arith.muli %arg1, %mul3A_15 : i32
    %add3A = arith.addi %mul3A_14, %mul3A_16 : i32
    %add3A_17 = arith.constant 0 : i32
    %add3A_18 = arith.addi %add3A, %add3A_17 : i32
    %dma_start3A = arith.constant 0 : i32
    %dma_start3A_19 = arith.constant 0 : i32
    %dma_start3A_20 = tpu.memref_slice %arg3[%add3A_18, %dma_start3A, %dma_start3A_19] : memref<2500x2x128xi32, #tpu.memory_space<hbm>> -> memref<1x2x128xi32, #tpu.memory_space<hbm>>
    %dma_start3A_21 = tpu.memref_squeeze %dma_start3A_20 : memref<1x2x128xi32, #tpu.memory_space<hbm>> -> memref<2x128xi32, #tpu.memory_space<hbm>>
    %dma_start3A_22 = arith.constant 0 : i32
    %dma_start3A_23 = arith.constant 0 : i32
    %dma_start3A_24 = tpu.memref_slice %arg3[%add3A_18, %dma_start3A_22, %dma_start3A_23] : memref<2500x2x128xi32, #tpu.memory_space<hbm>> -> memref<1x2x128xi32, #tpu.memory_space<hbm>>
    %dma_start3A_25 = tpu.memref_squeeze %dma_start3A_24 : memref<1x2x128xi32, #tpu.memory_space<hbm>> -> memref<2x128xi32, #tpu.memory_space<hbm>>
    tpu.enqueue_dma source(%dma_start3A_25 : memref<2x128xi32, #tpu.memory_space<hbm>>) target(%arg5 : memref<2x128xi32, #tpu.memory_space<vmem>>) target_semaphore(%arg12 : memref<!tpu.dma_semaphore, #tpu.memory_space<semaphore_mem>>)
    %add3A_26 = arith.constant 1 : i32
    %add3A_27 = arith.addi %add3A, %add3A_26 : i32
    %dma_start3A_28 = arith.constant 0 : i32
    %dma_start3A_29 = arith.constant 0 : i32
    %dma_start3A_30 = tpu.memref_slice %arg3[%add3A_27, %dma_start3A_28, %dma_start3A_29] : memref<2500x2x128xi32, #tpu.memory_space<hbm>> -> memref<1x2x128xi32, #tpu.memory_space<hbm>>
    %dma_start3A_31 = tpu.memref_squeeze %dma_start3A_30 : memref<1x2x128xi32, #tpu.memory_space<hbm>> -> memref<2x128xi32, #tpu.memory_space<hbm>>
    %dma_start3A_32 = arith.constant 0 : i32
    %dma_start3A_33 = arith.constant 0 : i32
    %dma_start3A_34 = tpu.memref_slice %arg3[%add3A_27, %dma_start3A_32, %dma_start3A_33] : memref<2500x2x128xi32, #tpu.memory_space<hbm>> -> memref<1x2x128xi32, #tpu.memory_space<hbm>>
    %dma_start3A_35 = tpu.memref_squeeze %dma_start3A_34 : memref<1x2x128xi32, #tpu.memory_space<hbm>> -> memref<2x128xi32, #tpu.memory_space<hbm>>
    tpu.enqueue_dma source(%dma_start3A_35 : memref<2x128xi32, #tpu.memory_space<hbm>>) target(%arg6 : memref<2x128xi32, #tpu.memory_space<vmem>>) target_semaphore(%arg13 : memref<!tpu.dma_semaphore, #tpu.memory_space<semaphore_mem>>)
    %add3A_36 = arith.constant 2 : i32
    %add3A_37 = arith.addi %add3A, %add3A_36 : i32
    %dma_start3A_38 = arith.constant 0 : i32
    %dma_start3A_39 = arith.constant 0 : i32
    %dma_start3A_40 = tpu.memref_slice %arg3[%add3A_37, %dma_start3A_38, %dma_start3A_39] : memref<2500x2x128xi32, #tpu.memory_space<hbm>> -> memref<1x2x128xi32, #tpu.memory_space<hbm>>
    %dma_start3A_41 = tpu.memref_squeeze %dma_start3A_40 : memref<1x2x128xi32, #tpu.memory_space<hbm>> -> memref<2x128xi32, #tpu.memory_space<hbm>>
    %dma_start3A_42 = arith.constant 0 : i32
    %dma_start3A_43 = arith.constant 0 : i32
    %dma_start3A_44 = tpu.memref_slice %arg3[%add3A_37, %dma_start3A_42, %dma_start3A_43] : memref<2500x2x128xi32, #tpu.memory_space<hbm>> -> memref<1x2x128xi32, #tpu.memory_space<hbm>>
    %dma_start3A_45 = tpu.memref_squeeze %dma_start3A_44 : memref<1x2x128xi32, #tpu.memory_space<hbm>> -> memref<2x128xi32, #tpu.memory_space<hbm>>
    tpu.enqueue_dma source(%dma_start3A_45 : memref<2x128xi32, #tpu.memory_space<hbm>>) target(%arg7 : memref<2x128xi32, #tpu.memory_space<vmem>>) target_semaphore(%arg14 : memref<!tpu.dma_semaphore, #tpu.memory_space<semaphore_mem>>)
    %scan3A_46 = arith.constant 0 : i32
    %scan3A_47 = arith.constant 26 : i32
    %scan3A_48 = arith.addi %scan3A_46, %scan3A_47 : i32
    %scan3A_49 = arith.constant 1 : i32
    scf.for %scan3A_64 = %scan3A_46 to %scan3A_48 step %scan3A_49  : i32 {
      %mul3A_65 = arith.constant 3 : i32
      %mul3A_66 = arith.muli %scan3A_64, %mul3A_65 : i32
      %add3A_67 = arith.constant 0 : i32
      %add3A_68 = arith.addi %add3A_67, %mul3A_66 : i32
      %add3A_69 = arith.addi %add3A, %add3A_68 : i32
      %add3A_70 = arith.constant 0 : i32
      %add3A_71 = arith.addi %add3A_69, %add3A_70 : i32
      %dma_wait3A = arith.constant 0 : i32
      %dma_wait3A_72 = arith.constant 0 : i32
      %dma_wait3A_73 = tpu.memref_slice %arg3[%add3A_71, %dma_wait3A, %dma_wait3A_72] : memref<2500x2x128xi32, #tpu.memory_space<hbm>> -> memref<1x2x128xi32, #tpu.memory_space<hbm>>
      %dma_wait3A_74 = tpu.memref_squeeze %dma_wait3A_73 : memref<1x2x128xi32, #tpu.memory_space<hbm>> -> memref<2x128xi32, #tpu.memory_space<hbm>>
      %dma_wait3A_75 = arith.constant 0 : i32
      %dma_wait3A_76 = arith.constant 0 : i32
      %dma_wait3A_77 = tpu.memref_slice %arg3[%add3A_71, %dma_wait3A_75, %dma_wait3A_76] : memref<2500x2x128xi32, #tpu.memory_space<hbm>> -> memref<1x2x128xi32, #tpu.memory_space<hbm>>
      %dma_wait3A_78 = tpu.memref_squeeze %dma_wait3A_77 : memref<1x2x128xi32, #tpu.memory_space<hbm>> -> memref<2x128xi32, #tpu.memory_space<hbm>>
      tpu.wait_dma2 semaphore(%arg12 : memref<!tpu.dma_semaphore, #tpu.memory_space<semaphore_mem>>) src(%dma_wait3A_78 : memref<2x128xi32, #tpu.memory_space<hbm>>) dst(%arg5 : memref<2x128xi32, #tpu.memory_space<vmem>>)
      %dma_start3A_79 = arith.constant 0 : i32
      %dma_start3A_80 = arith.constant 0 : i32
      %dma_start3A_81 = tpu.memref_slice %arg5[%dma_start3A_79, %dma_start3A_80] : memref<2x128xi32, #tpu.memory_space<vmem>> -> memref<1x128xi32, #tpu.memory_space<vmem>>
      %dma_start3A_82 = tpu.memref_squeeze %dma_start3A_81 : memref<1x128xi32, #tpu.memory_space<vmem>> -> memref<128xi32, #tpu.memory_space<vmem>>
      %dma_start3A_83 = arith.constant 0 : i32
      %dma_start3A_84 = arith.constant 0 : i32
      %dma_start3A_85 = tpu.memref_slice %arg2[%dma_start3A_83, %dma_start3A_84] : memref<10000x128xf32, #tpu.memory_space<hbm>> -> memref<10000x128xf32, #tpu.memory_space<hbm>>
      tpu.enqueue_indirect_dma source(%dma_start3A_85 : memref<10000x128xf32, #tpu.memory_space<hbm>>) target(%arg8 : memref<128x128xf32, #tpu.memory_space<vmem>>) offsets(%dma_start3A_82 : memref<128xi32, #tpu.memory_space<vmem>>) semaphore(%arg15 : memref<!tpu.dma_semaphore, #tpu.memory_space<semaphore_mem>>)
      %add3A_86 = arith.constant 1 : i32
      %add3A_87 = arith.addi %add3A_69, %add3A_86 : i32
      %dma_wait3A_88 = arith.constant 0 : i32
      %dma_wait3A_89 = arith.constant 0 : i32
      %dma_wait3A_90 = tpu.memref_slice %arg3[%add3A_87, %dma_wait3A_88, %dma_wait3A_89] : memref<2500x2x128xi32, #tpu.memory_space<hbm>> -> memref<1x2x128xi32, #tpu.memory_space<hbm>>
      %dma_wait3A_91 = tpu.memref_squeeze %dma_wait3A_90 : memref<1x2x128xi32, #tpu.memory_space<hbm>> -> memref<2x128xi32, #tpu.memory_space<hbm>>
      %dma_wait3A_92 = arith.constant 0 : i32
      %dma_wait3A_93 = arith.constant 0 : i32
      %dma_wait3A_94 = tpu.memref_slice %arg3[%add3A_87, %dma_wait3A_92, %dma_wait3A_93] : memref<2500x2x128xi32, #tpu.memory_space<hbm>> -> memref<1x2x128xi32, #tpu.memory_space<hbm>>
      %dma_wait3A_95 = tpu.memref_squeeze %dma_wait3A_94 : memref<1x2x128xi32, #tpu.memory_space<hbm>> -> memref<2x128xi32, #tpu.memory_space<hbm>>
      tpu.wait_dma2 semaphore(%arg13 : memref<!tpu.dma_semaphore, #tpu.memory_space<semaphore_mem>>) src(%dma_wait3A_95 : memref<2x128xi32, #tpu.memory_space<hbm>>) dst(%arg6 : memref<2x128xi32, #tpu.memory_space<vmem>>)
      %dma_start3A_96 = arith.constant 0 : i32
      %dma_start3A_97 = arith.constant 0 : i32
      %dma_start3A_98 = tpu.memref_slice %arg6[%dma_start3A_96, %dma_start3A_97] : memref<2x128xi32, #tpu.memory_space<vmem>> -> memref<1x128xi32, #tpu.memory_space<vmem>>
      %dma_start3A_99 = tpu.memref_squeeze %dma_start3A_98 : memref<1x128xi32, #tpu.memory_space<vmem>> -> memref<128xi32, #tpu.memory_space<vmem>>
      %dma_start3A_100 = arith.constant 0 : i32
      %dma_start3A_101 = arith.constant 0 : i32
      %dma_start3A_102 = tpu.memref_slice %arg2[%dma_start3A_100, %dma_start3A_101] : memref<10000x128xf32, #tpu.memory_space<hbm>> -> memref<10000x128xf32, #tpu.memory_space<hbm>>
      tpu.enqueue_indirect_dma source(%dma_start3A_102 : memref<10000x128xf32, #tpu.memory_space<hbm>>) target(%arg9 : memref<128x128xf32, #tpu.memory_space<vmem>>) offsets(%dma_start3A_99 : memref<128xi32, #tpu.memory_space<vmem>>) semaphore(%arg16 : memref<!tpu.dma_semaphore, #tpu.memory_space<semaphore_mem>>)
      %add3A_103 = arith.constant 2 : i32
      %add3A_104 = arith.addi %add3A_69, %add3A_103 : i32
      %dma_wait3A_105 = arith.constant 0 : i32
      %dma_wait3A_106 = arith.constant 0 : i32
      %dma_wait3A_107 = tpu.memref_slice %arg3[%add3A_104, %dma_wait3A_105, %dma_wait3A_106] : memref<2500x2x128xi32, #tpu.memory_space<hbm>> -> memref<1x2x128xi32, #tpu.memory_space<hbm>>
      %dma_wait3A_108 = tpu.memref_squeeze %dma_wait3A_107 : memref<1x2x128xi32, #tpu.memory_space<hbm>> -> memref<2x128xi32, #tpu.memory_space<hbm>>
      %dma_wait3A_109 = arith.constant 0 : i32
      %dma_wait3A_110 = arith.constant 0 : i32
      %dma_wait3A_111 = tpu.memref_slice %arg3[%add3A_104, %dma_wait3A_109, %dma_wait3A_110] : memref<2500x2x128xi32, #tpu.memory_space<hbm>> -> memref<1x2x128xi32, #tpu.memory_space<hbm>>
      %dma_wait3A_112 = tpu.memref_squeeze %dma_wait3A_111 : memref<1x2x128xi32, #tpu.memory_space<hbm>> -> memref<2x128xi32, #tpu.memory_space<hbm>>
      tpu.wait_dma2 semaphore(%arg14 : memref<!tpu.dma_semaphore, #tpu.memory_space<semaphore_mem>>) src(%dma_wait3A_112 : memref<2x128xi32, #tpu.memory_space<hbm>>) dst(%arg7 : memref<2x128xi32, #tpu.memory_space<vmem>>)
      %dma_start3A_113 = arith.constant 0 : i32
      %dma_start3A_114 = arith.constant 0 : i32
      %dma_start3A_115 = tpu.memref_slice %arg7[%dma_start3A_113, %dma_start3A_114] : memref<2x128xi32, #tpu.memory_space<vmem>> -> memref<1x128xi32, #tpu.memory_space<vmem>>
      %dma_start3A_116 = tpu.memref_squeeze %dma_start3A_115 : memref<1x128xi32, #tpu.memory_space<vmem>> -> memref<128xi32, #tpu.memory_space<vmem>>
      %dma_start3A_117 = arith.constant 0 : i32
      %dma_start3A_118 = arith.constant 0 : i32
      %dma_start3A_119 = tpu.memref_slice %arg2[%dma_start3A_117, %dma_start3A_118] : memref<10000x128xf32, #tpu.memory_space<hbm>> -> memref<10000x128xf32, #tpu.memory_space<hbm>>
      tpu.enqueue_indirect_dma source(%dma_start3A_119 : memref<10000x128xf32, #tpu.memory_space<hbm>>) target(%arg10 : memref<128x128xf32, #tpu.memory_space<vmem>>) offsets(%dma_start3A_116 : memref<128xi32, #tpu.memory_space<vmem>>) semaphore(%arg17 : memref<!tpu.dma_semaphore, #tpu.memory_space<semaphore_mem>>)
      %dma_wait3A_120 = arith.constant 0 : i32
      %dma_wait3A_121 = arith.constant 0 : i32
      %dma_wait3A_122 = tpu.memref_slice %arg5[%dma_wait3A_120, %dma_wait3A_121] : memref<2x128xi32, #tpu.memory_space<vmem>> -> memref<1x128xi32, #tpu.memory_space<vmem>>
      %dma_wait3A_123 = tpu.memref_squeeze %dma_wait3A_122 : memref<1x128xi32, #tpu.memory_space<vmem>> -> memref<128xi32, #tpu.memory_space<vmem>>
      %dma_wait3A_124 = arith.constant 0 : i32
      %dma_wait3A_125 = arith.constant 0 : i32
      %dma_wait3A_126 = tpu.memref_slice %arg2[%dma_wait3A_124, %dma_wait3A_125] : memref<10000x128xf32, #tpu.memory_space<hbm>> -> memref<10000x128xf32, #tpu.memory_space<hbm>>
      tpu.wait_indirect_dma semaphore(%arg15 : memref<!tpu.dma_semaphore, #tpu.memory_space<semaphore_mem>>) src(%dma_wait3A_126 : memref<10000x128xf32, #tpu.memory_space<hbm>>) dst(%arg8 : memref<128x128xf32, #tpu.memory_space<vmem>>)
      %run_scoped3A = arith.constant 1 : i32
      "tpu.region"() ({
        %run_scoped3A_170 = tpu.sem_alloc : memref<!tpu.dma_semaphore, #tpu.memory_space<semaphore_mem>>
        %dma_start3A_171 = arith.constant 0 : i32
        %dma_start3A_172 = tpu.memref_slice %arg5[%run_scoped3A, %dma_start3A_171] : memref<2x128xi32, #tpu.memory_space<vmem>> -> memref<1x128xi32, #tpu.memory_space<vmem>>
        %dma_start3A_173 = tpu.memref_squeeze %dma_start3A_172 : memref<1x128xi32, #tpu.memory_space<vmem>> -> memref<128xi32, #tpu.memory_space<vmem>>
        %dma_start3A_174 = arith.constant 0 : i32
        %dma_start3A_175 = arith.constant 0 : i32
        %dma_start3A_176 = tpu.memref_slice %arg11[%dma_start3A_174, %dma_start3A_175] : memref<10000x128xf32, #tpu.memory_space<vmem_shared>> -> memref<10000x128xf32, #tpu.memory_space<vmem_shared>>
        tpu.enqueue_indirect_dma source(%arg8 : memref<128x128xf32, #tpu.memory_space<vmem>>) target(%dma_start3A_176 : memref<10000x128xf32, #tpu.memory_space<vmem_shared>>) offsets(%dma_start3A_173 : memref<128xi32, #tpu.memory_space<vmem>>) semaphore(%run_scoped3A_170 : memref<!tpu.dma_semaphore, #tpu.memory_space<semaphore_mem>>) {add = true}
        %dma_wait3A_177 = arith.constant 0 : i32
        %dma_wait3A_178 = tpu.memref_slice %arg5[%run_scoped3A, %dma_wait3A_177] : memref<2x128xi32, #tpu.memory_space<vmem>> -> memref<1x128xi32, #tpu.memory_space<vmem>>
        %dma_wait3A_179 = tpu.memref_squeeze %dma_wait3A_178 : memref<1x128xi32, #tpu.memory_space<vmem>> -> memref<128xi32, #tpu.memory_space<vmem>>
        %dma_wait3A_180 = arith.constant 0 : i32
        %dma_wait3A_181 = arith.constant 0 : i32
        %dma_wait3A_182 = tpu.memref_slice %arg11[%dma_wait3A_180, %dma_wait3A_181] : memref<10000x128xf32, #tpu.memory_space<vmem_shared>> -> memref<10000x128xf32, #tpu.memory_space<vmem_shared>>
        tpu.wait_indirect_dma semaphore(%run_scoped3A_170 : memref<!tpu.dma_semaphore, #tpu.memory_space<semaphore_mem>>) src(%arg8 : memref<128x128xf32, #tpu.memory_space<vmem>>) dst(%dma_wait3A_182 : memref<10000x128xf32, #tpu.memory_space<vmem_shared>>)
        tpu.yield
      }) : () -> ()
      %add3A_127 = arith.constant 3 : i32
      %add3A_128 = arith.addi %add3A_68, %add3A_127 : i32
      %add3A_129 = arith.constant 0 : i32
      %add3A_130 = arith.addi %add3A_128, %add3A_129 : i32
      %lt3A_131 = arith.constant 78 : i32
      %lt3A_132 = arith.cmpi slt, %add3A_130, %lt3A_131 : i32
      %convert_element_type3A_133 = arith.extui %lt3A_132 : i1 to i32
      %cond3A_134 = arith.constant 0 : i32
      %cond3A_135 = arith.cmpi ne, %convert_element_type3A_133, %cond3A_134 : i32
      scf.if %cond3A_135 {
        %add3A_170 = arith.constant 3 : i32
        %add3A_171 = arith.addi %add3A_69, %add3A_170 : i32
        %add3A_172 = arith.constant 0 : i32
        %add3A_173 = arith.addi %add3A_171, %add3A_172 : i32
        %dma_start3A_174 = arith.constant 0 : i32
        %dma_start3A_175 = arith.constant 0 : i32
        %dma_start3A_176 = tpu.memref_slice %arg3[%add3A_173, %dma_start3A_174, %dma_start3A_175] : memref<2500x2x128xi32, #tpu.memory_space<hbm>> -> memref<1x2x128xi32, #tpu.memory_space<hbm>>
        %dma_start3A_177 = tpu.memref_squeeze %dma_start3A_176 : memref<1x2x128xi32, #tpu.memory_space<hbm>> -> memref<2x128xi32, #tpu.memory_space<hbm>>
        %dma_start3A_178 = arith.constant 0 : i32
        %dma_start3A_179 = arith.constant 0 : i32
        %dma_start3A_180 = tpu.memref_slice %arg3[%add3A_173, %dma_start3A_178, %dma_start3A_179] : memref<2500x2x128xi32, #tpu.memory_space<hbm>> -> memref<1x2x128xi32, #tpu.memory_space<hbm>>
        %dma_start3A_181 = tpu.memref_squeeze %dma_start3A_180 : memref<1x2x128xi32, #tpu.memory_space<hbm>> -> memref<2x128xi32, #tpu.memory_space<hbm>>
        tpu.enqueue_dma source(%dma_start3A_181 : memref<2x128xi32, #tpu.memory_space<hbm>>) target(%arg5 : memref<2x128xi32, #tpu.memory_space<vmem>>) target_semaphore(%arg12 : memref<!tpu.dma_semaphore, #tpu.memory_space<semaphore_mem>>)
      } else {
      }
      %dma_wait3A_136 = arith.constant 0 : i32
      %dma_wait3A_137 = arith.constant 0 : i32
      %dma_wait3A_138 = tpu.memref_slice %arg6[%dma_wait3A_136, %dma_wait3A_137] : memref<2x128xi32, #tpu.memory_space<vmem>> -> memref<1x128xi32, #tpu.memory_space<vmem>>
      %dma_wait3A_139 = tpu.memref_squeeze %dma_wait3A_138 : memref<1x128xi32, #tpu.memory_space<vmem>> -> memref<128xi32, #tpu.memory_space<vmem>>
      %dma_wait3A_140 = arith.constant 0 : i32
      %dma_wait3A_141 = arith.constant 0 : i32
      %dma_wait3A_142 = tpu.memref_slice %arg2[%dma_wait3A_140, %dma_wait3A_141] : memref<10000x128xf32, #tpu.memory_space<hbm>> -> memref<10000x128xf32, #tpu.memory_space<hbm>>
      tpu.wait_indirect_dma semaphore(%arg16 : memref<!tpu.dma_semaphore, #tpu.memory_space<semaphore_mem>>) src(%dma_wait3A_142 : memref<10000x128xf32, #tpu.memory_space<hbm>>) dst(%arg9 : memref<128x128xf32, #tpu.memory_space<vmem>>)
      %run_scoped3A_143 = arith.constant 1 : i32
      "tpu.region"() ({
        %run_scoped3A_170 = tpu.sem_alloc : memref<!tpu.dma_semaphore, #tpu.memory_space<semaphore_mem>>
        %dma_start3A_171 = arith.constant 0 : i32
        %dma_start3A_172 = tpu.memref_slice %arg6[%run_scoped3A_143, %dma_start3A_171] : memref<2x128xi32, #tpu.memory_space<vmem>> -> memref<1x128xi32, #tpu.memory_space<vmem>>
        %dma_start3A_173 = tpu.memref_squeeze %dma_start3A_172 : memref<1x128xi32, #tpu.memory_space<vmem>> -> memref<128xi32, #tpu.memory_space<vmem>>
        %dma_start3A_174 = arith.constant 0 : i32
        %dma_start3A_175 = arith.constant 0 : i32
        %dma_start3A_176 = tpu.memref_slice %arg11[%dma_start3A_174, %dma_start3A_175] : memref<10000x128xf32, #tpu.memory_space<vmem_shared>> -> memref<10000x128xf32, #tpu.memory_space<vmem_shared>>
        tpu.enqueue_indirect_dma source(%arg9 : memref<128x128xf32, #tpu.memory_space<vmem>>) target(%dma_start3A_176 : memref<10000x128xf32, #tpu.memory_space<vmem_shared>>) offsets(%dma_start3A_173 : memref<128xi32, #tpu.memory_space<vmem>>) semaphore(%run_scoped3A_170 : memref<!tpu.dma_semaphore, #tpu.memory_space<semaphore_mem>>) {add = true}
        %dma_wait3A_177 = arith.constant 0 : i32
        %dma_wait3A_178 = tpu.memref_slice %arg6[%run_scoped3A_143, %dma_wait3A_177] : memref<2x128xi32, #tpu.memory_space<vmem>> -> memref<1x128xi32, #tpu.memory_space<vmem>>
        %dma_wait3A_179 = tpu.memref_squeeze %dma_wait3A_178 : memref<1x128xi32, #tpu.memory_space<vmem>> -> memref<128xi32, #tpu.memory_space<vmem>>
        %dma_wait3A_180 = arith.constant 0 : i32
        %dma_wait3A_181 = arith.constant 0 : i32
        %dma_wait3A_182 = tpu.memref_slice %arg11[%dma_wait3A_180, %dma_wait3A_181] : memref<10000x128xf32, #tpu.memory_space<vmem_shared>> -> memref<10000x128xf32, #tpu.memory_space<vmem_shared>>
        tpu.wait_indirect_dma semaphore(%run_scoped3A_170 : memref<!tpu.dma_semaphore, #tpu.memory_space<semaphore_mem>>) src(%arg9 : memref<128x128xf32, #tpu.memory_space<vmem>>) dst(%dma_wait3A_182 : memref<10000x128xf32, #tpu.memory_space<vmem_shared>>)
        tpu.yield
      }) : () -> ()
      %add3A_144 = arith.constant 3 : i32
      %add3A_145 = arith.addi %add3A_68, %add3A_144 : i32
      %add3A_146 = arith.constant 1 : i32
      %add3A_147 = arith.addi %add3A_145, %add3A_146 : i32
      %lt3A_148 = arith.constant 78 : i32
      %lt3A_149 = arith.cmpi slt, %add3A_147, %lt3A_148 : i32
      %convert_element_type3A_150 = arith.extui %lt3A_149 : i1 to i32
      %cond3A_151 = arith.constant 0 : i32
      %cond3A_152 = arith.cmpi ne, %convert_element_type3A_150, %cond3A_151 : i32
      scf.if %cond3A_152 {
        %add3A_170 = arith.constant 3 : i32
        %add3A_171 = arith.addi %add3A_69, %add3A_170 : i32
        %add3A_172 = arith.constant 1 : i32
        %add3A_173 = arith.addi %add3A_171, %add3A_172 : i32
        %dma_start3A_174 = arith.constant 0 : i32
        %dma_start3A_175 = arith.constant 0 : i32
        %dma_start3A_176 = tpu.memref_slice %arg3[%add3A_173, %dma_start3A_174, %dma_start3A_175] : memref<2500x2x128xi32, #tpu.memory_space<hbm>> -> memref<1x2x128xi32, #tpu.memory_space<hbm>>
        %dma_start3A_177 = tpu.memref_squeeze %dma_start3A_176 : memref<1x2x128xi32, #tpu.memory_space<hbm>> -> memref<2x128xi32, #tpu.memory_space<hbm>>
        %dma_start3A_178 = arith.constant 0 : i32
        %dma_start3A_179 = arith.constant 0 : i32
        %dma_start3A_180 = tpu.memref_slice %arg3[%add3A_173, %dma_start3A_178, %dma_start3A_179] : memref<2500x2x128xi32, #tpu.memory_space<hbm>> -> memref<1x2x128xi32, #tpu.memory_space<hbm>>
        %dma_start3A_181 = tpu.memref_squeeze %dma_start3A_180 : memref<1x2x128xi32, #tpu.memory_space<hbm>> -> memref<2x128xi32, #tpu.memory_space<hbm>>
        tpu.enqueue_dma source(%dma_start3A_181 : memref<2x128xi32, #tpu.memory_space<hbm>>) target(%arg6 : memref<2x128xi32, #tpu.memory_space<vmem>>) target_semaphore(%arg13 : memref<!tpu.dma_semaphore, #tpu.memory_space<semaphore_mem>>)
      } else {
      }
      %dma_wait3A_153 = arith.constant 0 : i32
      %dma_wait3A_154 = arith.constant 0 : i32
      %dma_wait3A_155 = tpu.memref_slice %arg7[%dma_wait3A_153, %dma_wait3A_154] : memref<2x128xi32, #tpu.memory_space<vmem>> -> memref<1x128xi32, #tpu.memory_space<vmem>>
      %dma_wait3A_156 = tpu.memref_squeeze %dma_wait3A_155 : memref<1x128xi32, #tpu.memory_space<vmem>> -> memref<128xi32, #tpu.memory_space<vmem>>
      %dma_wait3A_157 = arith.constant 0 : i32
      %dma_wait3A_158 = arith.constant 0 : i32
      %dma_wait3A_159 = tpu.memref_slice %arg2[%dma_wait3A_157, %dma_wait3A_158] : memref<10000x128xf32, #tpu.memory_space<hbm>> -> memref<10000x128xf32, #tpu.memory_space<hbm>>
      tpu.wait_indirect_dma semaphore(%arg17 : memref<!tpu.dma_semaphore, #tpu.memory_space<semaphore_mem>>) src(%dma_wait3A_159 : memref<10000x128xf32, #tpu.memory_space<hbm>>) dst(%arg10 : memref<128x128xf32, #tpu.memory_space<vmem>>)
      %run_scoped3A_160 = arith.constant 1 : i32
      "tpu.region"() ({
        %run_scoped3A_170 = tpu.sem_alloc : memref<!tpu.dma_semaphore, #tpu.memory_space<semaphore_mem>>
        %dma_start3A_171 = arith.constant 0 : i32
        %dma_start3A_172 = tpu.memref_slice %arg7[%run_scoped3A_160, %dma_start3A_171] : memref<2x128xi32, #tpu.memory_space<vmem>> -> memref<1x128xi32, #tpu.memory_space<vmem>>
        %dma_start3A_173 = tpu.memref_squeeze %dma_start3A_172 : memref<1x128xi32, #tpu.memory_space<vmem>> -> memref<128xi32, #tpu.memory_space<vmem>>
        %dma_start3A_174 = arith.constant 0 : i32
        %dma_start3A_175 = arith.constant 0 : i32
        %dma_start3A_176 = tpu.memref_slice %arg11[%dma_start3A_174, %dma_start3A_175] : memref<10000x128xf32, #tpu.memory_space<vmem_shared>> -> memref<10000x128xf32, #tpu.memory_space<vmem_shared>>
        tpu.enqueue_indirect_dma source(%arg10 : memref<128x128xf32, #tpu.memory_space<vmem>>) target(%dma_start3A_176 : memref<10000x128xf32, #tpu.memory_space<vmem_shared>>) offsets(%dma_start3A_173 : memref<128xi32, #tpu.memory_space<vmem>>) semaphore(%run_scoped3A_170 : memref<!tpu.dma_semaphore, #tpu.memory_space<semaphore_mem>>) {add = true}
        %dma_wait3A_177 = arith.constant 0 : i32
        %dma_wait3A_178 = tpu.memref_slice %arg7[%run_scoped3A_160, %dma_wait3A_177] : memref<2x128xi32, #tpu.memory_space<vmem>> -> memref<1x128xi32, #tpu.memory_space<vmem>>
        %dma_wait3A_179 = tpu.memref_squeeze %dma_wait3A_178 : memref<1x128xi32, #tpu.memory_space<vmem>> -> memref<128xi32, #tpu.memory_space<vmem>>
        %dma_wait3A_180 = arith.constant 0 : i32
        %dma_wait3A_181 = arith.constant 0 : i32
        %dma_wait3A_182 = tpu.memref_slice %arg11[%dma_wait3A_180, %dma_wait3A_181] : memref<10000x128xf32, #tpu.memory_space<vmem_shared>> -> memref<10000x128xf32, #tpu.memory_space<vmem_shared>>
        tpu.wait_indirect_dma semaphore(%run_scoped3A_170 : memref<!tpu.dma_semaphore, #tpu.memory_space<semaphore_mem>>) src(%arg10 : memref<128x128xf32, #tpu.memory_space<vmem>>) dst(%dma_wait3A_182 : memref<10000x128xf32, #tpu.memory_space<vmem_shared>>)
        tpu.yield
      }) : () -> ()
      %add3A_161 = arith.constant 3 : i32
      %add3A_162 = arith.addi %add3A_68, %add3A_161 : i32
      %add3A_163 = arith.constant 2 : i32
      %add3A_164 = arith.addi %add3A_162, %add3A_163 : i32
      %lt3A_165 = arith.constant 78 : i32
      %lt3A_166 = arith.cmpi slt, %add3A_164, %lt3A_165 : i32
      %convert_element_type3A_167 = arith.extui %lt3A_166 : i1 to i32
      %cond3A_168 = arith.constant 0 : i32
      %cond3A_169 = arith.cmpi ne, %convert_element_type3A_167, %cond3A_168 : i32
      scf.if %cond3A_169 {
        %add3A_170 = arith.constant 3 : i32
        %add3A_171 = arith.addi %add3A_69, %add3A_170 : i32
        %add3A_172 = arith.constant 2 : i32
        %add3A_173 = arith.addi %add3A_171, %add3A_172 : i32
        %dma_start3A_174 = arith.constant 0 : i32
        %dma_start3A_175 = arith.constant 0 : i32
        %dma_start3A_176 = tpu.memref_slice %arg3[%add3A_173, %dma_start3A_174, %dma_start3A_175] : memref<2500x2x128xi32, #tpu.memory_space<hbm>> -> memref<1x2x128xi32, #tpu.memory_space<hbm>>
        %dma_start3A_177 = tpu.memref_squeeze %dma_start3A_176 : memref<1x2x128xi32, #tpu.memory_space<hbm>> -> memref<2x128xi32, #tpu.memory_space<hbm>>
        %dma_start3A_178 = arith.constant 0 : i32
        %dma_start3A_179 = arith.constant 0 : i32
        %dma_start3A_180 = tpu.memref_slice %arg3[%add3A_173, %dma_start3A_178, %dma_start3A_179] : memref<2500x2x128xi32, #tpu.memory_space<hbm>> -> memref<1x2x128xi32, #tpu.memory_space<hbm>>
        %dma_start3A_181 = tpu.memref_squeeze %dma_start3A_180 : memref<1x2x128xi32, #tpu.memory_space<hbm>> -> memref<2x128xi32, #tpu.memory_space<hbm>>
        tpu.enqueue_dma source(%dma_start3A_181 : memref<2x128xi32, #tpu.memory_space<hbm>>) target(%arg7 : memref<2x128xi32, #tpu.memory_space<vmem>>) target_semaphore(%arg14 : memref<!tpu.dma_semaphore, #tpu.memory_space<semaphore_mem>>)
      } else {
      }
    }
    %scan3A_50 = arith.constant 26 : i32
    %lt3A = arith.constant 2 : i32
    %lt3A_51 = arith.cmpi slt, %arg1, %lt3A : i32
    %convert_element_type3A = arith.extui %lt3A_51 : i1 to i32
    %cond3A = arith.constant 0 : i32
    %cond3A_52 = arith.cmpi ne, %convert_element_type3A, %cond3A : i32
    scf.if %cond3A_52 {
      %add3A_64 = arith.constant 1248 : i32
      %add3A_65 = arith.addi %mul3A_14, %add3A_64 : i32
      %add3A_66 = arith.addi %add3A_65, %arg1 : i32
      %dma_start3A_67 = arith.constant 0 : i32
      %dma_start3A_68 = arith.constant 0 : i32
      %dma_start3A_69 = tpu.memref_slice %arg3[%add3A_66, %dma_start3A_67, %dma_start3A_68] : memref<2500x2x128xi32, #tpu.memory_space<hbm>> -> memref<1x2x128xi32, #tpu.memory_space<hbm>>
      %dma_start3A_70 = tpu.memref_squeeze %dma_start3A_69 : memref<1x2x128xi32, #tpu.memory_space<hbm>> -> memref<2x128xi32, #tpu.memory_space<hbm>>
      %dma_start3A_71 = arith.constant 0 : i32
      %dma_start3A_72 = arith.constant 0 : i32
      %dma_start3A_73 = tpu.memref_slice %arg3[%add3A_66, %dma_start3A_71, %dma_start3A_72] : memref<2500x2x128xi32, #tpu.memory_space<hbm>> -> memref<1x2x128xi32, #tpu.memory_space<hbm>>
      %dma_start3A_74 = tpu.memref_squeeze %dma_start3A_73 : memref<1x2x128xi32, #tpu.memory_space<hbm>> -> memref<2x128xi32, #tpu.memory_space<hbm>>
      tpu.enqueue_dma source(%dma_start3A_74 : memref<2x128xi32, #tpu.memory_space<hbm>>) target(%arg5 : memref<2x128xi32, #tpu.memory_space<vmem>>) target_semaphore(%arg12 : memref<!tpu.dma_semaphore, #tpu.memory_space<semaphore_mem>>)
      %dma_wait3A = arith.constant 0 : i32
      %dma_wait3A_75 = arith.constant 0 : i32
      %dma_wait3A_76 = tpu.memref_slice %arg3[%add3A_66, %dma_wait3A, %dma_wait3A_75] : memref<2500x2x128xi32, #tpu.memory_space<hbm>> -> memref<1x2x128xi32, #tpu.memory_space<hbm>>
      %dma_wait3A_77 = tpu.memref_squeeze %dma_wait3A_76 : memref<1x2x128xi32, #tpu.memory_space<hbm>> -> memref<2x128xi32, #tpu.memory_space<hbm>>
      %dma_wait3A_78 = arith.constant 0 : i32
      %dma_wait3A_79 = arith.constant 0 : i32
      %dma_wait3A_80 = tpu.memref_slice %arg3[%add3A_66, %dma_wait3A_78, %dma_wait3A_79] : memref<2500x2x128xi32, #tpu.memory_space<hbm>> -> memref<1x2x128xi32, #tpu.memory_space<hbm>>
      %dma_wait3A_81 = tpu.memref_squeeze %dma_wait3A_80 : memref<1x2x128xi32, #tpu.memory_space<hbm>> -> memref<2x128xi32, #tpu.memory_space<hbm>>
      tpu.wait_dma2 semaphore(%arg12 : memref<!tpu.dma_semaphore, #tpu.memory_space<semaphore_mem>>) src(%dma_wait3A_81 : memref<2x128xi32, #tpu.memory_space<hbm>>) dst(%arg5 : memref<2x128xi32, #tpu.memory_space<vmem>>)
      %dma_start3A_82 = arith.constant 0 : i32
      %dma_start3A_83 = arith.constant 0 : i32
      %dma_start3A_84 = tpu.memref_slice %arg5[%dma_start3A_82, %dma_start3A_83] : memref<2x128xi32, #tpu.memory_space<vmem>> -> memref<1x128xi32, #tpu.memory_space<vmem>>
      %dma_start3A_85 = tpu.memref_squeeze %dma_start3A_84 : memref<1x128xi32, #tpu.memory_space<vmem>> -> memref<128xi32, #tpu.memory_space<vmem>>
      %dma_start3A_86 = arith.constant 0 : i32
      %dma_start3A_87 = arith.constant 0 : i32
      %dma_start3A_88 = tpu.memref_slice %arg2[%dma_start3A_86, %dma_start3A_87] : memref<10000x128xf32, #tpu.memory_space<hbm>> -> memref<10000x128xf32, #tpu.memory_space<hbm>>
      tpu.enqueue_indirect_dma source(%dma_start3A_88 : memref<10000x128xf32, #tpu.memory_space<hbm>>) target(%arg8 : memref<128x128xf32, #tpu.memory_space<vmem>>) offsets(%dma_start3A_85 : memref<128xi32, #tpu.memory_space<vmem>>) semaphore(%arg15 : memref<!tpu.dma_semaphore, #tpu.memory_space<semaphore_mem>>)
      %dma_wait3A_89 = arith.constant 0 : i32
      %dma_wait3A_90 = arith.constant 0 : i32
      %dma_wait3A_91 = tpu.memref_slice %arg5[%dma_wait3A_89, %dma_wait3A_90] : memref<2x128xi32, #tpu.memory_space<vmem>> -> memref<1x128xi32, #tpu.memory_space<vmem>>
      %dma_wait3A_92 = tpu.memref_squeeze %dma_wait3A_91 : memref<1x128xi32, #tpu.memory_space<vmem>> -> memref<128xi32, #tpu.memory_space<vmem>>
      %dma_wait3A_93 = arith.constant 0 : i32
      %dma_wait3A_94 = arith.constant 0 : i32
      %dma_wait3A_95 = tpu.memref_slice %arg2[%dma_wait3A_93, %dma_wait3A_94] : memref<10000x128xf32, #tpu.memory_space<hbm>> -> memref<10000x128xf32, #tpu.memory_space<hbm>>
      tpu.wait_indirect_dma semaphore(%arg15 : memref<!tpu.dma_semaphore, #tpu.memory_space<semaphore_mem>>) src(%dma_wait3A_95 : memref<10000x128xf32, #tpu.memory_space<hbm>>) dst(%arg8 : memref<128x128xf32, #tpu.memory_space<vmem>>)
      %run_scoped3A = arith.constant 1 : i32
      "tpu.region"() ({
        %run_scoped3A_96 = tpu.sem_alloc : memref<!tpu.dma_semaphore, #tpu.memory_space<semaphore_mem>>
        %dma_start3A_97 = arith.constant 0 : i32
        %dma_start3A_98 = tpu.memref_slice %arg5[%run_scoped3A, %dma_start3A_97] : memref<2x128xi32, #tpu.memory_space<vmem>> -> memref<1x128xi32, #tpu.memory_space<vmem>>
        %dma_start3A_99 = tpu.memref_squeeze %dma_start3A_98 : memref<1x128xi32, #tpu.memory_space<vmem>> -> memref<128xi32, #tpu.memory_space<vmem>>
        %dma_start3A_100 = arith.constant 0 : i32
        %dma_start3A_101 = arith.constant 0 : i32
        %dma_start3A_102 = tpu.memref_slice %arg11[%dma_start3A_100, %dma_start3A_101] : memref<10000x128xf32, #tpu.memory_space<vmem_shared>> -> memref<10000x128xf32, #tpu.memory_space<vmem_shared>>
        tpu.enqueue_indirect_dma source(%arg8 : memref<128x128xf32, #tpu.memory_space<vmem>>) target(%dma_start3A_102 : memref<10000x128xf32, #tpu.memory_space<vmem_shared>>) offsets(%dma_start3A_99 : memref<128xi32, #tpu.memory_space<vmem>>) semaphore(%run_scoped3A_96 : memref<!tpu.dma_semaphore, #tpu.memory_space<semaphore_mem>>) {add = true}
        %dma_wait3A_103 = arith.constant 0 : i32
        %dma_wait3A_104 = tpu.memref_slice %arg5[%run_scoped3A, %dma_wait3A_103] : memref<2x128xi32, #tpu.memory_space<vmem>> -> memref<1x128xi32, #tpu.memory_space<vmem>>
        %dma_wait3A_105 = tpu.memref_squeeze %dma_wait3A_104 : memref<1x128xi32, #tpu.memory_space<vmem>> -> memref<128xi32, #tpu.memory_space<vmem>>
        %dma_wait3A_106 = arith.constant 0 : i32
        %dma_wait3A_107 = arith.constant 0 : i32
        %dma_wait3A_108 = tpu.memref_slice %arg11[%dma_wait3A_106, %dma_wait3A_107] : memref<10000x128xf32, #tpu.memory_space<vmem_shared>> -> memref<10000x128xf32, #tpu.memory_space<vmem_shared>>
        tpu.wait_indirect_dma semaphore(%run_scoped3A_96 : memref<!tpu.dma_semaphore, #tpu.memory_space<semaphore_mem>>) src(%arg8 : memref<128x128xf32, #tpu.memory_space<vmem>>) dst(%dma_wait3A_108 : memref<10000x128xf32, #tpu.memory_space<vmem_shared>>)
        tpu.yield
      }) : () -> ()
    } else {
    }
    %barrier3A_53 = arith.constant 0 : index
    tpu.barrier barrier_id(%barrier3A_53)
    %scan3A_54 = arith.constant 0 : i32
    %scan3A_55 = arith.constant 8 : i32
    %scan3A_56 = arith.addi %scan3A_54, %scan3A_55 : i32
    %scan3A_57 = arith.constant 1 : i32
    scf.for %scan3A_64 = %scan3A_54 to %scan3A_56 step %scan3A_57  : i32 {
      %mul3A_65 = arith.constant 1 : i32
      %mul3A_66 = arith.muli %scan3A_64, %mul3A_65 : i32
      %add3A_67 = arith.constant 0 : i32
      %add3A_68 = arith.addi %add3A_67, %mul3A_66 : i32
      %mul3A_69 = arith.constant 16 : i32
      %mul3A_70 = arith.muli %add3A_68, %mul3A_69 : i32
      %add3A_71 = arith.addi %arg1, %mul3A_70 : i32
      %lt3A_72 = arith.constant 125 : i32
      %lt3A_73 = arith.cmpi slt, %add3A_71, %lt3A_72 : i32
      %convert_element_type3A_74 = arith.extui %lt3A_73 : i1 to i32
      %cond3A_75 = arith.constant 0 : i32
      %cond3A_76 = arith.cmpi ne, %convert_element_type3A_74, %cond3A_75 : i32
      scf.if %cond3A_76 {
        %mul3A_77 = arith.constant 80 : i32
        %mul3A_78 = arith.muli %add3A_71, %mul3A_77 : i32
        %dma_start3A_79 = arith.constant 0 : i32
        %dma_start3A_80 = tpu.memref_slice %arg4[%arg0, %mul3A_78, %dma_start3A_79] : memref<2x10000x128xf32, #tpu.memory_space<hbm>> -> memref<1x80x128xf32, #tpu.memory_space<hbm>>
        %dma_start3A_81 = tpu.memref_squeeze %dma_start3A_80 : memref<1x80x128xf32, #tpu.memory_space<hbm>> -> memref<80x128xf32, #tpu.memory_space<hbm>>
        %dma_start3A_82 = arith.constant 0 : i32
        %dma_start3A_83 = tpu.memref_slice %arg11[%mul3A_78, %dma_start3A_82] : memref<10000x128xf32, #tpu.memory_space<vmem_shared>> -> memref<80x128xf32, #tpu.memory_space<vmem_shared>>
        tpu.enqueue_dma source(%dma_start3A_83 : memref<80x128xf32, #tpu.memory_space<vmem_shared>>) target(%dma_start3A_81 : memref<80x128xf32, #tpu.memory_space<hbm>>) target_semaphore(%arg18 : memref<!tpu.dma_semaphore, #tpu.memory_space<semaphore_mem>>)
      } else {
      }
    }
    %scan3A_58 = arith.constant 8 : i32
    %scan3A_59 = arith.constant 0 : i32
    %scan3A_60 = arith.constant 8 : i32
    %scan3A_61 = arith.addi %scan3A_59, %scan3A_60 : i32
    %scan3A_62 = arith.constant 1 : i32
    scf.for %scan3A_64 = %scan3A_59 to %scan3A_61 step %scan3A_62  : i32 {
      %mul3A_65 = arith.constant 1 : i32
      %mul3A_66 = arith.muli %scan3A_64, %mul3A_65 : i32
      %add3A_67 = arith.constant 0 : i32
      %add3A_68 = arith.addi %add3A_67, %mul3A_66 : i32
      %mul3A_69 = arith.constant 16 : i32
      %mul3A_70 = arith.muli %add3A_68, %mul3A_69 : i32
      %add3A_71 = arith.addi %arg1, %mul3A_70 : i32
      %lt3A_72 = arith.constant 125 : i32
      %lt3A_73 = arith.cmpi slt, %add3A_71, %lt3A_72 : i32
      %convert_element_type3A_74 = arith.extui %lt3A_73 : i1 to i32
      %cond3A_75 = arith.constant 0 : i32
      %cond3A_76 = arith.cmpi ne, %convert_element_type3A_74, %cond3A_75 : i32
      scf.if %cond3A_76 {
        %mul3A_77 = arith.constant 80 : i32
        %mul3A_78 = arith.muli %add3A_71, %mul3A_77 : i32
        %dma_wait3A = arith.constant 0 : i32
        %dma_wait3A_79 = tpu.memref_slice %arg4[%arg0, %mul3A_78, %dma_wait3A] : memref<2x10000x128xf32, #tpu.memory_space<hbm>> -> memref<1x80x128xf32, #tpu.memory_space<hbm>>
        %dma_wait3A_80 = tpu.memref_squeeze %dma_wait3A_79 : memref<1x80x128xf32, #tpu.memory_space<hbm>> -> memref<80x128xf32, #tpu.memory_space<hbm>>
        %dma_wait3A_81 = arith.constant 0 : i32
        %dma_wait3A_82 = tpu.memref_slice %arg11[%mul3A_78, %dma_wait3A_81] : memref<10000x128xf32, #tpu.memory_space<vmem_shared>> -> memref<80x128xf32, #tpu.memory_space<vmem_shared>>
        tpu.wait_dma2 semaphore(%arg18 : memref<!tpu.dma_semaphore, #tpu.memory_space<semaphore_mem>>) src(%dma_wait3A_82 : memref<80x128xf32, #tpu.memory_space<vmem_shared>>) dst(%dma_wait3A_80 : memref<80x128xf32, #tpu.memory_space<hbm>>)
      } else {
      }
    }
    %scan3A_63 = arith.constant 8 : i32
    return
  }
}

#map = affine_map<(d0, d1) -> (0)>
#map1 = affine_map<(d0, d1) -> (0, 0, 0)>
module attributes {stable_mosaic.version = 14 : i64} {
  func.func @_degree_kernel(%arg0: i32, %arg1: i32, %arg2: memref<320000xi32, #tpu.memory_space<hbm>>, %arg3: memref<2x1x10240xf32, #tpu.memory_space<hbm>>, %arg4: memref<128xi32, #tpu.memory_space<vmem>>, %arg5: memref<128xi32, #tpu.memory_space<vmem>>, %arg6: memref<128xf32, #tpu.memory_space<vmem>>, %arg7: memref<128xf32, #tpu.memory_space<vmem>>, %arg8: memref<10240xf32, #tpu.memory_space<vmem_shared>>, %arg9: memref<!tpu.dma_semaphore, #tpu.memory_space<semaphore_mem>>, %arg10: memref<!tpu.dma_semaphore, #tpu.memory_space<semaphore_mem>>) attributes {dimension_semantics = [#tpu.dimension_semantics<core_parallel>, #tpu.dimension_semantics<subcore_parallel>], iteration_bounds = array<i64: 2, 16>, scalar_prefetch = 0 : i64, scratch_operands = 7 : i64, tpu.core_type = #tpu.core_type<sc_vector_subcore>, window_params = [{transform_indices = #map}, {transform_indices = #map1}]} {
    %broadcast_in_dim3A = arith.constant 1.000000e+00 : f32
    %broadcast_in_dim3A_0 = vector.broadcast %broadcast_in_dim3A : f32 to vector<16xf32>
    %swap3A = arith.constant 0 : index
    %swap3A_1 = tpu.vector_load %arg6[%swap3A] {strides = array<i32>} : memref<128xf32, #tpu.memory_space<vmem>>, vector<16xf32>,
    %swap3A_2 = vector.shape_cast %swap3A_1 : vector<16xf32> to vector<16xf32>
    %swap3A_3 = vector.shape_cast %broadcast_in_dim3A_0 : vector<16xf32> to vector<16xf32>
    tpu.vector_store %arg6[%swap3A], %swap3A_3 {strides = array<i32>} : memref<128xf32, #tpu.memory_space<vmem>>, vector<16xf32>,
    %broadcast_in_dim3A_4 = arith.constant 0.000000e+00 : f32
    %broadcast_in_dim3A_5 = vector.broadcast %broadcast_in_dim3A_4 : f32 to vector<16xf32>
    %swap3A_6 = arith.constant 0 : index
    %swap3A_7 = tpu.vector_load %arg7[%swap3A_6] {strides = array<i32>} : memref<128xf32, #tpu.memory_space<vmem>>, vector<16xf32>,
    %swap3A_8 = vector.shape_cast %swap3A_7 : vector<16xf32> to vector<16xf32>
    %swap3A_9 = vector.shape_cast %broadcast_in_dim3A_5 : vector<16xf32> to vector<16xf32>
    tpu.vector_store %arg7[%swap3A_6], %swap3A_9 {strides = array<i32>} : memref<128xf32, #tpu.memory_space<vmem>>, vector<16xf32>,
    %broadcast_in_dim3A_10 = arith.constant 1.000000e+00 : f32
    %broadcast_in_dim3A_11 = vector.broadcast %broadcast_in_dim3A_10 : f32 to vector<16xf32>
    %swap3A_12 = arith.constant 16 : index
    %swap3A_13 = tpu.vector_load %arg6[%swap3A_12] {strides = array<i32>} : memref<128xf32, #tpu.memory_space<vmem>>, vector<16xf32>,
    %swap3A_14 = vector.shape_cast %swap3A_13 : vector<16xf32> to vector<16xf32>
    %swap3A_15 = vector.shape_cast %broadcast_in_dim3A_11 : vector<16xf32> to vector<16xf32>
    tpu.vector_store %arg6[%swap3A_12], %swap3A_15 {strides = array<i32>} : memref<128xf32, #tpu.memory_space<vmem>>, vector<16xf32>,
    %broadcast_in_dim3A_16 = arith.constant 0.000000e+00 : f32
    %broadcast_in_dim3A_17 = vector.broadcast %broadcast_in_dim3A_16 : f32 to vector<16xf32>
    %swap3A_18 = arith.constant 16 : index
    %swap3A_19 = tpu.vector_load %arg7[%swap3A_18] {strides = array<i32>} : memref<128xf32, #tpu.memory_space<vmem>>, vector<16xf32>,
    %swap3A_20 = vector.shape_cast %swap3A_19 : vector<16xf32> to vector<16xf32>
    %swap3A_21 = vector.shape_cast %broadcast_in_dim3A_17 : vector<16xf32> to vector<16xf32>
    tpu.vector_store %arg7[%swap3A_18], %swap3A_21 {strides = array<i32>} : memref<128xf32, #tpu.memory_space<vmem>>, vector<16xf32>,
    %broadcast_in_dim3A_22 = arith.constant 1.000000e+00 : f32
    %broadcast_in_dim3A_23 = vector.broadcast %broadcast_in_dim3A_22 : f32 to vector<16xf32>
    %swap3A_24 = arith.constant 32 : index
    %swap3A_25 = tpu.vector_load %arg6[%swap3A_24] {strides = array<i32>} : memref<128xf32, #tpu.memory_space<vmem>>, vector<16xf32>,
    %swap3A_26 = vector.shape_cast %swap3A_25 : vector<16xf32> to vector<16xf32>
    %swap3A_27 = vector.shape_cast %broadcast_in_dim3A_23 : vector<16xf32> to vector<16xf32>
    tpu.vector_store %arg6[%swap3A_24], %swap3A_27 {strides = array<i32>} : memref<128xf32, #tpu.memory_space<vmem>>, vector<16xf32>,
    %broadcast_in_dim3A_28 = arith.constant 0.000000e+00 : f32
    %broadcast_in_dim3A_29 = vector.broadcast %broadcast_in_dim3A_28 : f32 to vector<16xf32>
    %swap3A_30 = arith.constant 32 : index
    %swap3A_31 = tpu.vector_load %arg7[%swap3A_30] {strides = array<i32>} : memref<128xf32, #tpu.memory_space<vmem>>, vector<16xf32>,
    %swap3A_32 = vector.shape_cast %swap3A_31 : vector<16xf32> to vector<16xf32>
    %swap3A_33 = vector.shape_cast %broadcast_in_dim3A_29 : vector<16xf32> to vector<16xf32>
    tpu.vector_store %arg7[%swap3A_30], %swap3A_33 {strides = array<i32>} : memref<128xf32, #tpu.memory_space<vmem>>, vector<16xf32>,
    %broadcast_in_dim3A_34 = arith.constant 1.000000e+00 : f32
    %broadcast_in_dim3A_35 = vector.broadcast %broadcast_in_dim3A_34 : f32 to vector<16xf32>
    %swap3A_36 = arith.constant 48 : index
    %swap3A_37 = tpu.vector_load %arg6[%swap3A_36] {strides = array<i32>} : memref<128xf32, #tpu.memory_space<vmem>>, vector<16xf32>,
    %swap3A_38 = vector.shape_cast %swap3A_37 : vector<16xf32> to vector<16xf32>
    %swap3A_39 = vector.shape_cast %broadcast_in_dim3A_35 : vector<16xf32> to vector<16xf32>
    tpu.vector_store %arg6[%swap3A_36], %swap3A_39 {strides = array<i32>} : memref<128xf32, #tpu.memory_space<vmem>>, vector<16xf32>,
    %broadcast_in_dim3A_40 = arith.constant 0.000000e+00 : f32
    %broadcast_in_dim3A_41 = vector.broadcast %broadcast_in_dim3A_40 : f32 to vector<16xf32>
    %swap3A_42 = arith.constant 48 : index
    %swap3A_43 = tpu.vector_load %arg7[%swap3A_42] {strides = array<i32>} : memref<128xf32, #tpu.memory_space<vmem>>, vector<16xf32>,
    %swap3A_44 = vector.shape_cast %swap3A_43 : vector<16xf32> to vector<16xf32>
    %swap3A_45 = vector.shape_cast %broadcast_in_dim3A_41 : vector<16xf32> to vector<16xf32>
    tpu.vector_store %arg7[%swap3A_42], %swap3A_45 {strides = array<i32>} : memref<128xf32, #tpu.memory_space<vmem>>, vector<16xf32>,
    %broadcast_in_dim3A_46 = arith.constant 1.000000e+00 : f32
    %broadcast_in_dim3A_47 = vector.broadcast %broadcast_in_dim3A_46 : f32 to vector<16xf32>
    %swap3A_48 = arith.constant 64 : index
    %swap3A_49 = tpu.vector_load %arg6[%swap3A_48] {strides = array<i32>} : memref<128xf32, #tpu.memory_space<vmem>>, vector<16xf32>,
    %swap3A_50 = vector.shape_cast %swap3A_49 : vector<16xf32> to vector<16xf32>
    %swap3A_51 = vector.shape_cast %broadcast_in_dim3A_47 : vector<16xf32> to vector<16xf32>
    tpu.vector_store %arg6[%swap3A_48], %swap3A_51 {strides = array<i32>} : memref<128xf32, #tpu.memory_space<vmem>>, vector<16xf32>,
    %broadcast_in_dim3A_52 = arith.constant 0.000000e+00 : f32
    %broadcast_in_dim3A_53 = vector.broadcast %broadcast_in_dim3A_52 : f32 to vector<16xf32>
    %swap3A_54 = arith.constant 64 : index
    %swap3A_55 = tpu.vector_load %arg7[%swap3A_54] {strides = array<i32>} : memref<128xf32, #tpu.memory_space<vmem>>, vector<16xf32>,
    %swap3A_56 = vector.shape_cast %swap3A_55 : vector<16xf32> to vector<16xf32>
    %swap3A_57 = vector.shape_cast %broadcast_in_dim3A_53 : vector<16xf32> to vector<16xf32>
    tpu.vector_store %arg7[%swap3A_54], %swap3A_57 {strides = array<i32>} : memref<128xf32, #tpu.memory_space<vmem>>, vector<16xf32>,
    %broadcast_in_dim3A_58 = arith.constant 1.000000e+00 : f32
    %broadcast_in_dim3A_59 = vector.broadcast %broadcast_in_dim3A_58 : f32 to vector<16xf32>
    %swap3A_60 = arith.constant 80 : index
    %swap3A_61 = tpu.vector_load %arg6[%swap3A_60] {strides = array<i32>} : memref<128xf32, #tpu.memory_space<vmem>>, vector<16xf32>,
    %swap3A_62 = vector.shape_cast %swap3A_61 : vector<16xf32> to vector<16xf32>
    %swap3A_63 = vector.shape_cast %broadcast_in_dim3A_59 : vector<16xf32> to vector<16xf32>
    tpu.vector_store %arg6[%swap3A_60], %swap3A_63 {strides = array<i32>} : memref<128xf32, #tpu.memory_space<vmem>>, vector<16xf32>,
    %broadcast_in_dim3A_64 = arith.constant 0.000000e+00 : f32
    %broadcast_in_dim3A_65 = vector.broadcast %broadcast_in_dim3A_64 : f32 to vector<16xf32>
    %swap3A_66 = arith.constant 80 : index
    %swap3A_67 = tpu.vector_load %arg7[%swap3A_66] {strides = array<i32>} : memref<128xf32, #tpu.memory_space<vmem>>, vector<16xf32>,
    %swap3A_68 = vector.shape_cast %swap3A_67 : vector<16xf32> to vector<16xf32>
    %swap3A_69 = vector.shape_cast %broadcast_in_dim3A_65 : vector<16xf32> to vector<16xf32>
    tpu.vector_store %arg7[%swap3A_66], %swap3A_69 {strides = array<i32>} : memref<128xf32, #tpu.memory_space<vmem>>, vector<16xf32>,
    %broadcast_in_dim3A_70 = arith.constant 1.000000e+00 : f32
    %broadcast_in_dim3A_71 = vector.broadcast %broadcast_in_dim3A_70 : f32 to vector<16xf32>
    %swap3A_72 = arith.constant 96 : index
    %swap3A_73 = tpu.vector_load %arg6[%swap3A_72] {strides = array<i32>} : memref<128xf32, #tpu.memory_space<vmem>>, vector<16xf32>,
    %swap3A_74 = vector.shape_cast %swap3A_73 : vector<16xf32> to vector<16xf32>
    %swap3A_75 = vector.shape_cast %broadcast_in_dim3A_71 : vector<16xf32> to vector<16xf32>
    tpu.vector_store %arg6[%swap3A_72], %swap3A_75 {strides = array<i32>} : memref<128xf32, #tpu.memory_space<vmem>>, vector<16xf32>,
    %broadcast_in_dim3A_76 = arith.constant 0.000000e+00 : f32
    %broadcast_in_dim3A_77 = vector.broadcast %broadcast_in_dim3A_76 : f32 to vector<16xf32>
    %swap3A_78 = arith.constant 96 : index
    %swap3A_79 = tpu.vector_load %arg7[%swap3A_78] {strides = array<i32>} : memref<128xf32, #tpu.memory_space<vmem>>, vector<16xf32>,
    %swap3A_80 = vector.shape_cast %swap3A_79 : vector<16xf32> to vector<16xf32>
    %swap3A_81 = vector.shape_cast %broadcast_in_dim3A_77 : vector<16xf32> to vector<16xf32>
    tpu.vector_store %arg7[%swap3A_78], %swap3A_81 {strides = array<i32>} : memref<128xf32, #tpu.memory_space<vmem>>, vector<16xf32>,
    %broadcast_in_dim3A_82 = arith.constant 1.000000e+00 : f32
    %broadcast_in_dim3A_83 = vector.broadcast %broadcast_in_dim3A_82 : f32 to vector<16xf32>
    %swap3A_84 = arith.constant 112 : index
    %swap3A_85 = tpu.vector_load %arg6[%swap3A_84] {strides = array<i32>} : memref<128xf32, #tpu.memory_space<vmem>>, vector<16xf32>,
    %swap3A_86 = vector.shape_cast %swap3A_85 : vector<16xf32> to vector<16xf32>
    %swap3A_87 = vector.shape_cast %broadcast_in_dim3A_83 : vector<16xf32> to vector<16xf32>
    tpu.vector_store %arg6[%swap3A_84], %swap3A_87 {strides = array<i32>} : memref<128xf32, #tpu.memory_space<vmem>>, vector<16xf32>,
    %broadcast_in_dim3A_88 = arith.constant 0.000000e+00 : f32
    %broadcast_in_dim3A_89 = vector.broadcast %broadcast_in_dim3A_88 : f32 to vector<16xf32>
    %swap3A_90 = arith.constant 112 : index
    %swap3A_91 = tpu.vector_load %arg7[%swap3A_90] {strides = array<i32>} : memref<128xf32, #tpu.memory_space<vmem>>, vector<16xf32>,
    %swap3A_92 = vector.shape_cast %swap3A_91 : vector<16xf32> to vector<16xf32>
    %swap3A_93 = vector.shape_cast %broadcast_in_dim3A_89 : vector<16xf32> to vector<16xf32>
    tpu.vector_store %arg7[%swap3A_90], %swap3A_93 {strides = array<i32>} : memref<128xf32, #tpu.memory_space<vmem>>, vector<16xf32>,
    %scan3A = arith.constant 0 : i32
    %scan3A_94 = arith.constant 5 : i32
    %scan3A_95 = arith.addi %scan3A, %scan3A_94 : i32
    %scan3A_96 = arith.constant 1 : i32
    scf.for %scan3A_124 = %scan3A to %scan3A_95 step %scan3A_96  : i32 {
      %mul3A_125 = arith.constant 1 : i32
      %mul3A_126 = arith.muli %scan3A_124, %mul3A_125 : i32
      %add3A_127 = arith.constant 0 : i32
      %add3A_128 = arith.addi %add3A_127, %mul3A_126 : i32
      %mul3A_129 = arith.constant 16 : i32
      %mul3A_130 = arith.muli %add3A_128, %mul3A_129 : i32
      %add3A_131 = arith.addi %arg1, %mul3A_130 : i32
      %mul3A_132 = arith.constant 128 : i32
      %mul3A_133 = arith.muli %add3A_131, %mul3A_132 : i32
      "tpu.region"() ({
        %run_scoped3A = tpu.sem_alloc : memref<!tpu.dma_semaphore, #tpu.memory_space<semaphore_mem>>
        %dma_start3A_134 = tpu.memref_slice %arg8[%mul3A_133] : memref<10240xf32, #tpu.memory_space<vmem_shared>> -> memref<128xf32, #tpu.memory_space<vmem_shared>>
        %dma_start3A_135 = tpu.memref_slice %arg8[%mul3A_133] : memref<10240xf32, #tpu.memory_space<vmem_shared>> -> memref<128xf32, #tpu.memory_space<vmem_shared>>
        tpu.enqueue_dma source(%arg7 : memref<128xf32, #tpu.memory_space<vmem>>) target(%dma_start3A_135 : memref<128xf32, #tpu.memory_space<vmem_shared>>) target_semaphore(%run_scoped3A : memref<!tpu.dma_semaphore, #tpu.memory_space<semaphore_mem>>)
        %dma_wait3A = tpu.memref_slice %arg8[%mul3A_133] : memref<10240xf32, #tpu.memory_space<vmem_shared>> -> memref<128xf32, #tpu.memory_space<vmem_shared>>
        %dma_wait3A_136 = tpu.memref_slice %arg8[%mul3A_133] : memref<10240xf32, #tpu.memory_space<vmem_shared>> -> memref<128xf32, #tpu.memory_space<vmem_shared>>
        tpu.wait_dma2 semaphore(%run_scoped3A : memref<!tpu.dma_semaphore, #tpu.memory_space<semaphore_mem>>) src(%arg7 : memref<128xf32, #tpu.memory_space<vmem>>) dst(%dma_wait3A_136 : memref<128xf32, #tpu.memory_space<vmem_shared>>)
        tpu.yield
      }) : () -> ()
    }
    %scan3A_97 = arith.constant 5 : i32
    %barrier3A = arith.constant 0 : index
    tpu.barrier barrier_id(%barrier3A)
    %mul3A = arith.constant 160000 : i32
    %mul3A_98 = arith.muli %arg0, %mul3A : i32
    %mul3A_99 = arith.constant 78 : i32
    %mul3A_100 = arith.muli %arg1, %mul3A_99 : i32
    %mul3A_101 = arith.constant 128 : i32
    %mul3A_102 = arith.muli %mul3A_100, %mul3A_101 : i32
    %add3A = arith.addi %mul3A_98, %mul3A_102 : i32
    %dma_start3A = tpu.memref_slice %arg2[%add3A] : memref<320000xi32, #tpu.memory_space<hbm>> -> memref<128xi32, #tpu.memory_space<hbm>>
    %dma_start3A_103 = tpu.memref_slice %arg2[%add3A] : memref<320000xi32, #tpu.memory_space<hbm>> -> memref<128xi32, #tpu.memory_space<hbm>>
    tpu.enqueue_dma source(%dma_start3A_103 : memref<128xi32, #tpu.memory_space<hbm>>) target(%arg4 : memref<128xi32, #tpu.memory_space<vmem>>) target_semaphore(%arg9 : memref<!tpu.dma_semaphore, #tpu.memory_space<semaphore_mem>>)
    %add3A_104 = arith.constant 1 : i32
    %add3A_105 = arith.addi %mul3A_100, %add3A_104 : i32
    %mul3A_106 = arith.constant 128 : i32
    %mul3A_107 = arith.muli %add3A_105, %mul3A_106 : i32
    %add3A_108 = arith.addi %mul3A_98, %mul3A_107 : i32
    %dma_start3A_109 = tpu.memref_slice %arg2[%add3A_108] : memref<320000xi32, #tpu.memory_space<hbm>> -> memref<128xi32, #tpu.memory_space<hbm>>
    %dma_start3A_110 = tpu.memref_slice %arg2[%add3A_108] : memref<320000xi32, #tpu.memory_space<hbm>> -> memref<128xi32, #tpu.memory_space<hbm>>
    tpu.enqueue_dma source(%dma_start3A_110 : memref<128xi32, #tpu.memory_space<hbm>>) target(%arg5 : memref<128xi32, #tpu.memory_space<vmem>>) target_semaphore(%arg10 : memref<!tpu.dma_semaphore, #tpu.memory_space<semaphore_mem>>)
    %scan3A_111 = arith.constant 0 : i32
    %scan3A_112 = arith.constant 39 : i32
    %scan3A_113 = arith.addi %scan3A_111, %scan3A_112 : i32
    %scan3A_114 = arith.constant 1 : i32
    scf.for %scan3A_124 = %scan3A_111 to %scan3A_113 step %scan3A_114  : i32 {
      %mul3A_125 = arith.constant 2 : i32
      %mul3A_126 = arith.muli %scan3A_124, %mul3A_125 : i32
      %add3A_127 = arith.constant 0 : i32
      %add3A_128 = arith.addi %add3A_127, %mul3A_126 : i32
      %add3A_129 = arith.addi %mul3A_100, %add3A_128 : i32
      %add3A_130 = arith.constant 0 : i32
      %add3A_131 = arith.addi %add3A_129, %add3A_130 : i32
      %mul3A_132 = arith.constant 128 : i32
      %mul3A_133 = arith.muli %add3A_131, %mul3A_132 : i32
      %add3A_134 = arith.addi %mul3A_98, %mul3A_133 : i32
      %dma_wait3A = tpu.memref_slice %arg2[%add3A_134] : memref<320000xi32, #tpu.memory_space<hbm>> -> memref<128xi32, #tpu.memory_space<hbm>>
      %dma_wait3A_135 = tpu.memref_slice %arg2[%add3A_134] : memref<320000xi32, #tpu.memory_space<hbm>> -> memref<128xi32, #tpu.memory_space<hbm>>
      tpu.wait_dma2 semaphore(%arg9 : memref<!tpu.dma_semaphore, #tpu.memory_space<semaphore_mem>>) src(%dma_wait3A_135 : memref<128xi32, #tpu.memory_space<hbm>>) dst(%arg4 : memref<128xi32, #tpu.memory_space<vmem>>)
      "tpu.region"() ({
        %run_scoped3A = tpu.sem_alloc : memref<!tpu.dma_semaphore, #tpu.memory_space<semaphore_mem>>
        %dma_start3A_161 = arith.constant 0 : i32
        %dma_start3A_162 = tpu.memref_slice %arg8[%dma_start3A_161] : memref<10240xf32, #tpu.memory_space<vmem_shared>> -> memref<10240xf32, #tpu.memory_space<vmem_shared>>
        tpu.enqueue_indirect_dma source(%arg6 : memref<128xf32, #tpu.memory_space<vmem>>) target(%dma_start3A_162 : memref<10240xf32, #tpu.memory_space<vmem_shared>>) offsets(%arg4 : memref<128xi32, #tpu.memory_space<vmem>>) semaphore(%run_scoped3A : memref<!tpu.dma_semaphore, #tpu.memory_space<semaphore_mem>>) {add = true}
        %dma_wait3A_163 = arith.constant 0 : i32
        %dma_wait3A_164 = tpu.memref_slice %arg8[%dma_wait3A_163] : memref<10240xf32, #tpu.memory_space<vmem_shared>> -> memref<10240xf32, #tpu.memory_space<vmem_shared>>
        tpu.wait_indirect_dma semaphore(%run_scoped3A : memref<!tpu.dma_semaphore, #tpu.memory_space<semaphore_mem>>) src(%arg6 : memref<128xf32, #tpu.memory_space<vmem>>) dst(%dma_wait3A_164 : memref<10240xf32, #tpu.memory_space<vmem_shared>>)
        tpu.yield
      }) : () -> ()
      %add3A_136 = arith.constant 2 : i32
      %add3A_137 = arith.addi %add3A_128, %add3A_136 : i32
      %add3A_138 = arith.constant 0 : i32
      %add3A_139 = arith.addi %add3A_137, %add3A_138 : i32
      %lt3A_140 = arith.constant 78 : i32
      %lt3A_141 = arith.cmpi slt, %add3A_139, %lt3A_140 : i32
      %convert_element_type3A_142 = arith.extui %lt3A_141 : i1 to i32
      %cond3A_143 = arith.constant 0 : i32
      %cond3A_144 = arith.cmpi ne, %convert_element_type3A_142, %cond3A_143 : i32
      scf.if %cond3A_144 {
        %add3A_161 = arith.constant 2 : i32
        %add3A_162 = arith.addi %add3A_129, %add3A_161 : i32
        %add3A_163 = arith.constant 0 : i32
        %add3A_164 = arith.addi %add3A_162, %add3A_163 : i32
        %mul3A_165 = arith.constant 128 : i32
        %mul3A_166 = arith.muli %add3A_164, %mul3A_165 : i32
        %add3A_167 = arith.addi %mul3A_98, %mul3A_166 : i32
        %dma_start3A_168 = tpu.memref_slice %arg2[%add3A_167] : memref<320000xi32, #tpu.memory_space<hbm>> -> memref<128xi32, #tpu.memory_space<hbm>>
        %dma_start3A_169 = tpu.memref_slice %arg2[%add3A_167] : memref<320000xi32, #tpu.memory_space<hbm>> -> memref<128xi32, #tpu.memory_space<hbm>>
        tpu.enqueue_dma source(%dma_start3A_169 : memref<128xi32, #tpu.memory_space<hbm>>) target(%arg4 : memref<128xi32, #tpu.memory_space<vmem>>) target_semaphore(%arg9 : memref<!tpu.dma_semaphore, #tpu.memory_space<semaphore_mem>>)
      } else {
      }
      %add3A_145 = arith.constant 1 : i32
      %add3A_146 = arith.addi %add3A_129, %add3A_145 : i32
      %mul3A_147 = arith.constant 128 : i32
      %mul3A_148 = arith.muli %add3A_146, %mul3A_147 : i32
      %add3A_149 = arith.addi %mul3A_98, %mul3A_148 : i32
      %dma_wait3A_150 = tpu.memref_slice %arg2[%add3A_149] : memref<320000xi32, #tpu.memory_space<hbm>> -> memref<128xi32, #tpu.memory_space<hbm>>
      %dma_wait3A_151 = tpu.memref_slice %arg2[%add3A_149] : memref<320000xi32, #tpu.memory_space<hbm>> -> memref<128xi32, #tpu.memory_space<hbm>>
      tpu.wait_dma2 semaphore(%arg10 : memref<!tpu.dma_semaphore, #tpu.memory_space<semaphore_mem>>) src(%dma_wait3A_151 : memref<128xi32, #tpu.memory_space<hbm>>) dst(%arg5 : memref<128xi32, #tpu.memory_space<vmem>>)
      "tpu.region"() ({
        %run_scoped3A = tpu.sem_alloc : memref<!tpu.dma_semaphore, #tpu.memory_space<semaphore_mem>>
        %dma_start3A_161 = arith.constant 0 : i32
        %dma_start3A_162 = tpu.memref_slice %arg8[%dma_start3A_161] : memref<10240xf32, #tpu.memory_space<vmem_shared>> -> memref<10240xf32, #tpu.memory_space<vmem_shared>>
        tpu.enqueue_indirect_dma source(%arg6 : memref<128xf32, #tpu.memory_space<vmem>>) target(%dma_start3A_162 : memref<10240xf32, #tpu.memory_space<vmem_shared>>) offsets(%arg5 : memref<128xi32, #tpu.memory_space<vmem>>) semaphore(%run_scoped3A : memref<!tpu.dma_semaphore, #tpu.memory_space<semaphore_mem>>) {add = true}
        %dma_wait3A_163 = arith.constant 0 : i32
        %dma_wait3A_164 = tpu.memref_slice %arg8[%dma_wait3A_163] : memref<10240xf32, #tpu.memory_space<vmem_shared>> -> memref<10240xf32, #tpu.memory_space<vmem_shared>>
        tpu.wait_indirect_dma semaphore(%run_scoped3A : memref<!tpu.dma_semaphore, #tpu.memory_space<semaphore_mem>>) src(%arg6 : memref<128xf32, #tpu.memory_space<vmem>>) dst(%dma_wait3A_164 : memref<10240xf32, #tpu.memory_space<vmem_shared>>)
        tpu.yield
      }) : () -> ()
      %add3A_152 = arith.constant 2 : i32
      %add3A_153 = arith.addi %add3A_128, %add3A_152 : i32
      %add3A_154 = arith.constant 1 : i32
      %add3A_155 = arith.addi %add3A_153, %add3A_154 : i32
      %lt3A_156 = arith.constant 78 : i32
      %lt3A_157 = arith.cmpi slt, %add3A_155, %lt3A_156 : i32
      %convert_element_type3A_158 = arith.extui %lt3A_157 : i1 to i32
      %cond3A_159 = arith.constant 0 : i32
      %cond3A_160 = arith.cmpi ne, %convert_element_type3A_158, %cond3A_159 : i32
      scf.if %cond3A_160 {
        %add3A_161 = arith.constant 2 : i32
        %add3A_162 = arith.addi %add3A_129, %add3A_161 : i32
        %add3A_163 = arith.constant 1 : i32
        %add3A_164 = arith.addi %add3A_162, %add3A_163 : i32
        %mul3A_165 = arith.constant 128 : i32
        %mul3A_166 = arith.muli %add3A_164, %mul3A_165 : i32
        %add3A_167 = arith.addi %mul3A_98, %mul3A_166 : i32
        %dma_start3A_168 = tpu.memref_slice %arg2[%add3A_167] : memref<320000xi32, #tpu.memory_space<hbm>> -> memref<128xi32, #tpu.memory_space<hbm>>
        %dma_start3A_169 = tpu.memref_slice %arg2[%add3A_167] : memref<320000xi32, #tpu.memory_space<hbm>> -> memref<128xi32, #tpu.memory_space<hbm>>
        tpu.enqueue_dma source(%dma_start3A_169 : memref<128xi32, #tpu.memory_space<hbm>>) target(%arg5 : memref<128xi32, #tpu.memory_space<vmem>>) target_semaphore(%arg10 : memref<!tpu.dma_semaphore, #tpu.memory_space<semaphore_mem>>)
      } else {
      }
    }
    %scan3A_115 = arith.constant 39 : i32
    %lt3A = arith.constant 2 : i32
    %lt3A_116 = arith.cmpi slt, %arg1, %lt3A : i32
    %convert_element_type3A = arith.extui %lt3A_116 : i1 to i32
    %cond3A = arith.constant 0 : i32
    %cond3A_117 = arith.cmpi ne, %convert_element_type3A, %cond3A : i32
    scf.if %cond3A_117 {
      %add3A_124 = arith.constant 1248 : i32
      %add3A_125 = arith.addi %add3A_124, %arg1 : i32
      %mul3A_126 = arith.constant 128 : i32
      %mul3A_127 = arith.muli %add3A_125, %mul3A_126 : i32
      %add3A_128 = arith.addi %mul3A_98, %mul3A_127 : i32
      %dma_start3A_129 = tpu.memref_slice %arg2[%add3A_128] : memref<320000xi32, #tpu.memory_space<hbm>> -> memref<128xi32, #tpu.memory_space<hbm>>
      %dma_start3A_130 = tpu.memref_slice %arg2[%add3A_128] : memref<320000xi32, #tpu.memory_space<hbm>> -> memref<128xi32, #tpu.memory_space<hbm>>
      tpu.enqueue_dma source(%dma_start3A_130 : memref<128xi32, #tpu.memory_space<hbm>>) target(%arg4 : memref<128xi32, #tpu.memory_space<vmem>>) target_semaphore(%arg9 : memref<!tpu.dma_semaphore, #tpu.memory_space<semaphore_mem>>)
      %mul3A_131 = arith.constant 128 : i32
      %mul3A_132 = arith.muli %add3A_125, %mul3A_131 : i32
      %add3A_133 = arith.addi %mul3A_98, %mul3A_132 : i32
      %dma_wait3A = tpu.memref_slice %arg2[%add3A_133] : memref<320000xi32, #tpu.memory_space<hbm>> -> memref<128xi32, #tpu.memory_space<hbm>>
      %dma_wait3A_134 = tpu.memref_slice %arg2[%add3A_133] : memref<320000xi32, #tpu.memory_space<hbm>> -> memref<128xi32, #tpu.memory_space<hbm>>
      tpu.wait_dma2 semaphore(%arg9 : memref<!tpu.dma_semaphore, #tpu.memory_space<semaphore_mem>>) src(%dma_wait3A_134 : memref<128xi32, #tpu.memory_space<hbm>>) dst(%arg4 : memref<128xi32, #tpu.memory_space<vmem>>)
      "tpu.region"() ({
        %run_scoped3A = tpu.sem_alloc : memref<!tpu.dma_semaphore, #tpu.memory_space<semaphore_mem>>
        %dma_start3A_135 = arith.constant 0 : i32
        %dma_start3A_136 = tpu.memref_slice %arg8[%dma_start3A_135] : memref<10240xf32, #tpu.memory_space<vmem_shared>> -> memref<10240xf32, #tpu.memory_space<vmem_shared>>
        tpu.enqueue_indirect_dma source(%arg6 : memref<128xf32, #tpu.memory_space<vmem>>) target(%dma_start3A_136 : memref<10240xf32, #tpu.memory_space<vmem_shared>>) offsets(%arg4 : memref<128xi32, #tpu.memory_space<vmem>>) semaphore(%run_scoped3A : memref<!tpu.dma_semaphore, #tpu.memory_space<semaphore_mem>>) {add = true}
        %dma_wait3A_137 = arith.constant 0 : i32
        %dma_wait3A_138 = tpu.memref_slice %arg8[%dma_wait3A_137] : memref<10240xf32, #tpu.memory_space<vmem_shared>> -> memref<10240xf32, #tpu.memory_space<vmem_shared>>
        tpu.wait_indirect_dma semaphore(%run_scoped3A : memref<!tpu.dma_semaphore, #tpu.memory_space<semaphore_mem>>) src(%arg6 : memref<128xf32, #tpu.memory_space<vmem>>) dst(%dma_wait3A_138 : memref<10240xf32, #tpu.memory_space<vmem_shared>>)
        tpu.yield
      }) : () -> ()
    } else {
    }
    %barrier3A_118 = arith.constant 0 : index
    tpu.barrier barrier_id(%barrier3A_118)
    %scan3A_119 = arith.constant 0 : i32
    %scan3A_120 = arith.constant 5 : i32
    %scan3A_121 = arith.addi %scan3A_119, %scan3A_120 : i32
    %scan3A_122 = arith.constant 1 : i32
    scf.for %scan3A_124 = %scan3A_119 to %scan3A_121 step %scan3A_122  : i32 {
      %mul3A_125 = arith.constant 1 : i32
      %mul3A_126 = arith.muli %scan3A_124, %mul3A_125 : i32
      %add3A_127 = arith.constant 0 : i32
      %add3A_128 = arith.addi %add3A_127, %mul3A_126 : i32
      %mul3A_129 = arith.constant 16 : i32
      %mul3A_130 = arith.muli %add3A_128, %mul3A_129 : i32
      %add3A_131 = arith.addi %arg1, %mul3A_130 : i32
      %mul3A_132 = arith.constant 128 : i32
      %mul3A_133 = arith.muli %add3A_131, %mul3A_132 : i32
      %run_scoped3A = arith.constant 0 : i32
      "tpu.region"() ({
        %run_scoped3A_134 = tpu.sem_alloc : memref<!tpu.dma_semaphore, #tpu.memory_space<semaphore_mem>>
        %dma_start3A_135 = tpu.memref_slice %arg3[%arg0, %run_scoped3A, %mul3A_133] : memref<2x1x10240xf32, #tpu.memory_space<hbm>> -> memref<1x1x128xf32, #tpu.memory_space<hbm>>
        %dma_start3A_136 = tpu.memref_squeeze %dma_start3A_135 : memref<1x1x128xf32, #tpu.memory_space<hbm>> -> memref<128xf32, #tpu.memory_space<hbm>>
        %dma_start3A_137 = tpu.memref_slice %arg8[%mul3A_133] : memref<10240xf32, #tpu.memory_space<vmem_shared>> -> memref<128xf32, #tpu.memory_space<vmem_shared>>
        tpu.enqueue_dma source(%dma_start3A_137 : memref<128xf32, #tpu.memory_space<vmem_shared>>) target(%dma_start3A_136 : memref<128xf32, #tpu.memory_space<hbm>>) target_semaphore(%run_scoped3A_134 : memref<!tpu.dma_semaphore, #tpu.memory_space<semaphore_mem>>)
        %dma_wait3A = tpu.memref_slice %arg3[%arg0, %run_scoped3A, %mul3A_133] : memref<2x1x10240xf32, #tpu.memory_space<hbm>> -> memref<1x1x128xf32, #tpu.memory_space<hbm>>
        %dma_wait3A_138 = tpu.memref_squeeze %dma_wait3A : memref<1x1x128xf32, #tpu.memory_space<hbm>> -> memref<128xf32, #tpu.memory_space<hbm>>
        %dma_wait3A_139 = tpu.memref_slice %arg8[%mul3A_133] : memref<10240xf32, #tpu.memory_space<vmem_shared>> -> memref<128xf32, #tpu.memory_space<vmem_shared>>
        tpu.wait_dma2 semaphore(%run_scoped3A_134 : memref<!tpu.dma_semaphore, #tpu.memory_space<semaphore_mem>>) src(%dma_wait3A_139 : memref<128xf32, #tpu.memory_space<vmem_shared>>) dst(%dma_wait3A_138 : memref<128xf32, #tpu.memory_space<hbm>>)
        tpu.yield
      }) : () -> ()
    }
    %scan3A_123 = arith.constant 5 : i32
    return
  }
}

#map = affine_map<(d0, d1) -> (0, 0)>
#map1 = affine_map<(d0, d1) -> (0, 0, 0)>
module attributes {stable_mosaic.version = 14 : i64} {
  func.func @_aggregate_kernel(%arg0: i32, %arg1: i32, %arg2: memref<10000x128xf32, #tpu.memory_space<hbm>>, %arg3: memref<2500x2x128xi32, #tpu.memory_space<hbm>>, %arg4: memref<2x10000x128xf32, #tpu.memory_space<hbm>>, %arg5: memref<2x128xi32, #tpu.memory_space<vmem>>, %arg6: memref<2x128xi32, #tpu.memory_space<vmem>>, %arg7: memref<2x128xi32, #tpu.memory_space<vmem>>, %arg8: memref<128x128xf32, #tpu.memory_space<vmem>>, %arg9: memref<128x128xf32, #tpu.memory_space<vmem>>, %arg10: memref<128x128xf32, #tpu.memory_space<vmem>>, %arg11: memref<10000x128xf32, #tpu.memory_space<vmem_shared>>, %arg12: memref<!tpu.dma_semaphore, #tpu.memory_space<semaphore_mem>>, %arg13: memref<!tpu.dma_semaphore, #tpu.memory_space<semaphore_mem>>, %arg14: memref<!tpu.dma_semaphore, #tpu.memory_space<semaphore_mem>>, %arg15: memref<!tpu.dma_semaphore, #tpu.memory_space<semaphore_mem>>, %arg16: memref<!tpu.dma_semaphore, #tpu.memory_space<semaphore_mem>>, %arg17: memref<!tpu.dma_semaphore, #tpu.memory_space<semaphore_mem>>, %arg18: memref<!tpu.dma_semaphore, #tpu.memory_space<semaphore_mem>>) attributes {dimension_semantics = [#tpu.dimension_semantics<core_parallel>, #tpu.dimension_semantics<subcore_parallel>], iteration_bounds = array<i64: 2, 16>, scalar_prefetch = 0 : i64, scratch_operands = 14 : i64, tpu.core_type = #tpu.core_type<sc_vector_subcore>, window_params = [{transform_indices = #map}, {transform_indices = #map1}, {transform_indices = #map1}]} {
    %scan3A = arith.constant 0 : i32
    %scan3A_0 = arith.constant 128 : i32
    %scan3A_1 = arith.addi %scan3A, %scan3A_0 : i32
    %scan3A_2 = arith.constant 1 : i32
    scf.for %scan3A_64 = %scan3A to %scan3A_1 step %scan3A_2  : i32 {
      %mul3A_65 = arith.constant 1 : i32
      %mul3A_66 = arith.muli %scan3A_64, %mul3A_65 : i32
      %add3A_67 = arith.constant 0 : i32
      %add3A_68 = arith.addi %add3A_67, %mul3A_66 : i32
      %broadcast_in_dim3A = arith.constant 0.000000e+00 : f32
      %broadcast_in_dim3A_69 = vector.broadcast %broadcast_in_dim3A : f32 to vector<16xf32>
      %swap3A = arith.index_cast %add3A_68 : i32 to index
      %swap3A_70 = arith.constant 0 : index
      %swap3A_71 = tpu.vector_load %arg8[%swap3A, %swap3A_70] {strides = array<i32>} : memref<128x128xf32, #tpu.memory_space<vmem>>, vector<1x16xf32>,
      %swap3A_72 = vector.shape_cast %swap3A_71 : vector<1x16xf32> to vector<16xf32>
      %swap3A_73 = vector.shape_cast %broadcast_in_dim3A_69 : vector<16xf32> to vector<1x16xf32>
      tpu.vector_store %arg8[%swap3A, %swap3A_70], %swap3A_73 {strides = array<i32>} : memref<128x128xf32, #tpu.memory_space<vmem>>, vector<1x16xf32>,
      %broadcast_in_dim3A_74 = arith.constant 0.000000e+00 : f32
      %broadcast_in_dim3A_75 = vector.broadcast %broadcast_in_dim3A_74 : f32 to vector<16xf32>
      %swap3A_76 = arith.index_cast %add3A_68 : i32 to index
      %swap3A_77 = arith.constant 16 : index
      %swap3A_78 = tpu.vector_load %arg8[%swap3A_76, %swap3A_77] {strides = array<i32>} : memref<128x128xf32, #tpu.memory_space<vmem>>, vector<1x16xf32>,
      %swap3A_79 = vector.shape_cast %swap3A_78 : vector<1x16xf32> to vector<16xf32>
      %swap3A_80 = vector.shape_cast %broadcast_in_dim3A_75 : vector<16xf32> to vector<1x16xf32>
      tpu.vector_store %arg8[%swap3A_76, %swap3A_77], %swap3A_80 {strides = array<i32>} : memref<128x128xf32, #tpu.memory_space<vmem>>, vector<1x16xf32>,
      %broadcast_in_dim3A_81 = arith.constant 0.000000e+00 : f32
      %broadcast_in_dim3A_82 = vector.broadcast %broadcast_in_dim3A_81 : f32 to vector<16xf32>
      %swap3A_83 = arith.index_cast %add3A_68 : i32 to index
      %swap3A_84 = arith.constant 32 : index
      %swap3A_85 = tpu.vector_load %arg8[%swap3A_83, %swap3A_84] {strides = array<i32>} : memref<128x128xf32, #tpu.memory_space<vmem>>, vector<1x16xf32>,
      %swap3A_86 = vector.shape_cast %swap3A_85 : vector<1x16xf32> to vector<16xf32>
      %swap3A_87 = vector.shape_cast %broadcast_in_dim3A_82 : vector<16xf32> to vector<1x16xf32>
      tpu.vector_store %arg8[%swap3A_83, %swap3A_84], %swap3A_87 {strides = array<i32>} : memref<128x128xf32, #tpu.memory_space<vmem>>, vector<1x16xf32>,
      %broadcast_in_dim3A_88 = arith.constant 0.000000e+00 : f32
      %broadcast_in_dim3A_89 = vector.broadcast %broadcast_in_dim3A_88 : f32 to vector<16xf32>
      %swap3A_90 = arith.index_cast %add3A_68 : i32 to index
      %swap3A_91 = arith.constant 48 : index
      %swap3A_92 = tpu.vector_load %arg8[%swap3A_90, %swap3A_91] {strides = array<i32>} : memref<128x128xf32, #tpu.memory_space<vmem>>, vector<1x16xf32>,
      %swap3A_93 = vector.shape_cast %swap3A_92 : vector<1x16xf32> to vector<16xf32>
      %swap3A_94 = vector.shape_cast %broadcast_in_dim3A_89 : vector<16xf32> to vector<1x16xf32>
      tpu.vector_store %arg8[%swap3A_90, %swap3A_91], %swap3A_94 {strides = array<i32>} : memref<128x128xf32, #tpu.memory_space<vmem>>, vector<1x16xf32>,
      %broadcast_in_dim3A_95 = arith.constant 0.000000e+00 : f32
      %broadcast_in_dim3A_96 = vector.broadcast %broadcast_in_dim3A_95 : f32 to vector<16xf32>
      %swap3A_97 = arith.index_cast %add3A_68 : i32 to index
      %swap3A_98 = arith.constant 64 : index
      %swap3A_99 = tpu.vector_load %arg8[%swap3A_97, %swap3A_98] {strides = array<i32>} : memref<128x128xf32, #tpu.memory_space<vmem>>, vector<1x16xf32>,
      %swap3A_100 = vector.shape_cast %swap3A_99 : vector<1x16xf32> to vector<16xf32>
      %swap3A_101 = vector.shape_cast %broadcast_in_dim3A_96 : vector<16xf32> to vector<1x16xf32>
      tpu.vector_store %arg8[%swap3A_97, %swap3A_98], %swap3A_101 {strides = array<i32>} : memref<128x128xf32, #tpu.memory_space<vmem>>, vector<1x16xf32>,
      %broadcast_in_dim3A_102 = arith.constant 0.000000e+00 : f32
      %broadcast_in_dim3A_103 = vector.broadcast %broadcast_in_dim3A_102 : f32 to vector<16xf32>
      %swap3A_104 = arith.index_cast %add3A_68 : i32 to index
      %swap3A_105 = arith.constant 80 : index
      %swap3A_106 = tpu.vector_load %arg8[%swap3A_104, %swap3A_105] {strides = array<i32>} : memref<128x128xf32, #tpu.memory_space<vmem>>, vector<1x16xf32>,
      %swap3A_107 = vector.shape_cast %swap3A_106 : vector<1x16xf32> to vector<16xf32>
      %swap3A_108 = vector.shape_cast %broadcast_in_dim3A_103 : vector<16xf32> to vector<1x16xf32>
      tpu.vector_store %arg8[%swap3A_104, %swap3A_105], %swap3A_108 {strides = array<i32>} : memref<128x128xf32, #tpu.memory_space<vmem>>, vector<1x16xf32>,
      %broadcast_in_dim3A_109 = arith.constant 0.000000e+00 : f32
      %broadcast_in_dim3A_110 = vector.broadcast %broadcast_in_dim3A_109 : f32 to vector<16xf32>
      %swap3A_111 = arith.index_cast %add3A_68 : i32 to index
      %swap3A_112 = arith.constant 96 : index
      %swap3A_113 = tpu.vector_load %arg8[%swap3A_111, %swap3A_112] {strides = array<i32>} : memref<128x128xf32, #tpu.memory_space<vmem>>, vector<1x16xf32>,
      %swap3A_114 = vector.shape_cast %swap3A_113 : vector<1x16xf32> to vector<16xf32>
      %swap3A_115 = vector.shape_cast %broadcast_in_dim3A_110 : vector<16xf32> to vector<1x16xf32>
      tpu.vector_store %arg8[%swap3A_111, %swap3A_112], %swap3A_115 {strides = array<i32>} : memref<128x128xf32, #tpu.memory_space<vmem>>, vector<1x16xf32>,
      %broadcast_in_dim3A_116 = arith.constant 0.000000e+00 : f32
      %broadcast_in_dim3A_117 = vector.broadcast %broadcast_in_dim3A_116 : f32 to vector<16xf32>
      %swap3A_118 = arith.index_cast %add3A_68 : i32 to index
      %swap3A_119 = arith.constant 112 : index
      %swap3A_120 = tpu.vector_load %arg8[%swap3A_118, %swap3A_119] {strides = array<i32>} : memref<128x128xf32, #tpu.memory_space<vmem>>, vector<1x16xf32>,
      %swap3A_121 = vector.shape_cast %swap3A_120 : vector<1x16xf32> to vector<16xf32>
      %swap3A_122 = vector.shape_cast %broadcast_in_dim3A_117 : vector<16xf32> to vector<1x16xf32>
      tpu.vector_store %arg8[%swap3A_118, %swap3A_119], %swap3A_122 {strides = array<i32>} : memref<128x128xf32, #tpu.memory_space<vmem>>, vector<1x16xf32>,
    }
    %scan3A_3 = arith.constant 128 : i32
    %scan3A_4 = arith.constant 0 : i32
    %scan3A_5 = arith.constant 8 : i32
    %scan3A_6 = arith.addi %scan3A_4, %scan3A_5 : i32
    %scan3A_7 = arith.constant 1 : i32
    scf.for %scan3A_64 = %scan3A_4 to %scan3A_6 step %scan3A_7  : i32 {
      %mul3A_65 = arith.constant 1 : i32
      %mul3A_66 = arith.muli %scan3A_64, %mul3A_65 : i32
      %add3A_67 = arith.constant 0 : i32
      %add3A_68 = arith.addi %add3A_67, %mul3A_66 : i32
      %mul3A_69 = arith.constant 16 : i32
      %mul3A_70 = arith.muli %add3A_68, %mul3A_69 : i32
      %add3A_71 = arith.addi %arg1, %mul3A_70 : i32
      %lt3A_72 = arith.constant 125 : i32
      %lt3A_73 = arith.cmpi slt, %add3A_71, %lt3A_72 : i32
      %convert_element_type3A_74 = arith.extui %lt3A_73 : i1 to i32
      %cond3A_75 = arith.constant 0 : i32
      %cond3A_76 = arith.cmpi ne, %convert_element_type3A_74, %cond3A_75 : i32
      scf.if %cond3A_76 {
        %mul3A_77 = arith.constant 80 : i32
        %mul3A_78 = arith.muli %add3A_71, %mul3A_77 : i32
        %dma_start3A_79 = arith.constant 0 : i32
        %dma_start3A_80 = arith.constant 0 : i32
        %dma_start3A_81 = tpu.memref_slice %arg8[%dma_start3A_79, %dma_start3A_80] : memref<128x128xf32, #tpu.memory_space<vmem>> -> memref<80x128xf32, #tpu.memory_space<vmem>>
        %dma_start3A_82 = arith.constant 0 : i32
        %dma_start3A_83 = tpu.memref_slice %arg11[%mul3A_78, %dma_start3A_82] : memref<10000x128xf32, #tpu.memory_space<vmem_shared>> -> memref<80x128xf32, #tpu.memory_space<vmem_shared>>
        %dma_start3A_84 = arith.constant 0 : i32
        %dma_start3A_85 = tpu.memref_slice %arg11[%mul3A_78, %dma_start3A_84] : memref<10000x128xf32, #tpu.memory_space<vmem_shared>> -> memref<80x128xf32, #tpu.memory_space<vmem_shared>>
        %dma_start3A_86 = arith.constant 0 : i32
        %dma_start3A_87 = arith.constant 0 : i32
        %dma_start3A_88 = tpu.memref_slice %arg8[%dma_start3A_86, %dma_start3A_87] : memref<128x128xf32, #tpu.memory_space<vmem>> -> memref<80x128xf32, #tpu.memory_space<vmem>>
        tpu.enqueue_dma source(%dma_start3A_88 : memref<80x128xf32, #tpu.memory_space<vmem>>) target(%dma_start3A_85 : memref<80x128xf32, #tpu.memory_space<vmem_shared>>) target_semaphore(%arg18 : memref<!tpu.dma_semaphore, #tpu.memory_space<semaphore_mem>>)
      } else {
      }
    }
    %scan3A_8 = arith.constant 8 : i32
    %scan3A_9 = arith.constant 0 : i32
    %scan3A_10 = arith.constant 8 : i32
    %scan3A_11 = arith.addi %scan3A_9, %scan3A_10 : i32
    %scan3A_12 = arith.constant 1 : i32
    scf.for %scan3A_64 = %scan3A_9 to %scan3A_11 step %scan3A_12  : i32 {
      %mul3A_65 = arith.constant 1 : i32
      %mul3A_66 = arith.muli %scan3A_64, %mul3A_65 : i32
      %add3A_67 = arith.constant 0 : i32
      %add3A_68 = arith.addi %add3A_67, %mul3A_66 : i32
      %mul3A_69 = arith.constant 16 : i32
      %mul3A_70 = arith.muli %add3A_68, %mul3A_69 : i32
      %add3A_71 = arith.addi %arg1, %mul3A_70 : i32
      %lt3A_72 = arith.constant 125 : i32
      %lt3A_73 = arith.cmpi slt, %add3A_71, %lt3A_72 : i32
      %convert_element_type3A_74 = arith.extui %lt3A_73 : i1 to i32
      %cond3A_75 = arith.constant 0 : i32
      %cond3A_76 = arith.cmpi ne, %convert_element_type3A_74, %cond3A_75 : i32
      scf.if %cond3A_76 {
        %mul3A_77 = arith.constant 80 : i32
        %mul3A_78 = arith.muli %add3A_71, %mul3A_77 : i32
        %dma_wait3A = arith.constant 0 : i32
        %dma_wait3A_79 = arith.constant 0 : i32
        %dma_wait3A_80 = tpu.memref_slice %arg8[%dma_wait3A, %dma_wait3A_79] : memref<128x128xf32, #tpu.memory_space<vmem>> -> memref<80x128xf32, #tpu.memory_space<vmem>>
        %dma_wait3A_81 = arith.constant 0 : i32
        %dma_wait3A_82 = tpu.memref_slice %arg11[%mul3A_78, %dma_wait3A_81] : memref<10000x128xf32, #tpu.memory_space<vmem_shared>> -> memref<80x128xf32, #tpu.memory_space<vmem_shared>>
        %dma_wait3A_83 = arith.constant 0 : i32
        %dma_wait3A_84 = tpu.memref_slice %arg11[%mul3A_78, %dma_wait3A_83] : memref<10000x128xf32, #tpu.memory_space<vmem_shared>> -> memref<80x128xf32, #tpu.memory_space<vmem_shared>>
        %dma_wait3A_85 = arith.constant 0 : i32
        %dma_wait3A_86 = arith.constant 0 : i32
        %dma_wait3A_87 = tpu.memref_slice %arg8[%dma_wait3A_85, %dma_wait3A_86] : memref<128x128xf32, #tpu.memory_space<vmem>> -> memref<80x128xf32, #tpu.memory_space<vmem>>
        tpu.wait_dma2 semaphore(%arg18 : memref<!tpu.dma_semaphore, #tpu.memory_space<semaphore_mem>>) src(%dma_wait3A_87 : memref<80x128xf32, #tpu.memory_space<vmem>>) dst(%dma_wait3A_84 : memref<80x128xf32, #tpu.memory_space<vmem_shared>>)
      } else {
      }
    }
    %scan3A_13 = arith.constant 8 : i32
    %barrier3A = arith.constant 0 : index
    tpu.barrier barrier_id(%barrier3A)
    %mul3A = arith.constant 1250 : i32
    %mul3A_14 = arith.muli %arg0, %mul3A : i32
    %mul3A_15 = arith.constant 78 : i32
    %mul3A_16 = arith.muli %arg1, %mul3A_15 : i32
    %add3A = arith.addi %mul3A_14, %mul3A_16 : i32
    %add3A_17 = arith.constant 0 : i32
    %add3A_18 = arith.addi %add3A, %add3A_17 : i32
    %dma_start3A = arith.constant 0 : i32
    %dma_start3A_19 = arith.constant 0 : i32
    %dma_start3A_20 = tpu.memref_slice %arg3[%add3A_18, %dma_start3A, %dma_start3A_19] : memref<2500x2x128xi32, #tpu.memory_space<hbm>> -> memref<1x2x128xi32, #tpu.memory_space<hbm>>
    %dma_start3A_21 = tpu.memref_squeeze %dma_start3A_20 : memref<1x2x128xi32, #tpu.memory_space<hbm>> -> memref<2x128xi32, #tpu.memory_space<hbm>>
    %dma_start3A_22 = arith.constant 0 : i32
    %dma_start3A_23 = arith.constant 0 : i32
    %dma_start3A_24 = tpu.memref_slice %arg3[%add3A_18, %dma_start3A_22, %dma_start3A_23] : memref<2500x2x128xi32, #tpu.memory_space<hbm>> -> memref<1x2x128xi32, #tpu.memory_space<hbm>>
    %dma_start3A_25 = tpu.memref_squeeze %dma_start3A_24 : memref<1x2x128xi32, #tpu.memory_space<hbm>> -> memref<2x128xi32, #tpu.memory_space<hbm>>
    tpu.enqueue_dma source(%dma_start3A_25 : memref<2x128xi32, #tpu.memory_space<hbm>>) target(%arg5 : memref<2x128xi32, #tpu.memory_space<vmem>>) target_semaphore(%arg12 : memref<!tpu.dma_semaphore, #tpu.memory_space<semaphore_mem>>)
    %add3A_26 = arith.constant 1 : i32
    %add3A_27 = arith.addi %add3A, %add3A_26 : i32
    %dma_start3A_28 = arith.constant 0 : i32
    %dma_start3A_29 = arith.constant 0 : i32
    %dma_start3A_30 = tpu.memref_slice %arg3[%add3A_27, %dma_start3A_28, %dma_start3A_29] : memref<2500x2x128xi32, #tpu.memory_space<hbm>> -> memref<1x2x128xi32, #tpu.memory_space<hbm>>
    %dma_start3A_31 = tpu.memref_squeeze %dma_start3A_30 : memref<1x2x128xi32, #tpu.memory_space<hbm>> -> memref<2x128xi32, #tpu.memory_space<hbm>>
    %dma_start3A_32 = arith.constant 0 : i32
    %dma_start3A_33 = arith.constant 0 : i32
    %dma_start3A_34 = tpu.memref_slice %arg3[%add3A_27, %dma_start3A_32, %dma_start3A_33] : memref<2500x2x128xi32, #tpu.memory_space<hbm>> -> memref<1x2x128xi32, #tpu.memory_space<hbm>>
    %dma_start3A_35 = tpu.memref_squeeze %dma_start3A_34 : memref<1x2x128xi32, #tpu.memory_space<hbm>> -> memref<2x128xi32, #tpu.memory_space<hbm>>
    tpu.enqueue_dma source(%dma_start3A_35 : memref<2x128xi32, #tpu.memory_space<hbm>>) target(%arg6 : memref<2x128xi32, #tpu.memory_space<vmem>>) target_semaphore(%arg13 : memref<!tpu.dma_semaphore, #tpu.memory_space<semaphore_mem>>)
    %add3A_36 = arith.constant 2 : i32
    %add3A_37 = arith.addi %add3A, %add3A_36 : i32
    %dma_start3A_38 = arith.constant 0 : i32
    %dma_start3A_39 = arith.constant 0 : i32
    %dma_start3A_40 = tpu.memref_slice %arg3[%add3A_37, %dma_start3A_38, %dma_start3A_39] : memref<2500x2x128xi32, #tpu.memory_space<hbm>> -> memref<1x2x128xi32, #tpu.memory_space<hbm>>
    %dma_start3A_41 = tpu.memref_squeeze %dma_start3A_40 : memref<1x2x128xi32, #tpu.memory_space<hbm>> -> memref<2x128xi32, #tpu.memory_space<hbm>>
    %dma_start3A_42 = arith.constant 0 : i32
    %dma_start3A_43 = arith.constant 0 : i32
    %dma_start3A_44 = tpu.memref_slice %arg3[%add3A_37, %dma_start3A_42, %dma_start3A_43] : memref<2500x2x128xi32, #tpu.memory_space<hbm>> -> memref<1x2x128xi32, #tpu.memory_space<hbm>>
    %dma_start3A_45 = tpu.memref_squeeze %dma_start3A_44 : memref<1x2x128xi32, #tpu.memory_space<hbm>> -> memref<2x128xi32, #tpu.memory_space<hbm>>
    tpu.enqueue_dma source(%dma_start3A_45 : memref<2x128xi32, #tpu.memory_space<hbm>>) target(%arg7 : memref<2x128xi32, #tpu.memory_space<vmem>>) target_semaphore(%arg14 : memref<!tpu.dma_semaphore, #tpu.memory_space<semaphore_mem>>)
    %scan3A_46 = arith.constant 0 : i32
    %scan3A_47 = arith.constant 26 : i32
    %scan3A_48 = arith.addi %scan3A_46, %scan3A_47 : i32
    %scan3A_49 = arith.constant 1 : i32
    scf.for %scan3A_64 = %scan3A_46 to %scan3A_48 step %scan3A_49  : i32 {
      %mul3A_65 = arith.constant 3 : i32
      %mul3A_66 = arith.muli %scan3A_64, %mul3A_65 : i32
      %add3A_67 = arith.constant 0 : i32
      %add3A_68 = arith.addi %add3A_67, %mul3A_66 : i32
      %add3A_69 = arith.addi %add3A, %add3A_68 : i32
      %add3A_70 = arith.constant 0 : i32
      %add3A_71 = arith.addi %add3A_69, %add3A_70 : i32
      %dma_wait3A = arith.constant 0 : i32
      %dma_wait3A_72 = arith.constant 0 : i32
      %dma_wait3A_73 = tpu.memref_slice %arg3[%add3A_71, %dma_wait3A, %dma_wait3A_72] : memref<2500x2x128xi32, #tpu.memory_space<hbm>> -> memref<1x2x128xi32, #tpu.memory_space<hbm>>
      %dma_wait3A_74 = tpu.memref_squeeze %dma_wait3A_73 : memref<1x2x128xi32, #tpu.memory_space<hbm>> -> memref<2x128xi32, #tpu.memory_space<hbm>>
      %dma_wait3A_75 = arith.constant 0 : i32
      %dma_wait3A_76 = arith.constant 0 : i32
      %dma_wait3A_77 = tpu.memref_slice %arg3[%add3A_71, %dma_wait3A_75, %dma_wait3A_76] : memref<2500x2x128xi32, #tpu.memory_space<hbm>> -> memref<1x2x128xi32, #tpu.memory_space<hbm>>
      %dma_wait3A_78 = tpu.memref_squeeze %dma_wait3A_77 : memref<1x2x128xi32, #tpu.memory_space<hbm>> -> memref<2x128xi32, #tpu.memory_space<hbm>>
      tpu.wait_dma2 semaphore(%arg12 : memref<!tpu.dma_semaphore, #tpu.memory_space<semaphore_mem>>) src(%dma_wait3A_78 : memref<2x128xi32, #tpu.memory_space<hbm>>) dst(%arg5 : memref<2x128xi32, #tpu.memory_space<vmem>>)
      %dma_start3A_79 = arith.constant 0 : i32
      %dma_start3A_80 = arith.constant 0 : i32
      %dma_start3A_81 = tpu.memref_slice %arg5[%dma_start3A_79, %dma_start3A_80] : memref<2x128xi32, #tpu.memory_space<vmem>> -> memref<1x128xi32, #tpu.memory_space<vmem>>
      %dma_start3A_82 = tpu.memref_squeeze %dma_start3A_81 : memref<1x128xi32, #tpu.memory_space<vmem>> -> memref<128xi32, #tpu.memory_space<vmem>>
      %dma_start3A_83 = arith.constant 0 : i32
      %dma_start3A_84 = arith.constant 0 : i32
      %dma_start3A_85 = tpu.memref_slice %arg2[%dma_start3A_83, %dma_start3A_84] : memref<10000x128xf32, #tpu.memory_space<hbm>> -> memref<10000x128xf32, #tpu.memory_space<hbm>>
      tpu.enqueue_indirect_dma source(%dma_start3A_85 : memref<10000x128xf32, #tpu.memory_space<hbm>>) target(%arg8 : memref<128x128xf32, #tpu.memory_space<vmem>>) offsets(%dma_start3A_82 : memref<128xi32, #tpu.memory_space<vmem>>) semaphore(%arg15 : memref<!tpu.dma_semaphore, #tpu.memory_space<semaphore_mem>>)
      %add3A_86 = arith.constant 1 : i32
      %add3A_87 = arith.addi %add3A_69, %add3A_86 : i32
      %dma_wait3A_88 = arith.constant 0 : i32
      %dma_wait3A_89 = arith.constant 0 : i32
      %dma_wait3A_90 = tpu.memref_slice %arg3[%add3A_87, %dma_wait3A_88, %dma_wait3A_89] : memref<2500x2x128xi32, #tpu.memory_space<hbm>> -> memref<1x2x128xi32, #tpu.memory_space<hbm>>
      %dma_wait3A_91 = tpu.memref_squeeze %dma_wait3A_90 : memref<1x2x128xi32, #tpu.memory_space<hbm>> -> memref<2x128xi32, #tpu.memory_space<hbm>>
      %dma_wait3A_92 = arith.constant 0 : i32
      %dma_wait3A_93 = arith.constant 0 : i32
      %dma_wait3A_94 = tpu.memref_slice %arg3[%add3A_87, %dma_wait3A_92, %dma_wait3A_93] : memref<2500x2x128xi32, #tpu.memory_space<hbm>> -> memref<1x2x128xi32, #tpu.memory_space<hbm>>
      %dma_wait3A_95 = tpu.memref_squeeze %dma_wait3A_94 : memref<1x2x128xi32, #tpu.memory_space<hbm>> -> memref<2x128xi32, #tpu.memory_space<hbm>>
      tpu.wait_dma2 semaphore(%arg13 : memref<!tpu.dma_semaphore, #tpu.memory_space<semaphore_mem>>) src(%dma_wait3A_95 : memref<2x128xi32, #tpu.memory_space<hbm>>) dst(%arg6 : memref<2x128xi32, #tpu.memory_space<vmem>>)
      %dma_start3A_96 = arith.constant 0 : i32
      %dma_start3A_97 = arith.constant 0 : i32
      %dma_start3A_98 = tpu.memref_slice %arg6[%dma_start3A_96, %dma_start3A_97] : memref<2x128xi32, #tpu.memory_space<vmem>> -> memref<1x128xi32, #tpu.memory_space<vmem>>
      %dma_start3A_99 = tpu.memref_squeeze %dma_start3A_98 : memref<1x128xi32, #tpu.memory_space<vmem>> -> memref<128xi32, #tpu.memory_space<vmem>>
      %dma_start3A_100 = arith.constant 0 : i32
      %dma_start3A_101 = arith.constant 0 : i32
      %dma_start3A_102 = tpu.memref_slice %arg2[%dma_start3A_100, %dma_start3A_101] : memref<10000x128xf32, #tpu.memory_space<hbm>> -> memref<10000x128xf32, #tpu.memory_space<hbm>>
      tpu.enqueue_indirect_dma source(%dma_start3A_102 : memref<10000x128xf32, #tpu.memory_space<hbm>>) target(%arg9 : memref<128x128xf32, #tpu.memory_space<vmem>>) offsets(%dma_start3A_99 : memref<128xi32, #tpu.memory_space<vmem>>) semaphore(%arg16 : memref<!tpu.dma_semaphore, #tpu.memory_space<semaphore_mem>>)
      %add3A_103 = arith.constant 2 : i32
      %add3A_104 = arith.addi %add3A_69, %add3A_103 : i32
      %dma_wait3A_105 = arith.constant 0 : i32
      %dma_wait3A_106 = arith.constant 0 : i32
      %dma_wait3A_107 = tpu.memref_slice %arg3[%add3A_104, %dma_wait3A_105, %dma_wait3A_106] : memref<2500x2x128xi32, #tpu.memory_space<hbm>> -> memref<1x2x128xi32, #tpu.memory_space<hbm>>
      %dma_wait3A_108 = tpu.memref_squeeze %dma_wait3A_107 : memref<1x2x128xi32, #tpu.memory_space<hbm>> -> memref<2x128xi32, #tpu.memory_space<hbm>>
      %dma_wait3A_109 = arith.constant 0 : i32
      %dma_wait3A_110 = arith.constant 0 : i32
      %dma_wait3A_111 = tpu.memref_slice %arg3[%add3A_104, %dma_wait3A_109, %dma_wait3A_110] : memref<2500x2x128xi32, #tpu.memory_space<hbm>> -> memref<1x2x128xi32, #tpu.memory_space<hbm>>
      %dma_wait3A_112 = tpu.memref_squeeze %dma_wait3A_111 : memref<1x2x128xi32, #tpu.memory_space<hbm>> -> memref<2x128xi32, #tpu.memory_space<hbm>>
      tpu.wait_dma2 semaphore(%arg14 : memref<!tpu.dma_semaphore, #tpu.memory_space<semaphore_mem>>) src(%dma_wait3A_112 : memref<2x128xi32, #tpu.memory_space<hbm>>) dst(%arg7 : memref<2x128xi32, #tpu.memory_space<vmem>>)
      %dma_start3A_113 = arith.constant 0 : i32
      %dma_start3A_114 = arith.constant 0 : i32
      %dma_start3A_115 = tpu.memref_slice %arg7[%dma_start3A_113, %dma_start3A_114] : memref<2x128xi32, #tpu.memory_space<vmem>> -> memref<1x128xi32, #tpu.memory_space<vmem>>
      %dma_start3A_116 = tpu.memref_squeeze %dma_start3A_115 : memref<1x128xi32, #tpu.memory_space<vmem>> -> memref<128xi32, #tpu.memory_space<vmem>>
      %dma_start3A_117 = arith.constant 0 : i32
      %dma_start3A_118 = arith.constant 0 : i32
      %dma_start3A_119 = tpu.memref_slice %arg2[%dma_start3A_117, %dma_start3A_118] : memref<10000x128xf32, #tpu.memory_space<hbm>> -> memref<10000x128xf32, #tpu.memory_space<hbm>>
      tpu.enqueue_indirect_dma source(%dma_start3A_119 : memref<10000x128xf32, #tpu.memory_space<hbm>>) target(%arg10 : memref<128x128xf32, #tpu.memory_space<vmem>>) offsets(%dma_start3A_116 : memref<128xi32, #tpu.memory_space<vmem>>) semaphore(%arg17 : memref<!tpu.dma_semaphore, #tpu.memory_space<semaphore_mem>>)
      %dma_wait3A_120 = arith.constant 0 : i32
      %dma_wait3A_121 = arith.constant 0 : i32
      %dma_wait3A_122 = tpu.memref_slice %arg5[%dma_wait3A_120, %dma_wait3A_121] : memref<2x128xi32, #tpu.memory_space<vmem>> -> memref<1x128xi32, #tpu.memory_space<vmem>>
      %dma_wait3A_123 = tpu.memref_squeeze %dma_wait3A_122 : memref<1x128xi32, #tpu.memory_space<vmem>> -> memref<128xi32, #tpu.memory_space<vmem>>
      %dma_wait3A_124 = arith.constant 0 : i32
      %dma_wait3A_125 = arith.constant 0 : i32
      %dma_wait3A_126 = tpu.memref_slice %arg2[%dma_wait3A_124, %dma_wait3A_125] : memref<10000x128xf32, #tpu.memory_space<hbm>> -> memref<10000x128xf32, #tpu.memory_space<hbm>>
      tpu.wait_indirect_dma semaphore(%arg15 : memref<!tpu.dma_semaphore, #tpu.memory_space<semaphore_mem>>) src(%dma_wait3A_126 : memref<10000x128xf32, #tpu.memory_space<hbm>>) dst(%arg8 : memref<128x128xf32, #tpu.memory_space<vmem>>)
      %run_scoped3A = arith.constant 1 : i32
      "tpu.region"() ({
        %run_scoped3A_170 = tpu.sem_alloc : memref<!tpu.dma_semaphore, #tpu.memory_space<semaphore_mem>>
        %dma_start3A_171 = arith.constant 0 : i32
        %dma_start3A_172 = tpu.memref_slice %arg5[%run_scoped3A, %dma_start3A_171] : memref<2x128xi32, #tpu.memory_space<vmem>> -> memref<1x128xi32, #tpu.memory_space<vmem>>
        %dma_start3A_173 = tpu.memref_squeeze %dma_start3A_172 : memref<1x128xi32, #tpu.memory_space<vmem>> -> memref<128xi32, #tpu.memory_space<vmem>>
        %dma_start3A_174 = arith.constant 0 : i32
        %dma_start3A_175 = arith.constant 0 : i32
        %dma_start3A_176 = tpu.memref_slice %arg11[%dma_start3A_174, %dma_start3A_175] : memref<10000x128xf32, #tpu.memory_space<vmem_shared>> -> memref<10000x128xf32, #tpu.memory_space<vmem_shared>>
        tpu.enqueue_indirect_dma source(%arg8 : memref<128x128xf32, #tpu.memory_space<vmem>>) target(%dma_start3A_176 : memref<10000x128xf32, #tpu.memory_space<vmem_shared>>) offsets(%dma_start3A_173 : memref<128xi32, #tpu.memory_space<vmem>>) semaphore(%run_scoped3A_170 : memref<!tpu.dma_semaphore, #tpu.memory_space<semaphore_mem>>) {add = true}
        %dma_wait3A_177 = arith.constant 0 : i32
        %dma_wait3A_178 = tpu.memref_slice %arg5[%run_scoped3A, %dma_wait3A_177] : memref<2x128xi32, #tpu.memory_space<vmem>> -> memref<1x128xi32, #tpu.memory_space<vmem>>
        %dma_wait3A_179 = tpu.memref_squeeze %dma_wait3A_178 : memref<1x128xi32, #tpu.memory_space<vmem>> -> memref<128xi32, #tpu.memory_space<vmem>>
        %dma_wait3A_180 = arith.constant 0 : i32
        %dma_wait3A_181 = arith.constant 0 : i32
        %dma_wait3A_182 = tpu.memref_slice %arg11[%dma_wait3A_180, %dma_wait3A_181] : memref<10000x128xf32, #tpu.memory_space<vmem_shared>> -> memref<10000x128xf32, #tpu.memory_space<vmem_shared>>
        tpu.wait_indirect_dma semaphore(%run_scoped3A_170 : memref<!tpu.dma_semaphore, #tpu.memory_space<semaphore_mem>>) src(%arg8 : memref<128x128xf32, #tpu.memory_space<vmem>>) dst(%dma_wait3A_182 : memref<10000x128xf32, #tpu.memory_space<vmem_shared>>)
        tpu.yield
      }) : () -> ()
      %add3A_127 = arith.constant 3 : i32
      %add3A_128 = arith.addi %add3A_68, %add3A_127 : i32
      %add3A_129 = arith.constant 0 : i32
      %add3A_130 = arith.addi %add3A_128, %add3A_129 : i32
      %lt3A_131 = arith.constant 78 : i32
      %lt3A_132 = arith.cmpi slt, %add3A_130, %lt3A_131 : i32
      %convert_element_type3A_133 = arith.extui %lt3A_132 : i1 to i32
      %cond3A_134 = arith.constant 0 : i32
      %cond3A_135 = arith.cmpi ne, %convert_element_type3A_133, %cond3A_134 : i32
      scf.if %cond3A_135 {
        %add3A_170 = arith.constant 3 : i32
        %add3A_171 = arith.addi %add3A_69, %add3A_170 : i32
        %add3A_172 = arith.constant 0 : i32
        %add3A_173 = arith.addi %add3A_171, %add3A_172 : i32
        %dma_start3A_174 = arith.constant 0 : i32
        %dma_start3A_175 = arith.constant 0 : i32
        %dma_start3A_176 = tpu.memref_slice %arg3[%add3A_173, %dma_start3A_174, %dma_start3A_175] : memref<2500x2x128xi32, #tpu.memory_space<hbm>> -> memref<1x2x128xi32, #tpu.memory_space<hbm>>
        %dma_start3A_177 = tpu.memref_squeeze %dma_start3A_176 : memref<1x2x128xi32, #tpu.memory_space<hbm>> -> memref<2x128xi32, #tpu.memory_space<hbm>>
        %dma_start3A_178 = arith.constant 0 : i32
        %dma_start3A_179 = arith.constant 0 : i32
        %dma_start3A_180 = tpu.memref_slice %arg3[%add3A_173, %dma_start3A_178, %dma_start3A_179] : memref<2500x2x128xi32, #tpu.memory_space<hbm>> -> memref<1x2x128xi32, #tpu.memory_space<hbm>>
        %dma_start3A_181 = tpu.memref_squeeze %dma_start3A_180 : memref<1x2x128xi32, #tpu.memory_space<hbm>> -> memref<2x128xi32, #tpu.memory_space<hbm>>
        tpu.enqueue_dma source(%dma_start3A_181 : memref<2x128xi32, #tpu.memory_space<hbm>>) target(%arg5 : memref<2x128xi32, #tpu.memory_space<vmem>>) target_semaphore(%arg12 : memref<!tpu.dma_semaphore, #tpu.memory_space<semaphore_mem>>)
      } else {
      }
      %dma_wait3A_136 = arith.constant 0 : i32
      %dma_wait3A_137 = arith.constant 0 : i32
      %dma_wait3A_138 = tpu.memref_slice %arg6[%dma_wait3A_136, %dma_wait3A_137] : memref<2x128xi32, #tpu.memory_space<vmem>> -> memref<1x128xi32, #tpu.memory_space<vmem>>
      %dma_wait3A_139 = tpu.memref_squeeze %dma_wait3A_138 : memref<1x128xi32, #tpu.memory_space<vmem>> -> memref<128xi32, #tpu.memory_space<vmem>>
      %dma_wait3A_140 = arith.constant 0 : i32
      %dma_wait3A_141 = arith.constant 0 : i32
      %dma_wait3A_142 = tpu.memref_slice %arg2[%dma_wait3A_140, %dma_wait3A_141] : memref<10000x128xf32, #tpu.memory_space<hbm>> -> memref<10000x128xf32, #tpu.memory_space<hbm>>
      tpu.wait_indirect_dma semaphore(%arg16 : memref<!tpu.dma_semaphore, #tpu.memory_space<semaphore_mem>>) src(%dma_wait3A_142 : memref<10000x128xf32, #tpu.memory_space<hbm>>) dst(%arg9 : memref<128x128xf32, #tpu.memory_space<vmem>>)
      %run_scoped3A_143 = arith.constant 1 : i32
      "tpu.region"() ({
        %run_scoped3A_170 = tpu.sem_alloc : memref<!tpu.dma_semaphore, #tpu.memory_space<semaphore_mem>>
        %dma_start3A_171 = arith.constant 0 : i32
        %dma_start3A_172 = tpu.memref_slice %arg6[%run_scoped3A_143, %dma_start3A_171] : memref<2x128xi32, #tpu.memory_space<vmem>> -> memref<1x128xi32, #tpu.memory_space<vmem>>
        %dma_start3A_173 = tpu.memref_squeeze %dma_start3A_172 : memref<1x128xi32, #tpu.memory_space<vmem>> -> memref<128xi32, #tpu.memory_space<vmem>>
        %dma_start3A_174 = arith.constant 0 : i32
        %dma_start3A_175 = arith.constant 0 : i32
        %dma_start3A_176 = tpu.memref_slice %arg11[%dma_start3A_174, %dma_start3A_175] : memref<10000x128xf32, #tpu.memory_space<vmem_shared>> -> memref<10000x128xf32, #tpu.memory_space<vmem_shared>>
        tpu.enqueue_indirect_dma source(%arg9 : memref<128x128xf32, #tpu.memory_space<vmem>>) target(%dma_start3A_176 : memref<10000x128xf32, #tpu.memory_space<vmem_shared>>) offsets(%dma_start3A_173 : memref<128xi32, #tpu.memory_space<vmem>>) semaphore(%run_scoped3A_170 : memref<!tpu.dma_semaphore, #tpu.memory_space<semaphore_mem>>) {add = true}
        %dma_wait3A_177 = arith.constant 0 : i32
        %dma_wait3A_178 = tpu.memref_slice %arg6[%run_scoped3A_143, %dma_wait3A_177] : memref<2x128xi32, #tpu.memory_space<vmem>> -> memref<1x128xi32, #tpu.memory_space<vmem>>
        %dma_wait3A_179 = tpu.memref_squeeze %dma_wait3A_178 : memref<1x128xi32, #tpu.memory_space<vmem>> -> memref<128xi32, #tpu.memory_space<vmem>>
        %dma_wait3A_180 = arith.constant 0 : i32
        %dma_wait3A_181 = arith.constant 0 : i32
        %dma_wait3A_182 = tpu.memref_slice %arg11[%dma_wait3A_180, %dma_wait3A_181] : memref<10000x128xf32, #tpu.memory_space<vmem_shared>> -> memref<10000x128xf32, #tpu.memory_space<vmem_shared>>
        tpu.wait_indirect_dma semaphore(%run_scoped3A_170 : memref<!tpu.dma_semaphore, #tpu.memory_space<semaphore_mem>>) src(%arg9 : memref<128x128xf32, #tpu.memory_space<vmem>>) dst(%dma_wait3A_182 : memref<10000x128xf32, #tpu.memory_space<vmem_shared>>)
        tpu.yield
      }) : () -> ()
      %add3A_144 = arith.constant 3 : i32
      %add3A_145 = arith.addi %add3A_68, %add3A_144 : i32
      %add3A_146 = arith.constant 1 : i32
      %add3A_147 = arith.addi %add3A_145, %add3A_146 : i32
      %lt3A_148 = arith.constant 78 : i32
      %lt3A_149 = arith.cmpi slt, %add3A_147, %lt3A_148 : i32
      %convert_element_type3A_150 = arith.extui %lt3A_149 : i1 to i32
      %cond3A_151 = arith.constant 0 : i32
      %cond3A_152 = arith.cmpi ne, %convert_element_type3A_150, %cond3A_151 : i32
      scf.if %cond3A_152 {
        %add3A_170 = arith.constant 3 : i32
        %add3A_171 = arith.addi %add3A_69, %add3A_170 : i32
        %add3A_172 = arith.constant 1 : i32
        %add3A_173 = arith.addi %add3A_171, %add3A_172 : i32
        %dma_start3A_174 = arith.constant 0 : i32
        %dma_start3A_175 = arith.constant 0 : i32
        %dma_start3A_176 = tpu.memref_slice %arg3[%add3A_173, %dma_start3A_174, %dma_start3A_175] : memref<2500x2x128xi32, #tpu.memory_space<hbm>> -> memref<1x2x128xi32, #tpu.memory_space<hbm>>
        %dma_start3A_177 = tpu.memref_squeeze %dma_start3A_176 : memref<1x2x128xi32, #tpu.memory_space<hbm>> -> memref<2x128xi32, #tpu.memory_space<hbm>>
        %dma_start3A_178 = arith.constant 0 : i32
        %dma_start3A_179 = arith.constant 0 : i32
        %dma_start3A_180 = tpu.memref_slice %arg3[%add3A_173, %dma_start3A_178, %dma_start3A_179] : memref<2500x2x128xi32, #tpu.memory_space<hbm>> -> memref<1x2x128xi32, #tpu.memory_space<hbm>>
        %dma_start3A_181 = tpu.memref_squeeze %dma_start3A_180 : memref<1x2x128xi32, #tpu.memory_space<hbm>> -> memref<2x128xi32, #tpu.memory_space<hbm>>
        tpu.enqueue_dma source(%dma_start3A_181 : memref<2x128xi32, #tpu.memory_space<hbm>>) target(%arg6 : memref<2x128xi32, #tpu.memory_space<vmem>>) target_semaphore(%arg13 : memref<!tpu.dma_semaphore, #tpu.memory_space<semaphore_mem>>)
      } else {
      }
      %dma_wait3A_153 = arith.constant 0 : i32
      %dma_wait3A_154 = arith.constant 0 : i32
      %dma_wait3A_155 = tpu.memref_slice %arg7[%dma_wait3A_153, %dma_wait3A_154] : memref<2x128xi32, #tpu.memory_space<vmem>> -> memref<1x128xi32, #tpu.memory_space<vmem>>
      %dma_wait3A_156 = tpu.memref_squeeze %dma_wait3A_155 : memref<1x128xi32, #tpu.memory_space<vmem>> -> memref<128xi32, #tpu.memory_space<vmem>>
      %dma_wait3A_157 = arith.constant 0 : i32
      %dma_wait3A_158 = arith.constant 0 : i32
      %dma_wait3A_159 = tpu.memref_slice %arg2[%dma_wait3A_157, %dma_wait3A_158] : memref<10000x128xf32, #tpu.memory_space<hbm>> -> memref<10000x128xf32, #tpu.memory_space<hbm>>
      tpu.wait_indirect_dma semaphore(%arg17 : memref<!tpu.dma_semaphore, #tpu.memory_space<semaphore_mem>>) src(%dma_wait3A_159 : memref<10000x128xf32, #tpu.memory_space<hbm>>) dst(%arg10 : memref<128x128xf32, #tpu.memory_space<vmem>>)
      %run_scoped3A_160 = arith.constant 1 : i32
      "tpu.region"() ({
        %run_scoped3A_170 = tpu.sem_alloc : memref<!tpu.dma_semaphore, #tpu.memory_space<semaphore_mem>>
        %dma_start3A_171 = arith.constant 0 : i32
        %dma_start3A_172 = tpu.memref_slice %arg7[%run_scoped3A_160, %dma_start3A_171] : memref<2x128xi32, #tpu.memory_space<vmem>> -> memref<1x128xi32, #tpu.memory_space<vmem>>
        %dma_start3A_173 = tpu.memref_squeeze %dma_start3A_172 : memref<1x128xi32, #tpu.memory_space<vmem>> -> memref<128xi32, #tpu.memory_space<vmem>>
        %dma_start3A_174 = arith.constant 0 : i32
        %dma_start3A_175 = arith.constant 0 : i32
        %dma_start3A_176 = tpu.memref_slice %arg11[%dma_start3A_174, %dma_start3A_175] : memref<10000x128xf32, #tpu.memory_space<vmem_shared>> -> memref<10000x128xf32, #tpu.memory_space<vmem_shared>>
        tpu.enqueue_indirect_dma source(%arg10 : memref<128x128xf32, #tpu.memory_space<vmem>>) target(%dma_start3A_176 : memref<10000x128xf32, #tpu.memory_space<vmem_shared>>) offsets(%dma_start3A_173 : memref<128xi32, #tpu.memory_space<vmem>>) semaphore(%run_scoped3A_170 : memref<!tpu.dma_semaphore, #tpu.memory_space<semaphore_mem>>) {add = true}
        %dma_wait3A_177 = arith.constant 0 : i32
        %dma_wait3A_178 = tpu.memref_slice %arg7[%run_scoped3A_160, %dma_wait3A_177] : memref<2x128xi32, #tpu.memory_space<vmem>> -> memref<1x128xi32, #tpu.memory_space<vmem>>
        %dma_wait3A_179 = tpu.memref_squeeze %dma_wait3A_178 : memref<1x128xi32, #tpu.memory_space<vmem>> -> memref<128xi32, #tpu.memory_space<vmem>>
        %dma_wait3A_180 = arith.constant 0 : i32
        %dma_wait3A_181 = arith.constant 0 : i32
        %dma_wait3A_182 = tpu.memref_slice %arg11[%dma_wait3A_180, %dma_wait3A_181] : memref<10000x128xf32, #tpu.memory_space<vmem_shared>> -> memref<10000x128xf32, #tpu.memory_space<vmem_shared>>
        tpu.wait_indirect_dma semaphore(%run_scoped3A_170 : memref<!tpu.dma_semaphore, #tpu.memory_space<semaphore_mem>>) src(%arg10 : memref<128x128xf32, #tpu.memory_space<vmem>>) dst(%dma_wait3A_182 : memref<10000x128xf32, #tpu.memory_space<vmem_shared>>)
        tpu.yield
      }) : () -> ()
      %add3A_161 = arith.constant 3 : i32
      %add3A_162 = arith.addi %add3A_68, %add3A_161 : i32
      %add3A_163 = arith.constant 2 : i32
      %add3A_164 = arith.addi %add3A_162, %add3A_163 : i32
      %lt3A_165 = arith.constant 78 : i32
      %lt3A_166 = arith.cmpi slt, %add3A_164, %lt3A_165 : i32
      %convert_element_type3A_167 = arith.extui %lt3A_166 : i1 to i32
      %cond3A_168 = arith.constant 0 : i32
      %cond3A_169 = arith.cmpi ne, %convert_element_type3A_167, %cond3A_168 : i32
      scf.if %cond3A_169 {
        %add3A_170 = arith.constant 3 : i32
        %add3A_171 = arith.addi %add3A_69, %add3A_170 : i32
        %add3A_172 = arith.constant 2 : i32
        %add3A_173 = arith.addi %add3A_171, %add3A_172 : i32
        %dma_start3A_174 = arith.constant 0 : i32
        %dma_start3A_175 = arith.constant 0 : i32
        %dma_start3A_176 = tpu.memref_slice %arg3[%add3A_173, %dma_start3A_174, %dma_start3A_175] : memref<2500x2x128xi32, #tpu.memory_space<hbm>> -> memref<1x2x128xi32, #tpu.memory_space<hbm>>
        %dma_start3A_177 = tpu.memref_squeeze %dma_start3A_176 : memref<1x2x128xi32, #tpu.memory_space<hbm>> -> memref<2x128xi32, #tpu.memory_space<hbm>>
        %dma_start3A_178 = arith.constant 0 : i32
        %dma_start3A_179 = arith.constant 0 : i32
        %dma_start3A_180 = tpu.memref_slice %arg3[%add3A_173, %dma_start3A_178, %dma_start3A_179] : memref<2500x2x128xi32, #tpu.memory_space<hbm>> -> memref<1x2x128xi32, #tpu.memory_space<hbm>>
        %dma_start3A_181 = tpu.memref_squeeze %dma_start3A_180 : memref<1x2x128xi32, #tpu.memory_space<hbm>> -> memref<2x128xi32, #tpu.memory_space<hbm>>
        tpu.enqueue_dma source(%dma_start3A_181 : memref<2x128xi32, #tpu.memory_space<hbm>>) target(%arg7 : memref<2x128xi32, #tpu.memory_space<vmem>>) target_semaphore(%arg14 : memref<!tpu.dma_semaphore, #tpu.memory_space<semaphore_mem>>)
      } else {
      }
    }
    %scan3A_50 = arith.constant 26 : i32
    %lt3A = arith.constant 2 : i32
    %lt3A_51 = arith.cmpi slt, %arg1, %lt3A : i32
    %convert_element_type3A = arith.extui %lt3A_51 : i1 to i32
    %cond3A = arith.constant 0 : i32
    %cond3A_52 = arith.cmpi ne, %convert_element_type3A, %cond3A : i32
    scf.if %cond3A_52 {
      %add3A_64 = arith.constant 1248 : i32
      %add3A_65 = arith.addi %mul3A_14, %add3A_64 : i32
      %add3A_66 = arith.addi %add3A_65, %arg1 : i32
      %dma_start3A_67 = arith.constant 0 : i32
      %dma_start3A_68 = arith.constant 0 : i32
      %dma_start3A_69 = tpu.memref_slice %arg3[%add3A_66, %dma_start3A_67, %dma_start3A_68] : memref<2500x2x128xi32, #tpu.memory_space<hbm>> -> memref<1x2x128xi32, #tpu.memory_space<hbm>>
      %dma_start3A_70 = tpu.memref_squeeze %dma_start3A_69 : memref<1x2x128xi32, #tpu.memory_space<hbm>> -> memref<2x128xi32, #tpu.memory_space<hbm>>
      %dma_start3A_71 = arith.constant 0 : i32
      %dma_start3A_72 = arith.constant 0 : i32
      %dma_start3A_73 = tpu.memref_slice %arg3[%add3A_66, %dma_start3A_71, %dma_start3A_72] : memref<2500x2x128xi32, #tpu.memory_space<hbm>> -> memref<1x2x128xi32, #tpu.memory_space<hbm>>
      %dma_start3A_74 = tpu.memref_squeeze %dma_start3A_73 : memref<1x2x128xi32, #tpu.memory_space<hbm>> -> memref<2x128xi32, #tpu.memory_space<hbm>>
      tpu.enqueue_dma source(%dma_start3A_74 : memref<2x128xi32, #tpu.memory_space<hbm>>) target(%arg5 : memref<2x128xi32, #tpu.memory_space<vmem>>) target_semaphore(%arg12 : memref<!tpu.dma_semaphore, #tpu.memory_space<semaphore_mem>>)
      %dma_wait3A = arith.constant 0 : i32
      %dma_wait3A_75 = arith.constant 0 : i32
      %dma_wait3A_76 = tpu.memref_slice %arg3[%add3A_66, %dma_wait3A, %dma_wait3A_75] : memref<2500x2x128xi32, #tpu.memory_space<hbm>> -> memref<1x2x128xi32, #tpu.memory_space<hbm>>
      %dma_wait3A_77 = tpu.memref_squeeze %dma_wait3A_76 : memref<1x2x128xi32, #tpu.memory_space<hbm>> -> memref<2x128xi32, #tpu.memory_space<hbm>>
      %dma_wait3A_78 = arith.constant 0 : i32
      %dma_wait3A_79 = arith.constant 0 : i32
      %dma_wait3A_80 = tpu.memref_slice %arg3[%add3A_66, %dma_wait3A_78, %dma_wait3A_79] : memref<2500x2x128xi32, #tpu.memory_space<hbm>> -> memref<1x2x128xi32, #tpu.memory_space<hbm>>
      %dma_wait3A_81 = tpu.memref_squeeze %dma_wait3A_80 : memref<1x2x128xi32, #tpu.memory_space<hbm>> -> memref<2x128xi32, #tpu.memory_space<hbm>>
      tpu.wait_dma2 semaphore(%arg12 : memref<!tpu.dma_semaphore, #tpu.memory_space<semaphore_mem>>) src(%dma_wait3A_81 : memref<2x128xi32, #tpu.memory_space<hbm>>) dst(%arg5 : memref<2x128xi32, #tpu.memory_space<vmem>>)
      %dma_start3A_82 = arith.constant 0 : i32
      %dma_start3A_83 = arith.constant 0 : i32
      %dma_start3A_84 = tpu.memref_slice %arg5[%dma_start3A_82, %dma_start3A_83] : memref<2x128xi32, #tpu.memory_space<vmem>> -> memref<1x128xi32, #tpu.memory_space<vmem>>
      %dma_start3A_85 = tpu.memref_squeeze %dma_start3A_84 : memref<1x128xi32, #tpu.memory_space<vmem>> -> memref<128xi32, #tpu.memory_space<vmem>>
      %dma_start3A_86 = arith.constant 0 : i32
      %dma_start3A_87 = arith.constant 0 : i32
      %dma_start3A_88 = tpu.memref_slice %arg2[%dma_start3A_86, %dma_start3A_87] : memref<10000x128xf32, #tpu.memory_space<hbm>> -> memref<10000x128xf32, #tpu.memory_space<hbm>>
      tpu.enqueue_indirect_dma source(%dma_start3A_88 : memref<10000x128xf32, #tpu.memory_space<hbm>>) target(%arg8 : memref<128x128xf32, #tpu.memory_space<vmem>>) offsets(%dma_start3A_85 : memref<128xi32, #tpu.memory_space<vmem>>) semaphore(%arg15 : memref<!tpu.dma_semaphore, #tpu.memory_space<semaphore_mem>>)
      %dma_wait3A_89 = arith.constant 0 : i32
      %dma_wait3A_90 = arith.constant 0 : i32
      %dma_wait3A_91 = tpu.memref_slice %arg5[%dma_wait3A_89, %dma_wait3A_90] : memref<2x128xi32, #tpu.memory_space<vmem>> -> memref<1x128xi32, #tpu.memory_space<vmem>>
      %dma_wait3A_92 = tpu.memref_squeeze %dma_wait3A_91 : memref<1x128xi32, #tpu.memory_space<vmem>> -> memref<128xi32, #tpu.memory_space<vmem>>
      %dma_wait3A_93 = arith.constant 0 : i32
      %dma_wait3A_94 = arith.constant 0 : i32
      %dma_wait3A_95 = tpu.memref_slice %arg2[%dma_wait3A_93, %dma_wait3A_94] : memref<10000x128xf32, #tpu.memory_space<hbm>> -> memref<10000x128xf32, #tpu.memory_space<hbm>>
      tpu.wait_indirect_dma semaphore(%arg15 : memref<!tpu.dma_semaphore, #tpu.memory_space<semaphore_mem>>) src(%dma_wait3A_95 : memref<10000x128xf32, #tpu.memory_space<hbm>>) dst(%arg8 : memref<128x128xf32, #tpu.memory_space<vmem>>)
      %run_scoped3A = arith.constant 1 : i32
      "tpu.region"() ({
        %run_scoped3A_96 = tpu.sem_alloc : memref<!tpu.dma_semaphore, #tpu.memory_space<semaphore_mem>>
        %dma_start3A_97 = arith.constant 0 : i32
        %dma_start3A_98 = tpu.memref_slice %arg5[%run_scoped3A, %dma_start3A_97] : memref<2x128xi32, #tpu.memory_space<vmem>> -> memref<1x128xi32, #tpu.memory_space<vmem>>
        %dma_start3A_99 = tpu.memref_squeeze %dma_start3A_98 : memref<1x128xi32, #tpu.memory_space<vmem>> -> memref<128xi32, #tpu.memory_space<vmem>>
        %dma_start3A_100 = arith.constant 0 : i32
        %dma_start3A_101 = arith.constant 0 : i32
        %dma_start3A_102 = tpu.memref_slice %arg11[%dma_start3A_100, %dma_start3A_101] : memref<10000x128xf32, #tpu.memory_space<vmem_shared>> -> memref<10000x128xf32, #tpu.memory_space<vmem_shared>>
        tpu.enqueue_indirect_dma source(%arg8 : memref<128x128xf32, #tpu.memory_space<vmem>>) target(%dma_start3A_102 : memref<10000x128xf32, #tpu.memory_space<vmem_shared>>) offsets(%dma_start3A_99 : memref<128xi32, #tpu.memory_space<vmem>>) semaphore(%run_scoped3A_96 : memref<!tpu.dma_semaphore, #tpu.memory_space<semaphore_mem>>) {add = true}
        %dma_wait3A_103 = arith.constant 0 : i32
        %dma_wait3A_104 = tpu.memref_slice %arg5[%run_scoped3A, %dma_wait3A_103] : memref<2x128xi32, #tpu.memory_space<vmem>> -> memref<1x128xi32, #tpu.memory_space<vmem>>
        %dma_wait3A_105 = tpu.memref_squeeze %dma_wait3A_104 : memref<1x128xi32, #tpu.memory_space<vmem>> -> memref<128xi32, #tpu.memory_space<vmem>>
        %dma_wait3A_106 = arith.constant 0 : i32
        %dma_wait3A_107 = arith.constant 0 : i32
        %dma_wait3A_108 = tpu.memref_slice %arg11[%dma_wait3A_106, %dma_wait3A_107] : memref<10000x128xf32, #tpu.memory_space<vmem_shared>> -> memref<10000x128xf32, #tpu.memory_space<vmem_shared>>
        tpu.wait_indirect_dma semaphore(%run_scoped3A_96 : memref<!tpu.dma_semaphore, #tpu.memory_space<semaphore_mem>>) src(%arg8 : memref<128x128xf32, #tpu.memory_space<vmem>>) dst(%dma_wait3A_108 : memref<10000x128xf32, #tpu.memory_space<vmem_shared>>)
        tpu.yield
      }) : () -> ()
    } else {
    }
    %barrier3A_53 = arith.constant 0 : index
    tpu.barrier barrier_id(%barrier3A_53)
    %scan3A_54 = arith.constant 0 : i32
    %scan3A_55 = arith.constant 8 : i32
    %scan3A_56 = arith.addi %scan3A_54, %scan3A_55 : i32
    %scan3A_57 = arith.constant 1 : i32
    scf.for %scan3A_64 = %scan3A_54 to %scan3A_56 step %scan3A_57  : i32 {
      %mul3A_65 = arith.constant 1 : i32
      %mul3A_66 = arith.muli %scan3A_64, %mul3A_65 : i32
      %add3A_67 = arith.constant 0 : i32
      %add3A_68 = arith.addi %add3A_67, %mul3A_66 : i32
      %mul3A_69 = arith.constant 16 : i32
      %mul3A_70 = arith.muli %add3A_68, %mul3A_69 : i32
      %add3A_71 = arith.addi %arg1, %mul3A_70 : i32
      %lt3A_72 = arith.constant 125 : i32
      %lt3A_73 = arith.cmpi slt, %add3A_71, %lt3A_72 : i32
      %convert_element_type3A_74 = arith.extui %lt3A_73 : i1 to i32
      %cond3A_75 = arith.constant 0 : i32
      %cond3A_76 = arith.cmpi ne, %convert_element_type3A_74, %cond3A_75 : i32
      scf.if %cond3A_76 {
        %mul3A_77 = arith.constant 80 : i32
        %mul3A_78 = arith.muli %add3A_71, %mul3A_77 : i32
        %dma_start3A_79 = arith.constant 0 : i32
        %dma_start3A_80 = tpu.memref_slice %arg4[%arg0, %mul3A_78, %dma_start3A_79] : memref<2x10000x128xf32, #tpu.memory_space<hbm>> -> memref<1x80x128xf32, #tpu.memory_space<hbm>>
        %dma_start3A_81 = tpu.memref_squeeze %dma_start3A_80 : memref<1x80x128xf32, #tpu.memory_space<hbm>> -> memref<80x128xf32, #tpu.memory_space<hbm>>
        %dma_start3A_82 = arith.constant 0 : i32
        %dma_start3A_83 = tpu.memref_slice %arg11[%mul3A_78, %dma_start3A_82] : memref<10000x128xf32, #tpu.memory_space<vmem_shared>> -> memref<80x128xf32, #tpu.memory_space<vmem_shared>>
        tpu.enqueue_dma source(%dma_start3A_83 : memref<80x128xf32, #tpu.memory_space<vmem_shared>>) target(%dma_start3A_81 : memref<80x128xf32, #tpu.memory_space<hbm>>) target_semaphore(%arg18 : memref<!tpu.dma_semaphore, #tpu.memory_space<semaphore_mem>>)
      } else {
      }
    }
    %scan3A_58 = arith.constant 8 : i32
    %scan3A_59 = arith.constant 0 : i32
    %scan3A_60 = arith.constant 8 : i32
    %scan3A_61 = arith.addi %scan3A_59, %scan3A_60 : i32
    %scan3A_62 = arith.constant 1 : i32
    scf.for %scan3A_64 = %scan3A_59 to %scan3A_61 step %scan3A_62  : i32 {
      %mul3A_65 = arith.constant 1 : i32
      %mul3A_66 = arith.muli %scan3A_64, %mul3A_65 : i32
      %add3A_67 = arith.constant 0 : i32
      %add3A_68 = arith.addi %add3A_67, %mul3A_66 : i32
      %mul3A_69 = arith.constant 16 : i32
      %mul3A_70 = arith.muli %add3A_68, %mul3A_69 : i32
      %add3A_71 = arith.addi %arg1, %mul3A_70 : i32
      %lt3A_72 = arith.constant 125 : i32
      %lt3A_73 = arith.cmpi slt, %add3A_71, %lt3A_72 : i32
      %convert_element_type3A_74 = arith.extui %lt3A_73 : i1 to i32
      %cond3A_75 = arith.constant 0 : i32
      %cond3A_76 = arith.cmpi ne, %convert_element_type3A_74, %cond3A_75 : i32
      scf.if %cond3A_76 {
        %mul3A_77 = arith.constant 80 : i32
        %mul3A_78 = arith.muli %add3A_71, %mul3A_77 : i32
        %dma_wait3A = arith.constant 0 : i32
        %dma_wait3A_79 = tpu.memref_slice %arg4[%arg0, %mul3A_78, %dma_wait3A] : memref<2x10000x128xf32, #tpu.memory_space<hbm>> -> memref<1x80x128xf32, #tpu.memory_space<hbm>>
        %dma_wait3A_80 = tpu.memref_squeeze %dma_wait3A_79 : memref<1x80x128xf32, #tpu.memory_space<hbm>> -> memref<80x128xf32, #tpu.memory_space<hbm>>
        %dma_wait3A_81 = arith.constant 0 : i32
        %dma_wait3A_82 = tpu.memref_slice %arg11[%mul3A_78, %dma_wait3A_81] : memref<10000x128xf32, #tpu.memory_space<vmem_shared>> -> memref<80x128xf32, #tpu.memory_space<vmem_shared>>
        tpu.wait_dma2 semaphore(%arg18 : memref<!tpu.dma_semaphore, #tpu.memory_space<semaphore_mem>>) src(%dma_wait3A_82 : memref<80x128xf32, #tpu.memory_space<vmem_shared>>) dst(%dma_wait3A_80 : memref<80x128xf32, #tpu.memory_space<hbm>>)
      } else {
      }
    }
    %scan3A_63 = arith.constant 8 : i32
    return
  }
}

module attributes {stable_mosaic.version = 14 : i64} {
  func.func @_mm_scale_body(%arg0: i32, %arg1: memref<5000x128xf32, #tpu.memory_space<vmem>>, %arg2: memref<128x128xf32, #tpu.memory_space<vmem>>, %arg3: memref<5000x1xf32, #tpu.memory_space<vmem>>, %arg4: memref<5000x128xf32, #tpu.memory_space<vmem>>, %arg5: memref<5000x128xf32, #tpu.memory_space<vmem>>) attributes {dimension_semantics = [#tpu.dimension_semantics<arbitrary>], iteration_bounds = array<i64: 2>, scalar_prefetch = 0 : i64, scratch_operands = 0 : i64, tpu.core_type = #tpu.core_type<tc>, window_params = [{transform_indices = @transform_0, window_bounds = array<i64: 5000, 128>}, {pipeline_mode = #tpu.pipeline_mode<synchronous>, transform_indices = @transform_1, window_bounds = array<i64: 128, 128>}, {transform_indices = @transform_2, window_bounds = array<i64: 5000, 1>}, {transform_indices = @transform_3, window_bounds = array<i64: 5000, 128>}, {transform_indices = @transform_4, window_bounds = array<i64: 5000, 128>}]} {
    %get3A = arith.constant 0 : index
    %get3A_0 = arith.constant 0 : index
    %get3A_1 = vector.load %arg1[%get3A, %get3A_0] : memref<5000x128xf32, #tpu.memory_space<vmem>>, vector<5000x128xf32>
    %get3A_2 = arith.constant 0 : index
    %get3A_3 = arith.constant 0 : index
    %get3A_4 = vector.load %arg2[%get3A_2, %get3A_3] : memref<128x128xf32, #tpu.memory_space<vmem>>, vector<128x128xf32>
    %dot_general3A = arith.constant dense<0.000000e+00> : vector<5000x128xf32>
    %dot_general3A_5 = tpu.matmul %get3A_1, %get3A_4, %dot_general3A {dimension_numbers = #tpu.dot_dimension_numbers<[1], [0], [0], [1], [0, 0, 1, 1], [], []>, transpose_lhs_hint = false} : vector<5000x128xf32>, vector<128x128xf32>, vector<5000x128xf32> -> vector<5000x128xf32>
    %swap3A = arith.constant 0 : index
    %swap3A_6 = arith.constant 0 : index
    %swap3A_7 = vector.load %arg4[%swap3A, %swap3A_6] : memref<5000x128xf32, #tpu.memory_space<vmem>>, vector<5000x128xf32>
    tpu.vector_store %arg4[%swap3A, %swap3A_6], %dot_general3A_5 {strides = array<i32>} : memref<5000x128xf32, #tpu.memory_space<vmem>>, vector<5000x128xf32>,
    %get3A_8 = arith.constant 0 : index
    %get3A_9 = arith.constant 0 : index
    %get3A_10 = vector.load %arg3[%get3A_8, %get3A_9] : memref<5000x1xf32, #tpu.memory_space<vmem>>, vector<5000x1xf32>
    %mul3A = vector.broadcast %get3A_10 : vector<5000x1xf32> to vector<5000x128xf32>
    %mul3A_11 = arith.mulf %dot_general3A_5, %mul3A : vector<5000x128xf32>
    %swap3A_12 = arith.constant 0 : index
    %swap3A_13 = arith.constant 0 : index
    %swap3A_14 = vector.load %arg5[%swap3A_12, %swap3A_13] : memref<5000x128xf32, #tpu.memory_space<vmem>>, vector<5000x128xf32>
    tpu.vector_store %arg5[%swap3A_12, %swap3A_13], %mul3A_11 {strides = array<i32>} : memref<5000x128xf32, #tpu.memory_space<vmem>>, vector<5000x128xf32>,
    return
  }
  func.func @transform_0(%arg0: i32) -> (i32, i32) {
    %c0_i32 = arith.constant 0 : i32
    %c0_i32_0 = arith.constant 0 : i32
    return %arg0, %c0_i32 : i32, i32
  }
  func.func @transform_1(%arg0: i32) -> (i32, i32) {
    %c0_i32 = arith.constant 0 : i32
    %c0_i32_0 = arith.constant 0 : i32
    %c0_i32_1 = arith.constant 0 : i32
    return %c0_i32, %c0_i32_0 : i32, i32
  }
  func.func @transform_2(%arg0: i32) -> (i32, i32) {
    %c0_i32 = arith.constant 0 : i32
    %c0_i32_0 = arith.constant 0 : i32
    return %arg0, %c0_i32 : i32, i32
  }
  func.func @transform_3(%arg0: i32) -> (i32, i32) {
    %c0_i32 = arith.constant 0 : i32
    %c0_i32_0 = arith.constant 0 : i32
    return %arg0, %c0_i32 : i32, i32
  }
  func.func @transform_4(%arg0: i32) -> (i32, i32) {
    %c0_i32 = arith.constant 0 : i32
    %c0_i32_0 = arith.constant 0 : i32
    return %arg0, %c0_i32 : i32, i32
  }
}

module attributes {stable_mosaic.version = 14 : i64} {
  func.func @_combine_mm_body(%arg0: i32, %arg1: memref<2x5000x128xf32, #tpu.memory_space<vmem>>, %arg2: memref<5000x128xf32, #tpu.memory_space<vmem>>, %arg3: memref<5000x1xf32, #tpu.memory_space<vmem>>, %arg4: memref<1x128xf32, #tpu.memory_space<vmem>>, %arg5: memref<128x128xf32, #tpu.memory_space<vmem>>, %arg6: memref<5000x128xf32, #tpu.memory_space<vmem>>, %arg7: memref<5000x128xf32, #tpu.memory_space<vmem>>) attributes {dimension_semantics = [#tpu.dimension_semantics<arbitrary>], iteration_bounds = array<i64: 2>, scalar_prefetch = 0 : i64, scratch_operands = 0 : i64, tpu.core_type = #tpu.core_type<tc>, window_params = [{transform_indices = @transform_0, window_bounds = array<i64: 2, 5000, 128>}, {transform_indices = @transform_1, window_bounds = array<i64: 5000, 128>}, {transform_indices = @transform_2, window_bounds = array<i64: 5000, 1>}, {pipeline_mode = #tpu.pipeline_mode<synchronous>, transform_indices = @transform_3, window_bounds = array<i64: 1, 128>}, {pipeline_mode = #tpu.pipeline_mode<synchronous>, transform_indices = @transform_4, window_bounds = array<i64: 128, 128>}, {transform_indices = @transform_5, window_bounds = array<i64: 5000, 128>}, {transform_indices = @transform_6, window_bounds = array<i64: 5000, 128>}]} {
    %get3A = arith.constant 0 : index
    %get3A_0 = arith.constant 0 : index
    %get3A_1 = vector.load %arg3[%get3A, %get3A_0] : memref<5000x1xf32, #tpu.memory_space<vmem>>, vector<5000x1xf32>
    %get3A_2 = arith.constant 0 : index
    %get3A_3 = arith.constant 0 : index
    %get3A_4 = arith.constant 0 : index
    %get3A_5 = vector.load %arg1[%get3A_2, %get3A_3, %get3A_4] : memref<2x5000x128xf32, #tpu.memory_space<vmem>>, vector<1x5000x128xf32>
    %get3A_6 = vector.shape_cast %get3A_5 : vector<1x5000x128xf32> to vector<5000x128xf32>
    %get3A_7 = arith.constant 1 : index
    %get3A_8 = arith.constant 0 : index
    %get3A_9 = arith.constant 0 : index
    %get3A_10 = vector.load %arg1[%get3A_7, %get3A_8, %get3A_9] : memref<2x5000x128xf32, #tpu.memory_space<vmem>>, vector<1x5000x128xf32>
    %get3A_11 = vector.shape_cast %get3A_10 : vector<1x5000x128xf32> to vector<5000x128xf32>
    %add3A = arith.addf %get3A_6, %get3A_11 : vector<5000x128xf32>
    %mul3A = vector.broadcast %get3A_1 : vector<5000x1xf32> to vector<5000x128xf32>
    %mul3A_12 = arith.mulf %mul3A, %add3A : vector<5000x128xf32>
    %mul3A_13 = arith.mulf %get3A_1, %get3A_1 : vector<5000x1xf32>
    %get3A_14 = arith.constant 0 : index
    %get3A_15 = arith.constant 0 : index
    %get3A_16 = vector.load %arg2[%get3A_14, %get3A_15] : memref<5000x128xf32, #tpu.memory_space<vmem>>, vector<5000x128xf32>
    %mul3A_17 = vector.broadcast %mul3A_13 : vector<5000x1xf32> to vector<5000x128xf32>
    %mul3A_18 = arith.mulf %mul3A_17, %get3A_16 : vector<5000x128xf32>
    %add3A_19 = arith.addf %mul3A_12, %mul3A_18 : vector<5000x128xf32>
    %get3A_20 = arith.constant 0 : index
    %get3A_21 = arith.constant 0 : index
    %get3A_22 = vector.load %arg4[%get3A_20, %get3A_21] : memref<1x128xf32, #tpu.memory_space<vmem>>, vector<1x128xf32>
    %add3A_23 = vector.broadcast %get3A_22 : vector<1x128xf32> to vector<5000x128xf32>
    %add3A_24 = arith.addf %add3A_19, %add3A_23 : vector<5000x128xf32>
    %max3A = arith.constant 0.000000e+00 : f32
    %max3A_25 = vector.broadcast %max3A : f32 to vector<5000x128xf32>
    %max3A_26 = arith.maximumf %add3A_24, %max3A_25 : vector<5000x128xf32>
    %get3A_27 = arith.constant 0 : index
    %get3A_28 = arith.constant 0 : index
    %get3A_29 = vector.load %arg5[%get3A_27, %get3A_28] : memref<128x128xf32, #tpu.memory_space<vmem>>, vector<128x128xf32>
    %dot_general3A = arith.constant dense<0.000000e+00> : vector<5000x128xf32>
    %dot_general3A_30 = tpu.matmul %max3A_26, %get3A_29, %dot_general3A {dimension_numbers = #tpu.dot_dimension_numbers<[1], [0], [0], [1], [0, 0, 1, 1], [], []>, transpose_lhs_hint = false} : vector<5000x128xf32>, vector<128x128xf32>, vector<5000x128xf32> -> vector<5000x128xf32>
    %swap3A = arith.constant 0 : index
    %swap3A_31 = arith.constant 0 : index
    %swap3A_32 = vector.load %arg6[%swap3A, %swap3A_31] : memref<5000x128xf32, #tpu.memory_space<vmem>>, vector<5000x128xf32>
    tpu.vector_store %arg6[%swap3A, %swap3A_31], %dot_general3A_30 {strides = array<i32>} : memref<5000x128xf32, #tpu.memory_space<vmem>>, vector<5000x128xf32>,
    %mul3A_33 = vector.broadcast %get3A_1 : vector<5000x1xf32> to vector<5000x128xf32>
    %mul3A_34 = arith.mulf %dot_general3A_30, %mul3A_33 : vector<5000x128xf32>
    %swap3A_35 = arith.constant 0 : index
    %swap3A_36 = arith.constant 0 : index
    %swap3A_37 = vector.load %arg7[%swap3A_35, %swap3A_36] : memref<5000x128xf32, #tpu.memory_space<vmem>>, vector<5000x128xf32>
    tpu.vector_store %arg7[%swap3A_35, %swap3A_36], %mul3A_34 {strides = array<i32>} : memref<5000x128xf32, #tpu.memory_space<vmem>>, vector<5000x128xf32>,
    return
  }
  func.func @transform_0(%arg0: i32) -> (i32, i32, i32) {
    %c0_i32 = arith.constant 0 : i32
    %c0_i32_0 = arith.constant 0 : i32
    %c0_i32_1 = arith.constant 0 : i32
    return %c0_i32, %arg0, %c0_i32_0 : i32, i32, i32
  }
  func.func @transform_1(%arg0: i32) -> (i32, i32) {
    %c0_i32 = arith.constant 0 : i32
    %c0_i32_0 = arith.constant 0 : i32
    return %arg0, %c0_i32 : i32, i32
  }
  func.func @transform_2(%arg0: i32) -> (i32, i32) {
    %c0_i32 = arith.constant 0 : i32
    %c0_i32_0 = arith.constant 0 : i32
    return %arg0, %c0_i32 : i32, i32
  }
  func.func @transform_3(%arg0: i32) -> (i32, i32) {
    %c0_i32 = arith.constant 0 : i32
    %c0_i32_0 = arith.constant 0 : i32
    %c0_i32_1 = arith.constant 0 : i32
    return %c0_i32, %c0_i32_0 : i32, i32
  }
  func.func @transform_4(%arg0: i32) -> (i32, i32) {
    %c0_i32 = arith.constant 0 : i32
    %c0_i32_0 = arith.constant 0 : i32
    %c0_i32_1 = arith.constant 0 : i32
    return %c0_i32, %c0_i32_0 : i32, i32
  }
  func.func @transform_5(%arg0: i32) -> (i32, i32) {
    %c0_i32 = arith.constant 0 : i32
    %c0_i32_0 = arith.constant 0 : i32
    return %arg0, %c0_i32 : i32, i32
  }
  func.func @transform_6(%arg0: i32) -> (i32, i32) {
    %c0_i32 = arith.constant 0 : i32
    %c0_i32_0 = arith.constant 0 : i32
    return %arg0, %c0_i32 : i32, i32
  }
}

module attributes {stable_mosaic.version = 14 : i64} {
  func.func @_combine_body(%arg0: i32, %arg1: memref<2x5000x128xf32, #tpu.memory_space<vmem>>, %arg2: memref<5000x128xf32, #tpu.memory_space<vmem>>, %arg3: memref<5000x1xf32, #tpu.memory_space<vmem>>, %arg4: memref<1x128xf32, #tpu.memory_space<vmem>>, %arg5: memref<5000x128xf32, #tpu.memory_space<vmem>>) attributes {dimension_semantics = [#tpu.dimension_semantics<arbitrary>], iteration_bounds = array<i64: 2>, scalar_prefetch = 0 : i64, scratch_operands = 0 : i64, tpu.core_type = #tpu.core_type<tc>, window_params = [{transform_indices = @transform_0, window_bounds = array<i64: 2, 5000, 128>}, {transform_indices = @transform_1, window_bounds = array<i64: 5000, 128>}, {transform_indices = @transform_2, window_bounds = array<i64: 5000, 1>}, {pipeline_mode = #tpu.pipeline_mode<synchronous>, transform_indices = @transform_3, window_bounds = array<i64: 1, 128>}, {transform_indices = @transform_4, window_bounds = array<i64: 5000, 128>}]} {
    %get3A = arith.constant 0 : index
    %get3A_0 = arith.constant 0 : index
    %get3A_1 = vector.load %arg3[%get3A, %get3A_0] : memref<5000x1xf32, #tpu.memory_space<vmem>>, vector<5000x1xf32>
    %get3A_2 = arith.constant 0 : index
    %get3A_3 = arith.constant 0 : index
    %get3A_4 = arith.constant 0 : index
    %get3A_5 = vector.load %arg1[%get3A_2, %get3A_3, %get3A_4] : memref<2x5000x128xf32, #tpu.memory_space<vmem>>, vector<1x5000x128xf32>
    %get3A_6 = vector.shape_cast %get3A_5 : vector<1x5000x128xf32> to vector<5000x128xf32>
    %get3A_7 = arith.constant 1 : index
    %get3A_8 = arith.constant 0 : index
    %get3A_9 = arith.constant 0 : index
    %get3A_10 = vector.load %arg1[%get3A_7, %get3A_8, %get3A_9] : memref<2x5000x128xf32, #tpu.memory_space<vmem>>, vector<1x5000x128xf32>
    %get3A_11 = vector.shape_cast %get3A_10 : vector<1x5000x128xf32> to vector<5000x128xf32>
    %add3A = arith.addf %get3A_6, %get3A_11 : vector<5000x128xf32>
    %mul3A = vector.broadcast %get3A_1 : vector<5000x1xf32> to vector<5000x128xf32>
    %mul3A_12 = arith.mulf %mul3A, %add3A : vector<5000x128xf32>
    %mul3A_13 = arith.mulf %get3A_1, %get3A_1 : vector<5000x1xf32>
    %get3A_14 = arith.constant 0 : index
    %get3A_15 = arith.constant 0 : index
    %get3A_16 = vector.load %arg2[%get3A_14, %get3A_15] : memref<5000x128xf32, #tpu.memory_space<vmem>>, vector<5000x128xf32>
    %mul3A_17 = vector.broadcast %mul3A_13 : vector<5000x1xf32> to vector<5000x128xf32>
    %mul3A_18 = arith.mulf %mul3A_17, %get3A_16 : vector<5000x128xf32>
    %add3A_19 = arith.addf %mul3A_12, %mul3A_18 : vector<5000x128xf32>
    %get3A_20 = arith.constant 0 : index
    %get3A_21 = arith.constant 0 : index
    %get3A_22 = vector.load %arg4[%get3A_20, %get3A_21] : memref<1x128xf32, #tpu.memory_space<vmem>>, vector<1x128xf32>
    %add3A_23 = vector.broadcast %get3A_22 : vector<1x128xf32> to vector<5000x128xf32>
    %add3A_24 = arith.addf %add3A_19, %add3A_23 : vector<5000x128xf32>
    %swap3A = arith.constant 0 : index
    %swap3A_25 = arith.constant 0 : index
    %swap3A_26 = vector.load %arg5[%swap3A, %swap3A_25] : memref<5000x128xf32, #tpu.memory_space<vmem>>, vector<5000x128xf32>
    tpu.vector_store %arg5[%swap3A, %swap3A_25], %add3A_24 {strides = array<i32>} : memref<5000x128xf32, #tpu.memory_space<vmem>>, vector<5000x128xf32>,
    return
  }
  func.func @transform_0(%arg0: i32) -> (i32, i32, i32) {
    %c0_i32 = arith.constant 0 : i32
    %c0_i32_0 = arith.constant 0 : i32
    %c0_i32_1 = arith.constant 0 : i32
    return %c0_i32, %arg0, %c0_i32_0 : i32, i32, i32
  }
  func.func @transform_1(%arg0: i32) -> (i32, i32) {
    %c0_i32 = arith.constant 0 : i32
    %c0_i32_0 = arith.constant 0 : i32
    return %arg0, %c0_i32 : i32, i32
  }
  func.func @transform_2(%arg0: i32) -> (i32, i32) {
    %c0_i32 = arith.constant 0 : i32
    %c0_i32_0 = arith.constant 0 : i32
    return %arg0, %c0_i32 : i32, i32
  }
  func.func @transform_3(%arg0: i32) -> (i32, i32) {
    %c0_i32 = arith.constant 0 : i32
    %c0_i32_0 = arith.constant 0 : i32
    %c0_i32_1 = arith.constant 0 : i32
    return %c0_i32, %c0_i32_0 : i32, i32
  }
  func.func @transform_4(%arg0: i32) -> (i32, i32) {
    %c0_i32 = arith.constant 0 : i32
    %c0_i32_0 = arith.constant 0 : i32
    return %arg0, %c0_i32 : i32, i32
  }
}

</mosaic_0001>

<sc_bundles>
// kernel: kernel.11.cloned.1.call-start
scs
__scs_entry_jumppad:
0x0: {  	(pc) =	sbr.rel $0x88, $3  }
0x1: {  	(tag) =	ssettag $0x0;
	lr =	simm.s32 $0x1  }
0x2: {  	[smem:$0x3F9B] =	sst lr;
	_ =	strace $0xD0000000  }
0x3: {  	_ = 	snop  }
0x4: {  	_ = 	snop  }
0x5: {  	_ = 	snop  }
0x6: {  	_ = 	snop  }
0x7: {  	_ = 	snop  }
__scs_overlays_trampoline_lowered:
0x8: {  	[smem:$0x3FAA] =	sst s0  }
0x9: {  	[smem:$0x3FAB] =	sst s1  }
0xa: {  	[smem:$0x3FAC] =	sst s2  }
0xb: {  	[smem:$0x3FAD] =	sst s3  }
0xc: {  	[smem:$0x3FAE] =	sst s4  }
0xd: {  	[smem:$0x3FAF] =	sst s5  }
0xe: {  	[smem:$0x3FB0] =	sst s6  }
0xf: {  	[smem:$0x3FB1] =	sst s7  }
0x10: {  	[smem:$0x3FB2] =	sst s8  }
0x11: {  	[smem:$0x3FB3] =	sst s9;
	s0 =	simm.s32 @!p0 $0x0  }
0x12: {  	s1 =	sld [smem:$0x3F99];
	s0 =	simm.s32 @p0 $0x1  }
0x13: {  	[smem:$0x3FB4] =	sst s0;
	s0 =	simm.s32 @!p1 $0x0  }
0x14: {  	s2 =	sld [smem:$0x3F98];
	s0 =	simm.s32 @p1 $0x1  }
0x15: {  	[smem:$0x3FB5] =	sst s0;
	s0 =	simm.s32 @!p2 $0x0  }
0x16: {  	s3 =	sld [smem:$0x3FDB];
	s0 =	simm.s32 @p2 $0x1  }
0x17: {  	s4 =	simm.s32 $0x1BF5;
	[smem:$0x3FB7] =	sst s0  }
0x18: {  	s0 =	sld [smem:$0x3F9A];
	_ =	swait.ge [sflag:s4], $0x0  }
0x19: {  	s7 =	sld [smem:$0x3F9B]  }
0x1a: {  	s8 =	sadd.s32 $0xFFFFE003, lr  }
0x1b: {  	s9 =	sadd.s32 $0xFFFFFEF7, lr;
	s5 =	simm.s32 $0xFFFFFFFF;
	p2 =	slt.u32 s8, $0xFFFFF086  }
0x1c: {  	p1 =	slt.u32 s9, $0xF7A;
	s5 =	simm.s32 @!p2 $0x0  }
0x1d: {  	s5 =	simm.s32 @p1 $0x1;
	p0 =	seq.s32 s7, s2  }
0x1e: {  	s7 =	smul.u32 @!p0 $0xF7A, s2;
	p2 =	seq.s32 @!p0 s5, $0x0  }
0x1f: {  	s9 =	smul.u32 $0xF7A, s1;
	s8 =	simm.s32 @!p0 $0x1BF5;
	p2 =	por !p2, p0  }
0x20: {  	[sflag:s8] =	ssyncset.s32 @!p0 $0xFFFFF086;
	s6 =	sadd.s32 @!p0 s3, s7;
	s7 =	simm.s32 @!p0 $0x108  }
0x21: {  	s3 =	sadd.s32 s3, s9;
	s6 =	sadd.s32 @!p0 $0x88, s6;
	s7 =	simm.s32 @p2 $0x1082  }
0x22: {  	[simem:s7], [sflag:s8] =	dma.local @!p0 [hbm:s6], $0xF7A  }
0x23: {  	s9 =	sor.u32 $0xD0000000, s2;
	s6 =	simm.s32 $0x108;
	_ =	swait.ge @!p0 [sflag:s8], $0x0  }
0x24: {  	s3 =	sadd.s32 $0x88, s3;
	s6 =	simm.s32 @!p1 $0x1082;
	[sflag:s4] =	ssyncset.s32 $0xFFFFF086  }
0x25: {  	[simem:s6], [sflag:s4] =	dma.local [hbm:s3], $0xF7A  }
0x26: {  	[smem:$0x3F9B] =	sst s1;
	(tag) =	ssettag s2;
	_ =	strace s9  }
0x27: {  	s1 =	sld [smem:$0x3FAB]  }
0x28: {  	s2 =	sld [smem:$0x3FAC]  }
0x29: {  	s4 =	sld [smem:$0x3FAE]  }
0x2a: {  	p0 =	seq.s32 s5, $0x0;
	s5 =	sld [smem:$0x3FAF]  }
0x2b: {  	s6 =	sld [smem:$0x3FB0]  }
0x2c: {  	s7 =	sld [smem:$0x3FB1]  }
0x2d: {  	s3 =	simm.s32 $0x108;
	s8 =	sld [smem:$0x3FB2]  }
0x2e: {  	s3 =	simm.s32 @!p0 $0x1082;
	s9 =	sld [smem:$0x3FB3]  }
0x2f: {  	lr =	sadd.s32 s0, s3;
	s0 =	sld [smem:$0x3FAA]  }
0x30: {  	s3 =	sld [smem:$0x3FAD]  }
0x31: {  	[smem:$0x3FB6] =	sst s10  }
0x32: {  	s10 =	sld [smem:$0x3FB4];
	_ =	sdelay $0x3  }
0x33: {  	p0 =	seq.s32 s10, $0x1;
	s10 =	sld [smem:$0x3FB6];
	_ =	sdelay $0x3  }
0x34: {  	[smem:$0x3FB6] =	sst s10  }
0x35: {  	s10 =	sld [smem:$0x3FB5];
	_ =	sdelay $0x3  }
0x36: {  	p1 =	seq.s32 s10, $0x1;
	s10 =	sld [smem:$0x3FB6];
	_ =	sdelay $0x3  }
0x37: {  	[smem:$0x3FB6] =	sst s10  }
0x38: {  	s10 =	sld [smem:$0x3FB7]  }
0x39: {  	_ = 	snop;
	(pc) =	sbr.ind lr, $3  }
0x3a: {  	_ = 	snop  }
0x3b: {  	_ = 	snop  }
0x3c: {  	p2 =	seq.s32 s10, $0x1;
	s10 =	sld [smem:$0x3FB6]  }
0x3d: {  	_ =	shalt  }
0x3e: {  	_ =	shalt  }
0x3f: {  	_ =	shalt  }
0x40: {  	_ =	shalt  }
0x41: {  	_ =	shalt  }
0x42: {  	_ =	shalt  }
0x43: {  	_ =	shalt  }
0x44: {  	_ =	shalt  }
0x45: {  	_ =	shalt  }
0x46: {  	_ =	shalt  }
0x47: {  	_ =	shalt  }
0x48: {  	_ =	shalt  }
0x49: {  	_ =	shalt  }
0x4a: {  	_ =	shalt  }
0x4b: {  	_ =	shalt  }
0x4c: {  	_ =	shalt  }
0x4d: {  	_ =	shalt  }
0x4e: {  	_ =	shalt  }
0x4f: {  	_ =	shalt  }
0x50: {  	_ =	shalt  }
0x51: {  	_ =	shalt  }
0x52: {  	_ =	shalt  }
0x53: {  	_ =	shalt  }
0x54: {  	_ =	shalt  }
0x55: {  	_ =	shalt  }
0x56: {  	_ =	shalt  }
0x57: {  	_ =	shalt  }
0x58: {  	_ =	shalt  }
0x59: {  	_ =	shalt  }
0x5a: {  	_ =	shalt  }
0x5b: {  	_ =	shalt  }
0x5c: {  	_ =	shalt  }
0x5d: {  	_ =	shalt  }
0x5e: {  	_ =	shalt  }
0x5f: {  	_ =	shalt  }
0x60: {  	_ =	shalt  }
0x61: {  	_ =	shalt  }
0x62: {  	_ =	shalt  }
0x63: {  	_ =	shalt  }
0x64: {  	_ =	shalt  }
0x65: {  	_ =	shalt  }
0x66: {  	_ =	shalt  }
0x67: {  	_ =	shalt  }
0x68: {  	_ =	shalt  }
0x69: {  	_ =	shalt  }
0x6a: {  	_ =	shalt  }
0x6b: {  	_ =	shalt  }
0x6c: {  	_ =	shalt  }
0x6d: {  	_ =	shalt  }
0x6e: {  	_ =	shalt  }
0x6f: {  	_ =	shalt  }
0x70: {  	_ =	shalt  }
0x71: {  	_ =	shalt  }
0x72: {  	_ =	shalt  }
0x73: {  	_ =	shalt  }
0x74: {  	_ =	shalt  }
0x75: {  	_ =	shalt  }
0x76: {  	_ =	shalt  }
0x77: {  	_ =	shalt  }
0x78: {  	_ =	shalt  }
0x79: {  	_ =	shalt  }
0x7a: {  	_ =	shalt  }
0x7b: {  	_ =	shalt  }
0x7c: {  	_ =	shalt  }
0x7d: {  	_ =	shalt  }
0x7e: {  	_ =	shalt  }
0x7f: {  	_ =	shalt  }
0x80: {  	_ =	shalt  }
0x81: {  	_ =	shalt  }
0x82: {  	_ =	shalt  }
0x83: {  	_ =	shalt  }
0x84: {  	_ =	shalt  }
0x85: {  	_ =	shalt  }
0x86: {  	_ =	shalt  }
0x87: {  	_ =	shalt  }
.Lfunc_end0:
.L_simem_size_0:
called_computation.1_lowered:
.L_overlay_start_0:
0x88: {  	s2 =	sld [smem:$0x3FD9]  }
0x89: {  	s3 =	sld [smem:$0x3FFE];
	_ =	sdelay $0x1  }
0x8a: {  	s1 =	srdreg.scid  }
0x8b: {  	s0 =	sand.u32 $0x1, s1  }
0x8c: {  	s17 =	sshll.u32 s0, $0xA;
	s2 =	sadd.s32 s3, s2  }
0x8d: {  	s2 =	sadd.s32 s2, s17  }
0x8e: {  	[smem:$0x3FC2] =	sst s2  }
0x8f: {  	_ = 	snop  }
0x90: {  	s2 =	sld [smem:$0x3FC8]  }
0x91: {  	s18 =	sld [smem:$0x3FD0];
	(tm) =	ssettm $0x1  }
0x92: {  	s4 =	sld [smem:$0x3FFB];
	_ =	sdelay $0x3  }
0x93: {  	_ =	strace s4  }
0x94: {  	s4 =	sld [smem:$0x3FFC];
	_ =	sdelay $0x3  }
0x95: {  	_ =	strace s4  }
0x96: {  	s4 =	sld [smem:$0x3FFD];
	_ =	sdelay $0x3  }
0x97: {  	_ =	strace s4  }
0x98: {  	_ =	strace $0x8FFFFFFF  }
0x99: {  	s19 =	sld [smem:$0x3FDB];
	_ =	sdelay $0x1  }
0x9a: {  	s5 =	simm.s32 $_scs_section_size  }
0x9b: {  	s6 =	simm.s32 $_size__tile_overlayer_lowered;
	s7 =	simm.s32 $_tile_overlayer_lowered  }
0x9c: {  	s22 =	simm.s32 $0x1BFF;
	s21 =	sshll.u32 s7, $0x1;
	s4 =	sadd.s32 s5, s19  }
0x9d: {  	s8 =	simm.s32 $0x0;
	s20 =	sshll.u32 s6, $0x1;
	s6 =	sadd.s32 s21, s4  }
0x9e: {  	[timem:s8], [sflag:s22] =	dma.local [hbm:s6], s20  }
0x9f: {  	_ =	swait.ge [sflag:s22], s20  }
0xa0: {  	s5 =	ssub.s32 $0x0, s20;
	[sflag:s22] =	ssyncset.done $0x0  }
0xa1: {  	[sflag:s22] =	ssyncadd.s32 s5;
	_ =	sdelay $0x1  }
0xa2: {  	s23 =	simm.s32 $0x1B8B  }
0xa3: {  	_ =	swait.ge [sflag:s23], $0x1  }
0xa4: {  	[sflag:s23] =	ssyncset.done $0x0  }
0xa5: {  	s25 =	simm.s32 $0x1B8E;
	s24 =	sld [smem:$0x3FFE];
	[sflag:s23] =	ssyncadd.s32 $0xFFFFFFFF  }
0xa6: {  	s26 =	simm.s32 $execute0_lowered;
	[smem:$0x3FD2] =	sst s25  }
0xa7: {  	s6 =	sshll.u32 s26, $0x1;
	_ =	strace $0x80000049;
	[dreg:$0x1] =	wrdreg $0xFFFFFFFF  }
0xa8: {  	s28 =	simm.s32 $_size_execute0_lowered;
	s4 =	sadd.s32 s4, s6;
	[dreg:$0x0] =	wrdreg $0x0  }
0xa9: {  	s6 =	sshll.u32 s28, $0x1;
	[dreg:$0x2] =	wrdreg s4  }
0xaa: {  	[dreg:$0x3] =	wrdreg s6  }
0xab: {  	[dreg:$0x4] =	wrdreg $0xC0  }
0xac: {  	_ =	task [dreg:s8], $0x5FFFF  }
0xad: {  	[dreg:$0x1] =	wrdreg $0xFFFFFFFF  }
0xae: {  	[dreg:$0x0] =	wrdreg $0x60  }
0xaf: {  	[dreg:$0x2] =	wrdreg s18  }
0xb0: {  	[dreg:$0x3] =	wrdreg s2  }
0xb1: {  	[dreg:$0x4] =	wrdreg s24  }
0xb2: {  	[dreg:$0x5] =	wrdreg $0xC3000  }
0xb3: {  	[dreg:$0x6] =	wrdreg $0x9  }
0xb4: {  	_ =	task.clear_ibuf [dreg:s8], $0x7FFFF;
	_ =	strace $0x90000049  }
0xb5: {  	s29 =	simm.s32 $0x9;
	_ =	strace $0x8000004B  }
0xb6: {  	_ =	swait.ge [sflag:s29], $0x1  }
0xb7: {  	[sflag:s29] =	ssyncadd.s32 $0xFFFFFFFF  }
0xb8: {  	_ =	strace $0x9000004B  }
0xb9: {  	_ =	sfence  }
0xba: {  	s30 =	sld [smem:$0x0];
	_ =	sdelay $0x2  }
0xbb: {  	s31 =	sshll.u32 s1, $0xD;
	s1 =	sshrl.u32 s1, $0x2  }
0xbc: {  	s3 =	sand.u32 $0x4000, s31;
	s1 =	sadd.s32 s1, s30  }
0xbd: {  	s0 =	sor.u32 s3, s0;
	s1 =	sshll.u32 s1, $0x11  }
0xbe: {  	s0 =	sor.u32 s1, s0  }
0xbf: {  	s0 =	sadd.s32 $0x8F2B, s0  }
0xc0: {  	[sflag:s0] =	ssyncadd.remote.s32 $0x1  }
0xc1: {  	_ =	sfence.sel $0xFFFF  }
0xc2: {  	[dreg:$0x0] =	wrdreg $0xFFFFFFFF;
	(pc) =	sbr.abs _section_cstart, $3  }
0xc3: {  	[dreg:$0x1] =	wrdreg $0xFFFFFFFF  }
0xc4: {  	_ =	task.clear_ibuf [dreg:s8], $0x2FFFF;
	_ =	strace $0x9FFFFFFF  }
0xc5: {  	(tm) =	ssettm $0x7FFFFFFF  }
tec
execute0_lowered:
.L_overlay_start_1:
0x0: {  	(tag) =	ssettag $0x1  }
0x1: {  	s26 =	stileid.u32  }
0x2: {  	s2 =	srdreg.scid;
	s7 =	smul.u32 $0x4E, s26  }
0x3: {  	s1 =	rddreg [dreg:$0x0];
	s2 =	sand.u32 $0x1, s2;
	s4 =	smul.u32 $0x2800, s26  }
0x4: {  	s0 =	rddreg [dreg:$0x1];
	s5 =	smul.u32 $0x4E2, s2  }
0x5: {  	s6 =	rddreg [dreg:$0x2];
	s9 =	sor.u32 $0x10, s26;
	s8 =	smul.u32 $0x138800, s2  }
0x6: {  	s3 =	rddreg [dreg:$0x3];
	s11 =	sor.u32 $0x20, s26;
	s12 =	smul.u32 $0x2800, s9  }
0x7: {  	s29 =	simm.s32 $0x7;
	s15 =	sor.u32 $0x30, s26;
	s14 =	smul.u32 $0x2800, s11  }
0x8: {  	s30 =	simm.s32 $0x100;
	s17 =	sor.u32 $0x50, s26;
	s16 =	smul.u32 $0x2800, s15  }
0x9: {  	s31 =	simm.s32 $0x200;
	s22 =	sor.u32 $0x60, s26;
	s25 =	smul.u32 $0x2800, s17  }
0xa: {  	s23 =	sor.u32 $0x70, s26;
	s6 =	sadd.s32 $0x2200, s6;
	s20 =	smul.u32 $0x2800, s22  }
0xb: {  	p1 =	sgt.u32 s26, $0xC;
	s10 =	ssub.s32 $0x2, s2;
	s21 =	smul.u32 $0x2800, s23  }
0xc: {  	p2 =	sgt.u32 s26, $0x1;
	s2 =	smul.u32 $0x9C40, s2;
	s13 =	sshrl.u32 s10, $0x1  }
0xd: {  	p0 =	sgt.u32 s23, $0x7C;
	s10 =	ssub.s32 s10, s13;
	s13 =	sor.u32 $0x40, s26  }
0xe: {  	s19 =	sadd.s32 s8, s4;
	s12 =	sadd.s32 s8, s12;
	s14 =	sadd.s32 s8, s14  }
0xf: {  	s16 =	sadd.s32 s8, s16;
	s24 =	sadd.s32 s8, s25;
	s20 =	sadd.s32 s8, s20  }
0x10: {  	s4 =	simm.s32 $0x0;
	s7 =	sadd.s32 s7, s5;
	s5 =	sadd.s32 s26, s5  }
0x11: {  	s18 =	smul.u32 $0x2800, s13;
	[smem:$0x7FF] =	sst s4;
	s7 =	sshll.u32 s7, $0x5  }
0x12: {  	s5 =	sshll.u32 s5, $0x5;
	s19 =	sshrl.u32 s19, $0x3;
	s12 =	sshrl.u32 s12, $0x3  }
0x13: {  	s14 =	sshrl.u32 s14, $0x3;
	_ =	strace $0x8000004A;
	s28 =	sadd.s32 s0, s7  }
0x14: {  	s7 =	sadd.s32 s6, s19;
	s25 =	sadd.s32 s6, s14;
	s5 =	sadd.s32 s0, s5  }
0x15: {  	s0 =	sadd.s32 s2, s0;
	s18 =	sadd.s32 s8, s18;
	[dreg:$0x6] =	wrdreg s7  }
0x16: {  	s8 =	sadd.s32 s8, s21;
	s21 =	sadd.s32 s6, s12;
	[dreg:$0x8] =	wrdreg s25  }
0x17: {  	s12 =	sshrl.u32 s16, $0x3;
	s16 =	sshrl.u32 s24, $0x3;
	s24 =	smul.u32 $0x9C0, s26  }
0x18: {  	s25 =	smul.u32 $0xA000, s26;
	s5 =	sadd.s32 $0x9C00, s5;
	[dreg:$0x5] =	wrdreg s28  }
0x19: {  	s26 =	sadd.s32 $0x40, s28;
	[dreg:$0x7] =	wrdreg s21;
	s14 =	sshrl.u32 s18, $0x3  }
0x1a: {  	s7 =	sadd.s32 s6, s12;
	s19 =	sadd.s32 s6, s16;
	s12 =	smul.u32 $0xA000, s13  }
0x1b: {  	s21 =	sshrl.u32 s20, $0x3;
	[dreg:$0xf] =	wrdreg s5;
	s16 =	smul.u32 $0xA000, s17  }
0x1c: {  	s8 =	sshrl.u32 s8, $0x3;
	s17 =	smul.u32 $0xA000, s22;
	[dreg:$0x12] =	wrdreg s26  }
0x1d: {  	s5 =	simm.s32 $0x6;
	[dreg:$0x9] =	wrdreg s7;
	s18 =	sadd.s32 s6, s14  }
0x1e: {  	[dreg:$0xb] =	wrdreg s19;
	s7 =	sadd.s32 s6, s21;
	s6 =	sadd.s32 s6, s8  }
0x1f: {  	s14 =	sadd.s32 s24, s0;
	s8 =	smul.u32 $0xA000, s9;
	[dreg:$0xa] =	wrdreg s18  }
0x20: {  	s9 =	smax.u32 s10, $0x1;
	s10 =	smul.u32 $0xA000, s11;
	[dreg:$0xc] =	wrdreg s7  }
0x21: {  	s2 =	sshrl.u32 s25, $0x2;
	s11 =	smul.u32 $0xA000, s15;
	[dreg:$0xd] =	wrdreg s6  }
0x22: {  	s7 =	sadd.s32 $0x20, s28;
	[dreg:$0x10] =	wrdreg s9;
	s2 =	sadd.s32 s2, s3  }
0x23: {  	s18 =	smul.u32 $0xA000, s23;
	s24 =	sshrl.u32 s16, $0x2;
	s28 =	simm.s32 $0x300  }
0x24: {  	s6 =	simm.s32 $0x2;
	s9 =	simm.s32 $0x8300;
	[dreg:$0xe] =	wrdreg s7  }
0x25: {  	s16 =	simm.s32 $0x0;
	s0 =	sshrl.u32 s8, $0x2;
	[dreg:$0x11] =	wrdreg s2  }
0x26: {  	s13 =	sshrl.u32 s10, $0x2;
	s15 =	sshrl.u32 s11, $0x2;
	s2 =	sshrl.u32 s17, $0x2  }
0x27: {  	s23 =	sadd.s32 s24, s3;
	s7 =	simm.s32 $0x4300;
	s8 =	simm.s32 $0x3  }
0x28: {  	s10 =	simm.s32 $0x4;
	s11 =	simm.s32 $0x8;
	s19 =	sadd.s32 s0, s3  }
0x29: {  	s20 =	sadd.s32 s13, s3;
	s21 =	sadd.s32 s15, s3;
	s0 =	sshrl.u32 s12, $0x2  }
0x2a: {  	s24 =	sadd.s32 s2, s3;
	s25 =	sshrl.u32 s18, $0x2;
	s2 =	simm.s32 $0x1  }
0x2b: {  	s12 =	simm.s32 $0x5;
	s13 =	simm.s32 $0x180;
	s15 =	simm.s32 $0x280  }
0x2c: {  	v0 =	vimm.f32 $0.0e+00;
	s22 =	sadd.s32 s0, s3;
	s25 =	sadd.s32 s25, s3;
	s0 =	simm.s32 $0x80  }
.LBB2_1:
0x2d: {  	s17 =	simm.s32 $0x0;
	s26 =	simm.s32 $0x200  }
.LBB2_2:
0x2e: {  	p3 =	sne.s32 s26, $0xFE00;
	[tilespmem:s17+$0x370] =	vst v0  }
0x2f: {  	[tilespmem:s17+$0x300] =	vst v0  }
0x30: {  	[tilespmem:s17+$0x310] =	vst v0  }
.Ltmp0:
0x31: {  	[tilespmem:s17+$0x320] =	vst v0;
	(pc) =	sbr.rel @p3 .LBB2_2-.Ltmp0, $4  }
0x32: {  	[tilespmem:s17+$0x330] =	vst v0  }
0x33: {  	[tilespmem:s17+$0x340] =	vst v0  }
0x34: {  	[tilespmem:s17+$0x350] =	vst v0  }
0x35: {  	[tilespmem:s17+$0x360] =	vst v0;
	s17 =	sshra.s32 s26, $0x2;
	s26 =	sadd.s32 $0x200, s26  }
0x36: {  	[tilespmem:s17+$0x370] =	vst v0  }
0x37: {  	[tilespmem:s17+$0x300] =	vst v0  }
0x38: {  	[tilespmem:s17+$0x310] =	vst v0  }
0x39: {  	[tilespmem:s17+$0x320] =	vst v0  }
0x3a: {  	[tilespmem:s17+$0x330] =	vst v0  }
0x3b: {  	[tilespmem:s17+$0x340] =	vst v0  }
0x3c: {  	[tilespmem:s17+$0x350] =	vst v0  }
0x3d: {  	[tilespmem:s17+$0x360] =	vst v0;
	s18 =	rddreg [dreg:$0x11]  }
0x3e: {  	[spmem:s18] =	stream.linear.scatter [tilespmem:s28], [sflag:$0x7], $0x2800, $0x38;
	[tilespmem:$0x1FB80] =	vst v63  }
0x3f: {  	_ = 	snop  }
0x40: {  	[spmem:s19] =	stream.linear.scatter [tilespmem:s28], [sflag:$0x7], $0x2800, $0x38;
	[tilespmem:$0x1FB80] =	vst v63  }
0x41: {  	_ = 	snop  }
0x42: {  	[spmem:s20] =	stream.linear.scatter [tilespmem:s28], [sflag:$0x7], $0x2800, $0x38;
	[tilespmem:$0x1FB80] =	vst v63  }
0x43: {  	_ = 	snop  }
0x44: {  	[spmem:s21] =	stream.linear.scatter [tilespmem:s28], [sflag:$0x7], $0x2800, $0x38;
	[tilespmem:$0x1FB80] =	vst v63  }
0x45: {  	_ = 	snop  }
0x46: {  	[spmem:s22] =	stream.linear.scatter [tilespmem:s28], [sflag:$0x7], $0x2800, $0x38;
	[tilespmem:$0x1FB80] =	vst v63  }
0x47: {  	_ = 	snop  }
0x48: {  	[spmem:s23] =	stream.linear.scatter [tilespmem:s28], [sflag:$0x7], $0x2800, $0x38;
	[tilespmem:$0x1FB80] =	vst v63  }
0x49: {  	_ = 	snop  }
0x4a: {  	[spmem:s24] =	stream.linear.scatter [tilespmem:s28], [sflag:$0x7], $0x2800, $0x38;
	[tilespmem:$0x1FB80] =	vst v63  }
0x4b: {  	s17 =	simm.s32 @!p0 $0x300  }
0x4c: {  	[spmem:s25] =	stream.linear.scatter @!p0 [tilespmem:s17], [sflag:$0x7], $0x2800, $0x38;
	[tilespmem:$0x1FB80] =	vst v63  }
0x4d: {  	_ =	swait.ge [sflag:s29], $0x2800  }
0x4e: {  	[sflag:s29] =	ssyncset.done $0x0  }
0x4f: {  	[sflag:s29] =	ssyncadd.s32 $0xFFFFD800  }
0x50: {  	_ =	swait.ge [sflag:s29], $0x2800  }
0x51: {  	[sflag:s29] =	ssyncset.done $0x0  }
0x52: {  	[sflag:s29] =	ssyncadd.s32 $0xFFFFD800  }
0x53: {  	_ =	swait.ge [sflag:s29], $0x2800  }
0x54: {  	[sflag:s29] =	ssyncset.done $0x0  }
0x55: {  	[sflag:s29] =	ssyncadd.s32 $0xFFFFD800  }
0x56: {  	_ =	swait.ge [sflag:s29], $0x2800  }
0x57: {  	[sflag:s29] =	ssyncset.done $0x0  }
0x58: {  	[sflag:s29] =	ssyncadd.s32 $0xFFFFD800  }
0x59: {  	_ =	swait.ge [sflag:s29], $0x2800  }
0x5a: {  	[sflag:s29] =	ssyncset.done $0x0  }
0x5b: {  	[sflag:s29] =	ssyncadd.s32 $0xFFFFD800  }
0x5c: {  	_ =	swait.ge [sflag:s29], $0x2800  }
0x5d: {  	[sflag:s29] =	ssyncset.done $0x0  }
0x5e: {  	[sflag:s29] =	ssyncadd.s32 $0xFFFFD800  }
0x5f: {  	_ =	swait.ge [sflag:s29], $0x2800  }
0x60: {  	[sflag:s29] =	ssyncset.done $0x0  }
0x61: {  	s17 =	simm.s32 @!p1 $0x7;
	[sflag:s29] =	ssyncadd.s32 $0xFFFFD800  }
0x62: {  	_ =	swait.ge @!p1 [sflag:s17], $0x2800  }
0x63: {  	[sflag:s17] =	ssyncset.done @!p1 $0x0  }
0x64: {  	[sflag:s17] =	ssyncadd.s32 @!p1 $0xFFFFD800  }
0x65: {  	[bflag:$0x0] =	sbarrier.arrive $0xFFFF  }
0x66: {  	s26 =	rddreg [dreg:$0x5]  }
0x67: {  	[tilespmem:s4], [sflag:$0x1] =	stream.linear.gather [hbm4b:s26+s4], $0x100, $0x38;
	[tilespmem:$0x1FB80] =	vst v63  }
0x68: {  	s18 =	rddreg [dreg:$0xe]  }
0x69: {  	[tilespmem:s30], [sflag:$0x2] =	stream.linear.gather [hbm4b:s18+s4], $0x100, $0x38;
	[tilespmem:$0x1FB80] =	vst v63  }
0x6a: {  	s26 =	rddreg [dreg:$0x12]  }
0x6b: {  	[tilespmem:s31], [sflag:$0x3] =	stream.linear.gather [hbm4b:s26+s4], $0x100, $0x38;
	[tilespmem:$0x1FB80] =	vst v63  }
0x6c: {  	_ =	swait.ge [sflag:s2], $0x100  }
0x6d: {  	[sflag:s2] =	ssyncset.done $0x0  }
0x6e: {  	[sflag:s2] =	ssyncadd.s32 $0xFFFFFF00  }
0x6f: {  	[tilespmem:s28], [sflag:$0x4] =	stream.indirect.gather [hbm4b:s1+s0], $0x80, s4, s0, $0xb8;
	[tilespmem:$0x1FB80] =	vst v63  }
0x70: {  	_ =	swait.ge [sflag:s6], $0x100  }
0x71: {  	[sflag:s6] =	ssyncset.done $0x0  }
0x72: {  	[sflag:s6] =	ssyncadd.s32 $0xFFFFFF00  }
0x73: {  	[tilespmem:s7], [sflag:$0x5] =	stream.indirect.gather [hbm4b:s1+s0], $0x80, s30, s0, $0xb8;
	[tilespmem:$0x1FB80] =	vst v63  }
0x74: {  	_ =	swait.ge [sflag:s8], $0x100  }
0x75: {  	[sflag:s8] =	ssyncset.done $0x0  }
0x76: {  	[sflag:s8] =	ssyncadd.s32 $0xFFFFFF00  }
0x77: {  	[tilespmem:s9], [sflag:$0x6] =	stream.indirect.gather [hbm4b:s1+s0], $0x80, s31, s0, $0xb8;
	[tilespmem:$0x1FB80] =	vst v63  }
0x78: {  	_ =	swait.ge [sflag:s10], $0x4000  }
0x79: {  	[sflag:s10] =	ssyncset.done $0x0  }
0x7a: {  	[sflag:s10] =	ssyncadd.s32 $0xFFFFC000  }
0x7b: {  	[spmem:s3] =	stream.indirect.scatter.add.f32 [tilespmem:s28], [sflag:$0x8], $0x80, s0, s0, $0xb8;
	[tilespmem:$0x1FB80] =	vst v63  }
0x7c: {  	_ =	swait.ge [sflag:s11], $0x4000  }
0x7d: {  	s26 =	sadd.s32 $0xFFFFF6A0, s14;
	[sflag:s11] =	ssyncset.done $0x0  }
0x7e: {  	s18 =	sadd.s32 $0x9C0, s26;
	[sflag:s11] =	ssyncadd.s32 $0xFFFFC000  }
0x7f: {  	[tilespmem:s4], [sflag:$0x1] =	stream.linear.gather [hbm4b:s18+s4], $0x100, $0x38;
	[tilespmem:$0x1FB80] =	vst v63  }
0x80: {  	_ =	swait.ge [sflag:s12], $0x4000  }
0x81: {  	[sflag:s12] =	ssyncset.done $0x0  }
0x82: {  	[sflag:s12] =	ssyncadd.s32 $0xFFFFC000  }
0x83: {  	[spmem:s3] =	stream.indirect.scatter.add.f32 [tilespmem:s7], [sflag:$0x8], $0x80, s13, s0, $0xb8;
	[tilespmem:$0x1FB80] =	vst v63  }
0x84: {  	_ =	swait.ge [sflag:s11], $0x4000  }
0x85: {  	[sflag:s11] =	ssyncset.done $0x0  }
0x86: {  	s18 =	sadd.s32 $0x9E0, s26;
	[sflag:s11] =	ssyncadd.s32 $0xFFFFC000  }
0x87: {  	[tilespmem:s30], [sflag:$0x2] =	stream.linear.gather [hbm4b:s18+s4], $0x100, $0x38;
	[tilespmem:$0x1FB80] =	vst v63  }
0x88: {  	_ =	swait.ge [sflag:s5], $0x4000  }
0x89: {  	[sflag:s5] =	ssyncset.done $0x0  }
0x8a: {  	[sflag:s5] =	ssyncadd.s32 $0xFFFFC000  }
0x8b: {  	[spmem:s3] =	stream.indirect.scatter.add.f32 [tilespmem:s9], [sflag:$0x8], $0x80, s15, s0, $0xb8;
	[tilespmem:$0x1FB80] =	vst v63  }
0x8c: {  	_ =	swait.ge [sflag:s11], $0x4000  }
0x8d: {  	[sflag:s11] =	ssyncset.done $0x0  }
0x8e: {  	s17 =	simm.s32 $0xFFFFF700;
	s26 =	sadd.s32 $0xA00, s26;
	[sflag:s11] =	ssyncadd.s32 $0xFFFFC000  }
.LBB2_4:
0x8f: {  	[tilespmem:s31], [sflag:$0x3] =	stream.linear.gather [hbm4b:s26+s4], $0x100, $0x38;
	[tilespmem:$0x1FB80] =	vst v63  }
0x90: {  	s26 =	smov.u32 s17  }
0x91: {  	p3 =	sne.s32 s17, $0xFFFFFFA0;
	s17 =	sadd.s32 $0x60, s17;
	_ =	swait.ge [sflag:s2], $0x100  }
0x92: {  	[sflag:s2] =	ssyncset.done $0x0  }
0x93: {  	[sflag:s2] =	ssyncadd.s32 $0xFFFFFF00  }
0x94: {  	[tilespmem:s28], [sflag:$0x4] =	stream.indirect.gather [hbm4b:s1+s0], $0x80, s4, s0, $0xb8;
	[tilespmem:$0x1FB80] =	vst v63  }
0x95: {  	_ =	swait.ge [sflag:s6], $0x100  }
0x96: {  	[sflag:s6] =	ssyncset.done $0x0  }
0x97: {  	[sflag:s6] =	ssyncadd.s32 $0xFFFFFF00  }
0x98: {  	[tilespmem:s7], [sflag:$0x5] =	stream.indirect.gather [hbm4b:s1+s0], $0x80, s30, s0, $0xb8;
	[tilespmem:$0x1FB80] =	vst v63  }
0x99: {  	_ =	swait.ge [sflag:s8], $0x100  }
0x9a: {  	[sflag:s8] =	ssyncset.done $0x0  }
0x9b: {  	[sflag:s8] =	ssyncadd.s32 $0xFFFFFF00  }
0x9c: {  	[tilespmem:s9], [sflag:$0x6] =	stream.indirect.gather [hbm4b:s1+s0], $0x80, s31, s0, $0xb8;
	[tilespmem:$0x1FB80] =	vst v63  }
0x9d: {  	_ =	swait.ge [sflag:s10], $0x4000  }
0x9e: {  	[sflag:s10] =	ssyncset.done $0x0  }
0x9f: {  	[sflag:s10] =	ssyncadd.s32 $0xFFFFC000  }
0xa0: {  	[spmem:s3] =	stream.indirect.scatter.add.f32 [tilespmem:s28], [sflag:$0x8], $0x80, s0, s0, $0xb8;
	[tilespmem:$0x1FB80] =	vst v63  }
0xa1: {  	_ =	swait.ge [sflag:s11], $0x4000  }
0xa2: {  	s26 =	sadd.s32 s26, s14;
	[sflag:s11] =	ssyncset.done $0x0  }
0xa3: {  	s18 =	sadd.s32 $0x9C0, s26;
	[sflag:s11] =	ssyncadd.s32 $0xFFFFC000  }
0xa4: {  	[tilespmem:s4], [sflag:$0x1] =	stream.linear.gather [hbm4b:s18+s4], $0x100, $0x38;
	[tilespmem:$0x1FB80] =	vst v63  }
0xa5: {  	_ =	swait.ge [sflag:s12], $0x4000  }
0xa6: {  	[sflag:s12] =	ssyncset.done $0x0  }
0xa7: {  	[sflag:s12] =	ssyncadd.s32 $0xFFFFC000  }
0xa8: {  	[spmem:s3] =	stream.indirect.scatter.add.f32 [tilespmem:s7], [sflag:$0x8], $0x80, s13, s0, $0xb8;
	[tilespmem:$0x1FB80] =	vst v63  }
0xa9: {  	_ =	swait.ge [sflag:s11], $0x4000  }
0xaa: {  	[sflag:s11] =	ssyncset.done $0x0  }
0xab: {  	s18 =	sadd.s32 $0x9E0, s26;
	[sflag:s11] =	ssyncadd.s32 $0xFFFFC000  }
0xac: {  	[tilespmem:s30], [sflag:$0x2] =	stream.linear.gather [hbm4b:s18+s4], $0x100, $0x38;
	[tilespmem:$0x1FB80] =	vst v63  }
0xad: {  	_ =	swait.ge [sflag:s5], $0x4000  }
0xae: {  	[sflag:s5] =	ssyncset.done $0x0  }
.Ltmp1:
0xaf: {  	[sflag:s5] =	ssyncadd.s32 $0xFFFFC000;
	(pc) =	sbr.rel @p3 .LBB2_4-.Ltmp1, $4  }
0xb0: {  	[spmem:s3] =	stream.indirect.scatter.add.f32 [tilespmem:s9], [sflag:$0x8], $0x80, s15, s0, $0xb8;
	[tilespmem:$0x1FB80] =	vst v63  }
0xb1: {  	_ =	swait.ge [sflag:s11], $0x4000  }
0xb2: {  	[sflag:s11] =	ssyncset.done $0x0  }
0xb3: {  	s26 =	sadd.s32 $0xA00, s26;
	[sflag:s11] =	ssyncadd.s32 $0xFFFFC000  }
0xb4: {  	[tilespmem:s31], [sflag:$0x3] =	stream.linear.gather [hbm4b:s26+s4], $0x100, $0x38;
	[tilespmem:$0x1FB80] =	vst v63  }
0xb5: {  	_ =	swait.ge [sflag:s2], $0x100  }
0xb6: {  	[sflag:s2] =	ssyncset.done $0x0  }
0xb7: {  	[sflag:s2] =	ssyncadd.s32 $0xFFFFFF00  }
0xb8: {  	[tilespmem:s28], [sflag:$0x4] =	stream.indirect.gather [hbm4b:s1+s0], $0x80, s4, s0, $0xb8;
	[tilespmem:$0x1FB80] =	vst v63  }
0xb9: {  	_ =	swait.ge [sflag:s6], $0x100  }
0xba: {  	[sflag:s6] =	ssyncset.done $0x0  }
0xbb: {  	[sflag:s6] =	ssyncadd.s32 $0xFFFFFF00  }
0xbc: {  	[tilespmem:s7], [sflag:$0x5] =	stream.indirect.gather [hbm4b:s1+s0], $0x80, s30, s0, $0xb8;
	[tilespmem:$0x1FB80] =	vst v63  }
0xbd: {  	_ =	swait.ge [sflag:s8], $0x100  }
0xbe: {  	[sflag:s8] =	ssyncset.done $0x0  }
0xbf: {  	[sflag:s8] =	ssyncadd.s32 $0xFFFFFF00  }
0xc0: {  	[tilespmem:s9], [sflag:$0x6] =	stream.indirect.gather [hbm4b:s1+s0], $0x80, s31, s0, $0xb8;
	[tilespmem:$0x1FB80] =	vst v63  }
0xc1: {  	_ =	swait.ge [sflag:s10], $0x4000  }
0xc2: {  	[sflag:s10] =	ssyncset.done $0x0  }
0xc3: {  	[sflag:s10] =	ssyncadd.s32 $0xFFFFC000  }
0xc4: {  	[spmem:s3] =	stream.indirect.scatter.add.f32 [tilespmem:s28], [sflag:$0x8], $0x80, s0, s0, $0xb8;
	[tilespmem:$0x1FB80] =	vst v63  }
0xc5: {  	_ =	swait.ge [sflag:s11], $0x4000  }
0xc6: {  	[sflag:s11] =	ssyncset.done $0x0  }
0xc7: {  	[sflag:s11] =	ssyncadd.s32 $0xFFFFC000  }
0xc8: {  	_ =	swait.ge [sflag:s12], $0x4000  }
0xc9: {  	[sflag:s12] =	ssyncset.done $0x0  }
0xca: {  	[sflag:s12] =	ssyncadd.s32 $0xFFFFC000  }
0xcb: {  	[spmem:s3] =	stream.indirect.scatter.add.f32 [tilespmem:s7], [sflag:$0x8], $0x80, s13, s0, $0xb8;
	[tilespmem:$0x1FB80] =	vst v63  }
0xcc: {  	_ =	swait.ge [sflag:s11], $0x4000  }
0xcd: {  	[sflag:s11] =	ssyncset.done $0x0  }
0xce: {  	[sflag:s11] =	ssyncadd.s32 $0xFFFFC000  }
0xcf: {  	_ =	swait.ge [sflag:s5], $0x4000  }
0xd0: {  	[sflag:s5] =	ssyncset.done $0x0  }
0xd1: {  	[sflag:s5] =	ssyncadd.s32 $0xFFFFC000  }
0xd2: {  	[spmem:s3] =	stream.indirect.scatter.add.f32 [tilespmem:s9], [sflag:$0x8], $0x80, s15, s0, $0xb8;
	[tilespmem:$0x1FB80] =	vst v63  }
0xd3: {  	_ =	swait.ge [sflag:s11], $0x4000  }
0xd4: {  	[sflag:s11] =	ssyncset.done $0x0  }
0xd5: {  	s17 =	simm.s32 @!p2 $0x0;
	s18 =	rddreg [dreg:$0xf];
	[sflag:s11] =	ssyncadd.s32 $0xFFFFC000  }
0xd6: {  	[tilespmem:s17], [sflag:$0x1] =	stream.linear.gather @!p2 [hbm4b:s18+s17], $0x100, $0x38;
	[tilespmem:$0x1FB80] =	vst v63  }
0xd7: {  	s18 =	simm.s32 @!p2 $0x1  }
0xd8: {  	_ =	swait.ge @!p2 [sflag:s18], $0x100  }
0xd9: {  	[sflag:s18] =	ssyncset.done @!p2 $0x0  }
0xda: {  	s26 =	simm.s32 @!p2 $0x300;
	[sflag:s18] =	ssyncadd.s32 @!p2 $0xFFFFFF00;
	s18 =	simm.s32 @!p2 $0x80  }
0xdb: {  	[tilespmem:s26], [sflag:$0x4] =	stream.indirect.gather @!p2 [hbm4b:s1+s18], $0x80, s17, s18, $0xb8;
	[tilespmem:$0x1FB80] =	vst v63  }
0xdc: {  	s17 =	simm.s32 @!p2 $0x4  }
0xdd: {  	_ =	swait.ge @!p2 [sflag:s17], $0x4000  }
0xde: {  	[sflag:s17] =	ssyncset.done @!p2 $0x0  }
0xdf: {  	[sflag:s17] =	ssyncadd.s32 @!p2 $0xFFFFC000;
	s17 =	simm.s32 @!p2 $0x8  }
0xe0: {  	[spmem:s3] =	stream.indirect.scatter.add.f32 @!p2 [tilespmem:s26], [sflag:$0x8], $0x80, s18, s18, $0xb8;
	[tilespmem:$0x1FB80] =	vst v63  }
0xe1: {  	_ =	swait.ge @!p2 [sflag:s17], $0x4000  }
0xe2: {  	[sflag:s17] =	ssyncset.done @!p2 $0x0  }
0xe3: {  	[sflag:s17] =	ssyncadd.s32 @!p2 $0xFFFFC000  }
0xe4: {  	s18 =	stileid.u32;
	[bflag:$0x0] =	sbarrier.arrive $0xFFFF  }
0xe5: {  	s17 =	sshll.u32 s18, $0x6;
	s26 =	rddreg [dreg:$0x11]  }
0xe6: {  	s17 =	sor.u32 $0x1C07, s17;
	s18 =	sshrl.u32 s26, $0x3;
	s26 =	rddreg [dreg:$0x6]  }
0xe7: {  	[hbm:s26], [sflag:s17] =	dma.local [spmem:s18], $0x500  }
0xe8: {  	s18 =	sshrl.u32 s19, $0x3;
	s26 =	rddreg [dreg:$0x7]  }
0xe9: {  	[hbm:s26], [sflag:s17] =	dma.local [spmem:s18], $0x500  }
0xea: {  	s18 =	sshrl.u32 s20, $0x3;
	s26 =	rddreg [dreg:$0x8]  }
0xeb: {  	[hbm:s26], [sflag:s17] =	dma.local [spmem:s18], $0x500  }
0xec: {  	s18 =	sshrl.u32 s21, $0x3;
	s26 =	rddreg [dreg:$0x9]  }
0xed: {  	[hbm:s26], [sflag:s17] =	dma.local [spmem:s18], $0x500  }
0xee: {  	s18 =	sshrl.u32 s22, $0x3;
	s26 =	rddreg [dreg:$0xa]  }
0xef: {  	[hbm:s26], [sflag:s17] =	dma.local [spmem:s18], $0x500  }
0xf0: {  	s18 =	sshrl.u32 s23, $0x3;
	s26 =	rddreg [dreg:$0xb]  }
0xf1: {  	[hbm:s26], [sflag:s17] =	dma.local [spmem:s18], $0x500  }
0xf2: {  	s18 =	sshrl.u32 s24, $0x3;
	s26 =	rddreg [dreg:$0xc]  }
0xf3: {  	[hbm:s26], [sflag:s17] =	dma.local [spmem:s18], $0x500  }
0xf4: {  	s18 =	sshrl.u32 @!p0 s25, $0x3;
	s26 =	rddreg [dreg:$0xd]  }
0xf5: {  	[hbm:s26], [sflag:s17] =	dma.local @!p0 [spmem:s18], $0x500  }
0xf6: {  	_ =	swait.ge [sflag:s29], $0x500  }
0xf7: {  	[sflag:s29] =	ssyncset.done $0x0  }
0xf8: {  	[sflag:s29] =	ssyncadd.s32 $0xFFFFFB00  }
0xf9: {  	_ =	swait.ge [sflag:s29], $0x500  }
0xfa: {  	[sflag:s29] =	ssyncset.done $0x0  }
0xfb: {  	[sflag:s29] =	ssyncadd.s32 $0xFFFFFB00  }
0xfc: {  	_ =	swait.ge [sflag:s29], $0x500  }
0xfd: {  	[sflag:s29] =	ssyncset.done $0x0  }
0xfe: {  	[sflag:s29] =	ssyncadd.s32 $0xFFFFFB00  }
0xff: {  	_ =	swait.ge [sflag:s29], $0x500  }
0x100: {  	[sflag:s29] =	ssyncset.done $0x0  }
0x101: {  	[sflag:s29] =	ssyncadd.s32 $0xFFFFFB00  }
0x102: {  	_ =	swait.ge [sflag:s29], $0x500  }
0x103: {  	[sflag:s29] =	ssyncset.done $0x0  }
0x104: {  	[sflag:s29] =	ssyncadd.s32 $0xFFFFFB00  }
0x105: {  	_ =	swait.ge [sflag:s29], $0x500  }
0x106: {  	[sflag:s29] =	ssyncset.done $0x0  }
0x107: {  	[sflag:s29] =	ssyncadd.s32 $0xFFFFFB00  }
0x108: {  	_ =	swait.ge [sflag:s29], $0x500  }
0x109: {  	[sflag:s29] =	ssyncset.done $0x0  }
0x10a: {  	s17 =	simm.s32 @!p1 $0x7;
	[sflag:s29] =	ssyncadd.s32 $0xFFFFFB00  }
0x10b: {  	_ =	swait.ge @!p1 [sflag:s17], $0x500  }
0x10c: {  	s16 =	sadd.s32 $0x1, s16;
	s26 =	rddreg [dreg:$0x10]  }
0x10d: {  	p3 =	sne.s32 s16, s26  }
.Ltmp2:
0x10e: {  	_ = 	snop;
	(pc) =	sbr.rel @p3 .LBB2_1-.Ltmp2, $3  }
0x10f: {  	_ =	sdelay $0x1  }
0x110: {  	[sflag:s17] =	ssyncset.done @!p1 $0x0  }
0x111: {  	[sflag:s17] =	ssyncadd.s32 @!p1 $0xFFFFFB00  }
0x112: {  	_ =	sfence.sel $0x180000  }
0x113: {  	[bflag:$0x0] =	sbarrier.arrive $0xFFFF  }
0x114: {  	_ =	strace $0x9000004A  }
0x115: {  	s0 =	stileid.u32;
	[bflag:$0x2] =	sbarrier.arrive $0xFFFF  }
0x116: {  	p0 =	sne.s32 s0, $0x0;
	s0 =	rddreg [dreg:$0x4]  }
0x117: {  	s0 =	sadd.s32 @!p0 $0x100000, s0  }
0x118: {  	[sflag:s0] =	ssyncadd.tile.s32 @!p0 $0x1;
	_ =	shalt  }
.Lfunc_end2:
_tile_overlayer_lowered:
.L_overlay_start_2:
0x119: {  	(tag) =	ssettag $0x2  }
0x11a: {  	s0 =	rddreg [dreg:$0x0];
	s2 =	stileid.u32  }
0x11b: {  	s1 =	rddreg [dreg:$0x1];
	p0 =	sne.s32 s2, $0x0  }
0x11c: {  	s3 =	rddreg [dreg:$0x2];
	[bflag:$0x3] =	sbarrier.arrive $0xFFFF;
	s2 =	simm.s32 @!p0 $0x1C08  }
0x11d: {  	[timem:s3], [sflag:s2] =	dma.local @!p0 [hbm:s0], s1  }
0x11e: {  	s0 =	simm.s32 @!p0 $0x8  }
0x11f: {  	_ =	swait.ge @!p0 [sflag:s0], s1  }
0x120: {  	s1 =	ssub.s32 @!p0 $0x0, s1;
	[sflag:s0] =	ssyncset.done @!p0 $0x0  }
0x121: {  	[sflag:s0] =	ssyncadd.s32 @!p0 s1  }
0x122: {  	[bflag:$0x3] =	sbarrier.arrive $0xFFFF  }
0x123: {  	_ =	shalt  }

// kernel: kernel.14.cloned.1.call-start
scs
__scs_entry_jumppad:
0x0: {  	(pc) =	sbr.rel $0x88, $3  }
0x1: {  	(tag) =	ssettag $0x0;
	lr =	simm.s32 $0x1  }
0x2: {  	[smem:$0x3F9B] =	sst lr;
	_ =	strace $0xD0000000  }
0x3: {  	_ = 	snop  }
0x4: {  	_ = 	snop  }
0x5: {  	_ = 	snop  }
0x6: {  	_ = 	snop  }
0x7: {  	_ = 	snop  }
__scs_overlays_trampoline_lowered:
0x8: {  	[smem:$0x3FAA] =	sst s0  }
0x9: {  	[smem:$0x3FAB] =	sst s1  }
0xa: {  	[smem:$0x3FAC] =	sst s2  }
0xb: {  	[smem:$0x3FAD] =	sst s3  }
0xc: {  	[smem:$0x3FAE] =	sst s4  }
0xd: {  	[smem:$0x3FAF] =	sst s5  }
0xe: {  	[smem:$0x3FB0] =	sst s6  }
0xf: {  	[smem:$0x3FB1] =	sst s7  }
0x10: {  	[smem:$0x3FB2] =	sst s8  }
0x11: {  	[smem:$0x3FB3] =	sst s9;
	s0 =	simm.s32 @!p0 $0x0  }
0x12: {  	s1 =	sld [smem:$0x3F99];
	s0 =	simm.s32 @p0 $0x1  }
0x13: {  	[smem:$0x3FB4] =	sst s0;
	s0 =	simm.s32 @!p1 $0x0  }
0x14: {  	s2 =	sld [smem:$0x3F98];
	s0 =	simm.s32 @p1 $0x1  }
0x15: {  	[smem:$0x3FB5] =	sst s0;
	s0 =	simm.s32 @!p2 $0x0  }
0x16: {  	s3 =	sld [smem:$0x3FDB];
	s0 =	simm.s32 @p2 $0x1  }
0x17: {  	s4 =	simm.s32 $0x1BF5;
	[smem:$0x3FB7] =	sst s0  }
0x18: {  	s0 =	sld [smem:$0x3F9A];
	_ =	swait.ge [sflag:s4], $0x0  }
0x19: {  	s7 =	sld [smem:$0x3F9B]  }
0x1a: {  	s8 =	sadd.s32 $0xFFFFE003, lr  }
0x1b: {  	s9 =	sadd.s32 $0xFFFFFEF7, lr;
	s5 =	simm.s32 $0xFFFFFFFF;
	p2 =	slt.u32 s8, $0xFFFFF086  }
0x1c: {  	p1 =	slt.u32 s9, $0xF7A;
	s5 =	simm.s32 @!p2 $0x0  }
0x1d: {  	s5 =	simm.s32 @p1 $0x1;
	p0 =	seq.s32 s7, s2  }
0x1e: {  	s7 =	smul.u32 @!p0 $0xF7A, s2;
	p2 =	seq.s32 @!p0 s5, $0x0  }
0x1f: {  	s9 =	smul.u32 $0xF7A, s1;
	s8 =	simm.s32 @!p0 $0x1BF5;
	p2 =	por !p2, p0  }
0x20: {  	[sflag:s8] =	ssyncset.s32 @!p0 $0xFFFFF086;
	s6 =	sadd.s32 @!p0 s3, s7;
	s7 =	simm.s32 @!p0 $0x108  }
0x21: {  	s3 =	sadd.s32 s3, s9;
	s6 =	sadd.s32 @!p0 $0x88, s6;
	s7 =	simm.s32 @p2 $0x1082  }
0x22: {  	[simem:s7], [sflag:s8] =	dma.local @!p0 [hbm:s6], $0xF7A  }
0x23: {  	s9 =	sor.u32 $0xD0000000, s2;
	s6 =	simm.s32 $0x108;
	_ =	swait.ge @!p0 [sflag:s8], $0x0  }
0x24: {  	s3 =	sadd.s32 $0x88, s3;
	s6 =	simm.s32 @!p1 $0x1082;
	[sflag:s4] =	ssyncset.s32 $0xFFFFF086  }
0x25: {  	[simem:s6], [sflag:s4] =	dma.local [hbm:s3], $0xF7A  }
0x26: {  	[smem:$0x3F9B] =	sst s1;
	(tag) =	ssettag s2;
	_ =	strace s9  }
0x27: {  	s1 =	sld [smem:$0x3FAB]  }
0x28: {  	s2 =	sld [smem:$0x3FAC]  }
0x29: {  	s4 =	sld [smem:$0x3FAE]  }
0x2a: {  	p0 =	seq.s32 s5, $0x0;
	s5 =	sld [smem:$0x3FAF]  }
0x2b: {  	s6 =	sld [smem:$0x3FB0]  }
0x2c: {  	s7 =	sld [smem:$0x3FB1]  }
0x2d: {  	s3 =	simm.s32 $0x108;
	s8 =	sld [smem:$0x3FB2]  }
0x2e: {  	s3 =	simm.s32 @!p0 $0x1082;
	s9 =	sld [smem:$0x3FB3]  }
0x2f: {  	lr =	sadd.s32 s0, s3;
	s0 =	sld [smem:$0x3FAA]  }
0x30: {  	s3 =	sld [smem:$0x3FAD]  }
0x31: {  	[smem:$0x3FB6] =	sst s10  }
0x32: {  	s10 =	sld [smem:$0x3FB4];
	_ =	sdelay $0x3  }
0x33: {  	p0 =	seq.s32 s10, $0x1;
	s10 =	sld [smem:$0x3FB6];
	_ =	sdelay $0x3  }
0x34: {  	[smem:$0x3FB6] =	sst s10  }
0x35: {  	s10 =	sld [smem:$0x3FB5];
	_ =	sdelay $0x3  }
0x36: {  	p1 =	seq.s32 s10, $0x1;
	s10 =	sld [smem:$0x3FB6];
	_ =	sdelay $0x3  }
0x37: {  	[smem:$0x3FB6] =	sst s10  }
0x38: {  	s10 =	sld [smem:$0x3FB7]  }
0x39: {  	_ = 	snop;
	(pc) =	sbr.ind lr, $3  }
0x3a: {  	_ = 	snop  }
0x3b: {  	_ = 	snop  }
0x3c: {  	p2 =	seq.s32 s10, $0x1;
	s10 =	sld [smem:$0x3FB6]  }
0x3d: {  	_ =	shalt  }
0x3e: {  	_ =	shalt  }
0x3f: {  	_ =	shalt  }
0x40: {  	_ =	shalt  }
0x41: {  	_ =	shalt  }
0x42: {  	_ =	shalt  }
0x43: {  	_ =	shalt  }
0x44: {  	_ =	shalt  }
0x45: {  	_ =	shalt  }
0x46: {  	_ =	shalt  }
0x47: {  	_ =	shalt  }
0x48: {  	_ =	shalt  }
0x49: {  	_ =	shalt  }
0x4a: {  	_ =	shalt  }
0x4b: {  	_ =	shalt  }
0x4c: {  	_ =	shalt  }
0x4d: {  	_ =	shalt  }
0x4e: {  	_ =	shalt  }
0x4f: {  	_ =	shalt  }
0x50: {  	_ =	shalt  }
0x51: {  	_ =	shalt  }
0x52: {  	_ =	shalt  }
0x53: {  	_ =	shalt  }
0x54: {  	_ =	shalt  }
0x55: {  	_ =	shalt  }
0x56: {  	_ =	shalt  }
0x57: {  	_ =	shalt  }
0x58: {  	_ =	shalt  }
0x59: {  	_ =	shalt  }
0x5a: {  	_ =	shalt  }
0x5b: {  	_ =	shalt  }
0x5c: {  	_ =	shalt  }
0x5d: {  	_ =	shalt  }
0x5e: {  	_ =	shalt  }
0x5f: {  	_ =	shalt  }
0x60: {  	_ =	shalt  }
0x61: {  	_ =	shalt  }
0x62: {  	_ =	shalt  }
0x63: {  	_ =	shalt  }
0x64: {  	_ =	shalt  }
0x65: {  	_ =	shalt  }
0x66: {  	_ =	shalt  }
0x67: {  	_ =	shalt  }
0x68: {  	_ =	shalt  }
0x69: {  	_ =	shalt  }
0x6a: {  	_ =	shalt  }
0x6b: {  	_ =	shalt  }
0x6c: {  	_ =	shalt  }
0x6d: {  	_ =	shalt  }
0x6e: {  	_ =	shalt  }
0x6f: {  	_ =	shalt  }
0x70: {  	_ =	shalt  }
0x71: {  	_ =	shalt  }
0x72: {  	_ =	shalt  }
0x73: {  	_ =	shalt  }
0x74: {  	_ =	shalt  }
0x75: {  	_ =	shalt  }
0x76: {  	_ =	shalt  }
0x77: {  	_ =	shalt  }
0x78: {  	_ =	shalt  }
0x79: {  	_ =	shalt  }
0x7a: {  	_ =	shalt  }
0x7b: {  	_ =	shalt  }
0x7c: {  	_ =	shalt  }
0x7d: {  	_ =	shalt  }
0x7e: {  	_ =	shalt  }
0x7f: {  	_ =	shalt  }
0x80: {  	_ =	shalt  }
0x81: {  	_ =	shalt  }
0x82: {  	_ =	shalt  }
0x83: {  	_ =	shalt  }
0x84: {  	_ =	shalt  }
0x85: {  	_ =	shalt  }
0x86: {  	_ =	shalt  }
0x87: {  	_ =	shalt  }
.Lfunc_end0:
.L_simem_size_0:
called_computation.2_lowered:
.L_overlay_start_0:
0x88: {  	s2 =	sld [smem:$0x3FD9]  }
0x89: {  	s3 =	sld [smem:$0x3FFE];
	_ =	sdelay $0x1  }
0x8a: {  	s1 =	srdreg.scid  }
0x8b: {  	s0 =	sand.u32 $0x1, s1  }
0x8c: {  	s17 =	sshll.u32 s0, $0xA;
	s2 =	sadd.s32 s3, s2  }
0x8d: {  	s2 =	sadd.s32 s2, s17  }
0x8e: {  	[smem:$0x3FC2] =	sst s2  }
0x8f: {  	_ = 	snop  }
0x90: {  	s2 =	sld [smem:$0x3FC8]  }
0x91: {  	s18 =	sld [smem:$0x3FD0];
	(tm) =	ssettm $0x1  }
0x92: {  	s4 =	sld [smem:$0x3FFB];
	_ =	sdelay $0x3  }
0x93: {  	_ =	strace s4  }
0x94: {  	s4 =	sld [smem:$0x3FFC];
	_ =	sdelay $0x3  }
0x95: {  	_ =	strace s4  }
0x96: {  	s4 =	sld [smem:$0x3FFD];
	_ =	sdelay $0x3  }
0x97: {  	_ =	strace s4  }
0x98: {  	_ =	strace $0x8FFFFFFF  }
0x99: {  	s19 =	sld [smem:$0x3FDB];
	_ =	sdelay $0x1  }
0x9a: {  	s5 =	simm.s32 $_scs_section_size  }
0x9b: {  	s6 =	simm.s32 $_size__tile_overlayer_lowered;
	s7 =	simm.s32 $_tile_overlayer_lowered  }
0x9c: {  	s22 =	simm.s32 $0x1BFF;
	s21 =	sshll.u32 s7, $0x1;
	s4 =	sadd.s32 s5, s19  }
0x9d: {  	s8 =	simm.s32 $0x0;
	s20 =	sshll.u32 s6, $0x1;
	s6 =	sadd.s32 s21, s4  }
0x9e: {  	[timem:s8], [sflag:s22] =	dma.local [hbm:s6], s20  }
0x9f: {  	_ =	swait.ge [sflag:s22], s20  }
0xa0: {  	s5 =	ssub.s32 $0x0, s20;
	[sflag:s22] =	ssyncset.done $0x0  }
0xa1: {  	[sflag:s22] =	ssyncadd.s32 s5;
	_ =	sdelay $0x1  }
0xa2: {  	s23 =	simm.s32 $0x1B8B  }
0xa3: {  	_ =	swait.ge [sflag:s23], $0x1  }
0xa4: {  	[sflag:s23] =	ssyncset.done $0x0  }
0xa5: {  	s25 =	simm.s32 $0x1B8E;
	s24 =	sld [smem:$0x3FFE];
	[sflag:s23] =	ssyncadd.s32 $0xFFFFFFFF  }
0xa6: {  	s26 =	simm.s32 $execute0_lowered;
	[smem:$0x3FD2] =	sst s25  }
0xa7: {  	s6 =	sshll.u32 s26, $0x1;
	_ =	strace $0x8000004C;
	[dreg:$0x1] =	wrdreg $0xFFFFFFFF  }
0xa8: {  	s28 =	simm.s32 $_size_execute0_lowered;
	s4 =	sadd.s32 s4, s6;
	[dreg:$0x0] =	wrdreg $0x0  }
0xa9: {  	s6 =	sshll.u32 s28, $0x1;
	[dreg:$0x2] =	wrdreg s4  }
0xaa: {  	[dreg:$0x3] =	wrdreg s6  }
0xab: {  	[dreg:$0x4] =	wrdreg $0xC0  }
0xac: {  	_ =	task [dreg:s8], $0x5FFFF  }
0xad: {  	[dreg:$0x1] =	wrdreg $0xFFFFFFFF  }
0xae: {  	[dreg:$0x0] =	wrdreg $0x60  }
0xaf: {  	[dreg:$0x2] =	wrdreg s18  }
0xb0: {  	[dreg:$0x3] =	wrdreg s2  }
0xb1: {  	[dreg:$0x4] =	wrdreg s24  }
0xb2: {  	[dreg:$0x5] =	wrdreg $0xC3000  }
0xb3: {  	[dreg:$0x6] =	wrdreg $0x9  }
0xb4: {  	_ =	task.clear_ibuf [dreg:s8], $0x7FFFF;
	_ =	strace $0x9000004C  }
0xb5: {  	s29 =	simm.s32 $0x9;
	_ =	strace $0x8000004E  }
0xb6: {  	_ =	swait.ge [sflag:s29], $0x1  }
0xb7: {  	[sflag:s29] =	ssyncadd.s32 $0xFFFFFFFF  }
0xb8: {  	_ =	strace $0x9000004E  }
0xb9: {  	_ =	sfence  }
0xba: {  	s30 =	sld [smem:$0x0];
	_ =	sdelay $0x2  }
0xbb: {  	s31 =	sshll.u32 s1, $0xD;
	s1 =	sshrl.u32 s1, $0x2  }
0xbc: {  	s3 =	sand.u32 $0x4000, s31;
	s1 =	sadd.s32 s1, s30  }
0xbd: {  	s0 =	sor.u32 s3, s0;
	s1 =	sshll.u32 s1, $0x11  }
0xbe: {  	s0 =	sor.u32 s1, s0  }
0xbf: {  	s0 =	sadd.s32 $0x8F2B, s0  }
0xc0: {  	[sflag:s0] =	ssyncadd.remote.s32 $0x1  }
0xc1: {  	_ =	sfence.sel $0xFFFF  }
0xc2: {  	[dreg:$0x0] =	wrdreg $0xFFFFFFFF;
	(pc) =	sbr.abs _section_cstart, $3  }
0xc3: {  	[dreg:$0x1] =	wrdreg $0xFFFFFFFF  }
0xc4: {  	_ =	task.clear_ibuf [dreg:s8], $0x2FFFF;
	_ =	strace $0x9FFFFFFF  }
0xc5: {  	(tm) =	ssettm $0x7FFFFFFF  }
tec
execute0_lowered:
.L_overlay_start_1:
0x0: {  	(tag) =	ssettag $0x1  }
0x1: {  	s26 =	stileid.u32  }
0x2: {  	s2 =	srdreg.scid;
	s7 =	smul.u32 $0x4E, s26  }
0x3: {  	s1 =	rddreg [dreg:$0x0];
	s2 =	sand.u32 $0x1, s2;
	s4 =	smul.u32 $0x2800, s26  }
0x4: {  	s0 =	rddreg [dreg:$0x1];
	s5 =	smul.u32 $0x4E2, s2  }
0x5: {  	s6 =	rddreg [dreg:$0x2];
	s9 =	sor.u32 $0x10, s26;
	s8 =	smul.u32 $0x138800, s2  }
0x6: {  	s3 =	rddreg [dreg:$0x3];
	s11 =	sor.u32 $0x20, s26;
	s12 =	smul.u32 $0x2800, s9  }
0x7: {  	s29 =	simm.s32 $0x7;
	s15 =	sor.u32 $0x30, s26;
	s14 =	smul.u32 $0x2800, s11  }
0x8: {  	s30 =	simm.s32 $0x100;
	s17 =	sor.u32 $0x50, s26;
	s16 =	smul.u32 $0x2800, s15  }
0x9: {  	s31 =	simm.s32 $0x200;
	s22 =	sor.u32 $0x60, s26;
	s25 =	smul.u32 $0x2800, s17  }
0xa: {  	s23 =	sor.u32 $0x70, s26;
	s6 =	sadd.s32 $0x2200, s6;
	s20 =	smul.u32 $0x2800, s22  }
0xb: {  	p1 =	sgt.u32 s26, $0xC;
	s10 =	ssub.s32 $0x2, s2;
	s21 =	smul.u32 $0x2800, s23  }
0xc: {  	p2 =	sgt.u32 s26, $0x1;
	s2 =	smul.u32 $0x9C40, s2;
	s13 =	sshrl.u32 s10, $0x1  }
0xd: {  	p0 =	sgt.u32 s23, $0x7C;
	s10 =	ssub.s32 s10, s13;
	s13 =	sor.u32 $0x40, s26  }
0xe: {  	s19 =	sadd.s32 s8, s4;
	s12 =	sadd.s32 s8, s12;
	s14 =	sadd.s32 s8, s14  }
0xf: {  	s16 =	sadd.s32 s8, s16;
	s24 =	sadd.s32 s8, s25;
	s20 =	sadd.s32 s8, s20  }
0x10: {  	s4 =	simm.s32 $0x0;
	s7 =	sadd.s32 s7, s5;
	s5 =	sadd.s32 s26, s5  }
0x11: {  	s18 =	smul.u32 $0x2800, s13;
	[smem:$0x7FF] =	sst s4;
	s7 =	sshll.u32 s7, $0x5  }
0x12: {  	s5 =	sshll.u32 s5, $0x5;
	s19 =	sshrl.u32 s19, $0x3;
	s12 =	sshrl.u32 s12, $0x3  }
0x13: {  	s14 =	sshrl.u32 s14, $0x3;
	_ =	strace $0x8000004D;
	s28 =	sadd.s32 s0, s7  }
0x14: {  	s7 =	sadd.s32 s6, s19;
	s25 =	sadd.s32 s6, s14;
	s5 =	sadd.s32 s0, s5  }
0x15: {  	s0 =	sadd.s32 s2, s0;
	s18 =	sadd.s32 s8, s18;
	[dreg:$0x6] =	wrdreg s7  }
0x16: {  	s8 =	sadd.s32 s8, s21;
	s21 =	sadd.s32 s6, s12;
	[dreg:$0x8] =	wrdreg s25  }
0x17: {  	s12 =	sshrl.u32 s16, $0x3;
	s16 =	sshrl.u32 s24, $0x3;
	s24 =	smul.u32 $0x9C0, s26  }
0x18: {  	s25 =	smul.u32 $0xA000, s26;
	s5 =	sadd.s32 $0x9C00, s5;
	[dreg:$0x5] =	wrdreg s28  }
0x19: {  	s26 =	sadd.s32 $0x40, s28;
	[dreg:$0x7] =	wrdreg s21;
	s14 =	sshrl.u32 s18, $0x3  }
0x1a: {  	s7 =	sadd.s32 s6, s12;
	s19 =	sadd.s32 s6, s16;
	s12 =	smul.u32 $0xA000, s13  }
0x1b: {  	s21 =	sshrl.u32 s20, $0x3;
	[dreg:$0xf] =	wrdreg s5;
	s16 =	smul.u32 $0xA000, s17  }
0x1c: {  	s8 =	sshrl.u32 s8, $0x3;
	s17 =	smul.u32 $0xA000, s22;
	[dreg:$0x12] =	wrdreg s26  }
0x1d: {  	s5 =	simm.s32 $0x6;
	[dreg:$0x9] =	wrdreg s7;
	s18 =	sadd.s32 s6, s14  }
0x1e: {  	[dreg:$0xb] =	wrdreg s19;
	s7 =	sadd.s32 s6, s21;
	s6 =	sadd.s32 s6, s8  }
0x1f: {  	s14 =	sadd.s32 s24, s0;
	s8 =	smul.u32 $0xA000, s9;
	[dreg:$0xa] =	wrdreg s18  }
0x20: {  	s9 =	smax.u32 s10, $0x1;
	s10 =	smul.u32 $0xA000, s11;
	[dreg:$0xc] =	wrdreg s7  }
0x21: {  	s2 =	sshrl.u32 s25, $0x2;
	s11 =	smul.u32 $0xA000, s15;
	[dreg:$0xd] =	wrdreg s6  }
0x22: {  	s7 =	sadd.s32 $0x20, s28;
	[dreg:$0x10] =	wrdreg s9;
	s2 =	sadd.s32 s2, s3  }
0x23: {  	s18 =	smul.u32 $0xA000, s23;
	s24 =	sshrl.u32 s16, $0x2;
	s28 =	simm.s32 $0x300  }
0x24: {  	s6 =	simm.s32 $0x2;
	s9 =	simm.s32 $0x8300;
	[dreg:$0xe] =	wrdreg s7  }
0x25: {  	s16 =	simm.s32 $0x0;
	s0 =	sshrl.u32 s8, $0x2;
	[dreg:$0x11] =	wrdreg s2  }
0x26: {  	s13 =	sshrl.u32 s10, $0x2;
	s15 =	sshrl.u32 s11, $0x2;
	s2 =	sshrl.u32 s17, $0x2  }
0x27: {  	s23 =	sadd.s32 s24, s3;
	s7 =	simm.s32 $0x4300;
	s8 =	simm.s32 $0x3  }
0x28: {  	s10 =	simm.s32 $0x4;
	s11 =	simm.s32 $0x8;
	s19 =	sadd.s32 s0, s3  }
0x29: {  	s20 =	sadd.s32 s13, s3;
	s21 =	sadd.s32 s15, s3;
	s0 =	sshrl.u32 s12, $0x2  }
0x2a: {  	s24 =	sadd.s32 s2, s3;
	s25 =	sshrl.u32 s18, $0x2;
	s2 =	simm.s32 $0x1  }
0x2b: {  	s12 =	simm.s32 $0x5;
	s13 =	simm.s32 $0x180;
	s15 =	simm.s32 $0x280  }
0x2c: {  	v0 =	vimm.f32 $0.0e+00;
	s22 =	sadd.s32 s0, s3;
	s25 =	sadd.s32 s25, s3;
	s0 =	simm.s32 $0x80  }
.LBB2_1:
0x2d: {  	s17 =	simm.s32 $0x0;
	s26 =	simm.s32 $0x200  }
.LBB2_2:
0x2e: {  	p3 =	sne.s32 s26, $0xFE00;
	[tilespmem:s17+$0x370] =	vst v0  }
0x2f: {  	[tilespmem:s17+$0x300] =	vst v0  }
0x30: {  	[tilespmem:s17+$0x310] =	vst v0  }
.Ltmp0:
0x31: {  	[tilespmem:s17+$0x320] =	vst v0;
	(pc) =	sbr.rel @p3 .LBB2_2-.Ltmp0, $4  }
0x32: {  	[tilespmem:s17+$0x330] =	vst v0  }
0x33: {  	[tilespmem:s17+$0x340] =	vst v0  }
0x34: {  	[tilespmem:s17+$0x350] =	vst v0  }
0x35: {  	[tilespmem:s17+$0x360] =	vst v0;
	s17 =	sshra.s32 s26, $0x2;
	s26 =	sadd.s32 $0x200, s26  }
0x36: {  	[tilespmem:s17+$0x370] =	vst v0  }
0x37: {  	[tilespmem:s17+$0x300] =	vst v0  }
0x38: {  	[tilespmem:s17+$0x310] =	vst v0  }
0x39: {  	[tilespmem:s17+$0x320] =	vst v0  }
0x3a: {  	[tilespmem:s17+$0x330] =	vst v0  }
0x3b: {  	[tilespmem:s17+$0x340] =	vst v0  }
0x3c: {  	[tilespmem:s17+$0x350] =	vst v0  }
0x3d: {  	[tilespmem:s17+$0x360] =	vst v0;
	s18 =	rddreg [dreg:$0x11]  }
0x3e: {  	[spmem:s18] =	stream.linear.scatter [tilespmem:s28], [sflag:$0x7], $0x2800, $0x38;
	[tilespmem:$0x1FB80] =	vst v63  }
0x3f: {  	_ = 	snop  }
0x40: {  	[spmem:s19] =	stream.linear.scatter [tilespmem:s28], [sflag:$0x7], $0x2800, $0x38;
	[tilespmem:$0x1FB80] =	vst v63  }
0x41: {  	_ = 	snop  }
0x42: {  	[spmem:s20] =	stream.linear.scatter [tilespmem:s28], [sflag:$0x7], $0x2800, $0x38;
	[tilespmem:$0x1FB80] =	vst v63  }
0x43: {  	_ = 	snop  }
0x44: {  	[spmem:s21] =	stream.linear.scatter [tilespmem:s28], [sflag:$0x7], $0x2800, $0x38;
	[tilespmem:$0x1FB80] =	vst v63  }
0x45: {  	_ = 	snop  }
0x46: {  	[spmem:s22] =	stream.linear.scatter [tilespmem:s28], [sflag:$0x7], $0x2800, $0x38;
	[tilespmem:$0x1FB80] =	vst v63  }
0x47: {  	_ = 	snop  }
0x48: {  	[spmem:s23] =	stream.linear.scatter [tilespmem:s28], [sflag:$0x7], $0x2800, $0x38;
	[tilespmem:$0x1FB80] =	vst v63  }
0x49: {  	_ = 	snop  }
0x4a: {  	[spmem:s24] =	stream.linear.scatter [tilespmem:s28], [sflag:$0x7], $0x2800, $0x38;
	[tilespmem:$0x1FB80] =	vst v63  }
0x4b: {  	s17 =	simm.s32 @!p0 $0x300  }
0x4c: {  	[spmem:s25] =	stream.linear.scatter @!p0 [tilespmem:s17], [sflag:$0x7], $0x2800, $0x38;
	[tilespmem:$0x1FB80] =	vst v63  }
0x4d: {  	_ =	swait.ge [sflag:s29], $0x2800  }
0x4e: {  	[sflag:s29] =	ssyncset.done $0x0  }
0x4f: {  	[sflag:s29] =	ssyncadd.s32 $0xFFFFD800  }
0x50: {  	_ =	swait.ge [sflag:s29], $0x2800  }
0x51: {  	[sflag:s29] =	ssyncset.done $0x0  }
0x52: {  	[sflag:s29] =	ssyncadd.s32 $0xFFFFD800  }
0x53: {  	_ =	swait.ge [sflag:s29], $0x2800  }
0x54: {  	[sflag:s29] =	ssyncset.done $0x0  }
0x55: {  	[sflag:s29] =	ssyncadd.s32 $0xFFFFD800  }
0x56: {  	_ =	swait.ge [sflag:s29], $0x2800  }
0x57: {  	[sflag:s29] =	ssyncset.done $0x0  }
0x58: {  	[sflag:s29] =	ssyncadd.s32 $0xFFFFD800  }
0x59: {  	_ =	swait.ge [sflag:s29], $0x2800  }
0x5a: {  	[sflag:s29] =	ssyncset.done $0x0  }
0x5b: {  	[sflag:s29] =	ssyncadd.s32 $0xFFFFD800  }
0x5c: {  	_ =	swait.ge [sflag:s29], $0x2800  }
0x5d: {  	[sflag:s29] =	ssyncset.done $0x0  }
0x5e: {  	[sflag:s29] =	ssyncadd.s32 $0xFFFFD800  }
0x5f: {  	_ =	swait.ge [sflag:s29], $0x2800  }
0x60: {  	[sflag:s29] =	ssyncset.done $0x0  }
0x61: {  	s17 =	simm.s32 @!p1 $0x7;
	[sflag:s29] =	ssyncadd.s32 $0xFFFFD800  }
0x62: {  	_ =	swait.ge @!p1 [sflag:s17], $0x2800  }
0x63: {  	[sflag:s17] =	ssyncset.done @!p1 $0x0  }
0x64: {  	[sflag:s17] =	ssyncadd.s32 @!p1 $0xFFFFD800  }
0x65: {  	[bflag:$0x0] =	sbarrier.arrive $0xFFFF  }
0x66: {  	s26 =	rddreg [dreg:$0x5]  }
0x67: {  	[tilespmem:s4], [sflag:$0x1] =	stream.linear.gather [hbm4b:s26+s4], $0x100, $0x38;
	[tilespmem:$0x1FB80] =	vst v63  }
0x68: {  	s18 =	rddreg [dreg:$0xe]  }
0x69: {  	[tilespmem:s30], [sflag:$0x2] =	stream.linear.gather [hbm4b:s18+s4], $0x100, $0x38;
	[tilespmem:$0x1FB80] =	vst v63  }
0x6a: {  	s26 =	rddreg [dreg:$0x12]  }
0x6b: {  	[tilespmem:s31], [sflag:$0x3] =	stream.linear.gather [hbm4b:s26+s4], $0x100, $0x38;
	[tilespmem:$0x1FB80] =	vst v63  }
0x6c: {  	_ =	swait.ge [sflag:s2], $0x100  }
0x6d: {  	[sflag:s2] =	ssyncset.done $0x0  }
0x6e: {  	[sflag:s2] =	ssyncadd.s32 $0xFFFFFF00  }
0x6f: {  	[tilespmem:s28], [sflag:$0x4] =	stream.indirect.gather [hbm4b:s1+s0], $0x80, s4, s0, $0xb8;
	[tilespmem:$0x1FB80] =	vst v63  }
0x70: {  	_ =	swait.ge [sflag:s6], $0x100  }
0x71: {  	[sflag:s6] =	ssyncset.done $0x0  }
0x72: {  	[sflag:s6] =	ssyncadd.s32 $0xFFFFFF00  }
0x73: {  	[tilespmem:s7], [sflag:$0x5] =	stream.indirect.gather [hbm4b:s1+s0], $0x80, s30, s0, $0xb8;
	[tilespmem:$0x1FB80] =	vst v63  }
0x74: {  	_ =	swait.ge [sflag:s8], $0x100  }
0x75: {  	[sflag:s8] =	ssyncset.done $0x0  }
0x76: {  	[sflag:s8] =	ssyncadd.s32 $0xFFFFFF00  }
0x77: {  	[tilespmem:s9], [sflag:$0x6] =	stream.indirect.gather [hbm4b:s1+s0], $0x80, s31, s0, $0xb8;
	[tilespmem:$0x1FB80] =	vst v63  }
0x78: {  	_ =	swait.ge [sflag:s10], $0x4000  }
0x79: {  	[sflag:s10] =	ssyncset.done $0x0  }
0x7a: {  	[sflag:s10] =	ssyncadd.s32 $0xFFFFC000  }
0x7b: {  	[spmem:s3] =	stream.indirect.scatter.add.f32 [tilespmem:s28], [sflag:$0x8], $0x80, s0, s0, $0xb8;
	[tilespmem:$0x1FB80] =	vst v63  }
0x7c: {  	_ =	swait.ge [sflag:s11], $0x4000  }
0x7d: {  	s26 =	sadd.s32 $0xFFFFF6A0, s14;
	[sflag:s11] =	ssyncset.done $0x0  }
0x7e: {  	s18 =	sadd.s32 $0x9C0, s26;
	[sflag:s11] =	ssyncadd.s32 $0xFFFFC000  }
0x7f: {  	[tilespmem:s4], [sflag:$0x1] =	stream.linear.gather [hbm4b:s18+s4], $0x100, $0x38;
	[tilespmem:$0x1FB80] =	vst v63  }
0x80: {  	_ =	swait.ge [sflag:s12], $0x4000  }
0x81: {  	[sflag:s12] =	ssyncset.done $0x0  }
0x82: {  	[sflag:s12] =	ssyncadd.s32 $0xFFFFC000  }
0x83: {  	[spmem:s3] =	stream.indirect.scatter.add.f32 [tilespmem:s7], [sflag:$0x8], $0x80, s13, s0, $0xb8;
	[tilespmem:$0x1FB80] =	vst v63  }
0x84: {  	_ =	swait.ge [sflag:s11], $0x4000  }
0x85: {  	[sflag:s11] =	ssyncset.done $0x0  }
0x86: {  	s18 =	sadd.s32 $0x9E0, s26;
	[sflag:s11] =	ssyncadd.s32 $0xFFFFC000  }
0x87: {  	[tilespmem:s30], [sflag:$0x2] =	stream.linear.gather [hbm4b:s18+s4], $0x100, $0x38;
	[tilespmem:$0x1FB80] =	vst v63  }
0x88: {  	_ =	swait.ge [sflag:s5], $0x4000  }
0x89: {  	[sflag:s5] =	ssyncset.done $0x0  }
0x8a: {  	[sflag:s5] =	ssyncadd.s32 $0xFFFFC000  }
0x8b: {  	[spmem:s3] =	stream.indirect.scatter.add.f32 [tilespmem:s9], [sflag:$0x8], $0x80, s15, s0, $0xb8;
	[tilespmem:$0x1FB80] =	vst v63  }
0x8c: {  	_ =	swait.ge [sflag:s11], $0x4000  }
0x8d: {  	[sflag:s11] =	ssyncset.done $0x0  }
0x8e: {  	s17 =	simm.s32 $0xFFFFF700;
	s26 =	sadd.s32 $0xA00, s26;
	[sflag:s11] =	ssyncadd.s32 $0xFFFFC000  }
.LBB2_4:
0x8f: {  	[tilespmem:s31], [sflag:$0x3] =	stream.linear.gather [hbm4b:s26+s4], $0x100, $0x38;
	[tilespmem:$0x1FB80] =	vst v63  }
0x90: {  	s26 =	smov.u32 s17  }
0x91: {  	p3 =	sne.s32 s17, $0xFFFFFFA0;
	s17 =	sadd.s32 $0x60, s17;
	_ =	swait.ge [sflag:s2], $0x100  }
0x92: {  	[sflag:s2] =	ssyncset.done $0x0  }
0x93: {  	[sflag:s2] =	ssyncadd.s32 $0xFFFFFF00  }
0x94: {  	[tilespmem:s28], [sflag:$0x4] =	stream.indirect.gather [hbm4b:s1+s0], $0x80, s4, s0, $0xb8;
	[tilespmem:$0x1FB80] =	vst v63  }
0x95: {  	_ =	swait.ge [sflag:s6], $0x100  }
0x96: {  	[sflag:s6] =	ssyncset.done $0x0  }
0x97: {  	[sflag:s6] =	ssyncadd.s32 $0xFFFFFF00  }
0x98: {  	[tilespmem:s7], [sflag:$0x5] =	stream.indirect.gather [hbm4b:s1+s0], $0x80, s30, s0, $0xb8;
	[tilespmem:$0x1FB80] =	vst v63  }
0x99: {  	_ =	swait.ge [sflag:s8], $0x100  }
0x9a: {  	[sflag:s8] =	ssyncset.done $0x0  }
0x9b: {  	[sflag:s8] =	ssyncadd.s32 $0xFFFFFF00  }
0x9c: {  	[tilespmem:s9], [sflag:$0x6] =	stream.indirect.gather [hbm4b:s1+s0], $0x80, s31, s0, $0xb8;
	[tilespmem:$0x1FB80] =	vst v63  }
0x9d: {  	_ =	swait.ge [sflag:s10], $0x4000  }
0x9e: {  	[sflag:s10] =	ssyncset.done $0x0  }
0x9f: {  	[sflag:s10] =	ssyncadd.s32 $0xFFFFC000  }
0xa0: {  	[spmem:s3] =	stream.indirect.scatter.add.f32 [tilespmem:s28], [sflag:$0x8], $0x80, s0, s0, $0xb8;
	[tilespmem:$0x1FB80] =	vst v63  }
0xa1: {  	_ =	swait.ge [sflag:s11], $0x4000  }
0xa2: {  	s26 =	sadd.s32 s26, s14;
	[sflag:s11] =	ssyncset.done $0x0  }
0xa3: {  	s18 =	sadd.s32 $0x9C0, s26;
	[sflag:s11] =	ssyncadd.s32 $0xFFFFC000  }
0xa4: {  	[tilespmem:s4], [sflag:$0x1] =	stream.linear.gather [hbm4b:s18+s4], $0x100, $0x38;
	[tilespmem:$0x1FB80] =	vst v63  }
0xa5: {  	_ =	swait.ge [sflag:s12], $0x4000  }
0xa6: {  	[sflag:s12] =	ssyncset.done $0x0  }
0xa7: {  	[sflag:s12] =	ssyncadd.s32 $0xFFFFC000  }
0xa8: {  	[spmem:s3] =	stream.indirect.scatter.add.f32 [tilespmem:s7], [sflag:$0x8], $0x80, s13, s0, $0xb8;
	[tilespmem:$0x1FB80] =	vst v63  }
0xa9: {  	_ =	swait.ge [sflag:s11], $0x4000  }
0xaa: {  	[sflag:s11] =	ssyncset.done $0x0  }
0xab: {  	s18 =	sadd.s32 $0x9E0, s26;
	[sflag:s11] =	ssyncadd.s32 $0xFFFFC000  }
0xac: {  	[tilespmem:s30], [sflag:$0x2] =	stream.linear.gather [hbm4b:s18+s4], $0x100, $0x38;
	[tilespmem:$0x1FB80] =	vst v63  }
0xad: {  	_ =	swait.ge [sflag:s5], $0x4000  }
0xae: {  	[sflag:s5] =	ssyncset.done $0x0  }
.Ltmp1:
0xaf: {  	[sflag:s5] =	ssyncadd.s32 $0xFFFFC000;
	(pc) =	sbr.rel @p3 .LBB2_4-.Ltmp1, $4  }
0xb0: {  	[spmem:s3] =	stream.indirect.scatter.add.f32 [tilespmem:s9], [sflag:$0x8], $0x80, s15, s0, $0xb8;
	[tilespmem:$0x1FB80] =	vst v63  }
0xb1: {  	_ =	swait.ge [sflag:s11], $0x4000  }
0xb2: {  	[sflag:s11] =	ssyncset.done $0x0  }
0xb3: {  	s26 =	sadd.s32 $0xA00, s26;
	[sflag:s11] =	ssyncadd.s32 $0xFFFFC000  }
0xb4: {  	[tilespmem:s31], [sflag:$0x3] =	stream.linear.gather [hbm4b:s26+s4], $0x100, $0x38;
	[tilespmem:$0x1FB80] =	vst v63  }
0xb5: {  	_ =	swait.ge [sflag:s2], $0x100  }
0xb6: {  	[sflag:s2] =	ssyncset.done $0x0  }
0xb7: {  	[sflag:s2] =	ssyncadd.s32 $0xFFFFFF00  }
0xb8: {  	[tilespmem:s28], [sflag:$0x4] =	stream.indirect.gather [hbm4b:s1+s0], $0x80, s4, s0, $0xb8;
	[tilespmem:$0x1FB80] =	vst v63  }
0xb9: {  	_ =	swait.ge [sflag:s6], $0x100  }
0xba: {  	[sflag:s6] =	ssyncset.done $0x0  }
0xbb: {  	[sflag:s6] =	ssyncadd.s32 $0xFFFFFF00  }
0xbc: {  	[tilespmem:s7], [sflag:$0x5] =	stream.indirect.gather [hbm4b:s1+s0], $0x80, s30, s0, $0xb8;
	[tilespmem:$0x1FB80] =	vst v63  }
0xbd: {  	_ =	swait.ge [sflag:s8], $0x100  }
0xbe: {  	[sflag:s8] =	ssyncset.done $0x0  }
0xbf: {  	[sflag:s8] =	ssyncadd.s32 $0xFFFFFF00  }
0xc0: {  	[tilespmem:s9], [sflag:$0x6] =	stream.indirect.gather [hbm4b:s1+s0], $0x80, s31, s0, $0xb8;
	[tilespmem:$0x1FB80] =	vst v63  }
0xc1: {  	_ =	swait.ge [sflag:s10], $0x4000  }
0xc2: {  	[sflag:s10] =	ssyncset.done $0x0  }
0xc3: {  	[sflag:s10] =	ssyncadd.s32 $0xFFFFC000  }
0xc4: {  	[spmem:s3] =	stream.indirect.scatter.add.f32 [tilespmem:s28], [sflag:$0x8], $0x80, s0, s0, $0xb8;
	[tilespmem:$0x1FB80] =	vst v63  }
0xc5: {  	_ =	swait.ge [sflag:s11], $0x4000  }
0xc6: {  	[sflag:s11] =	ssyncset.done $0x0  }
0xc7: {  	[sflag:s11] =	ssyncadd.s32 $0xFFFFC000  }
0xc8: {  	_ =	swait.ge [sflag:s12], $0x4000  }
0xc9: {  	[sflag:s12] =	ssyncset.done $0x0  }
0xca: {  	[sflag:s12] =	ssyncadd.s32 $0xFFFFC000  }
0xcb: {  	[spmem:s3] =	stream.indirect.scatter.add.f32 [tilespmem:s7], [sflag:$0x8], $0x80, s13, s0, $0xb8;
	[tilespmem:$0x1FB80] =	vst v63  }
0xcc: {  	_ =	swait.ge [sflag:s11], $0x4000  }
0xcd: {  	[sflag:s11] =	ssyncset.done $0x0  }
0xce: {  	[sflag:s11] =	ssyncadd.s32 $0xFFFFC000  }
0xcf: {  	_ =	swait.ge [sflag:s5], $0x4000  }
0xd0: {  	[sflag:s5] =	ssyncset.done $0x0  }
0xd1: {  	[sflag:s5] =	ssyncadd.s32 $0xFFFFC000  }
0xd2: {  	[spmem:s3] =	stream.indirect.scatter.add.f32 [tilespmem:s9], [sflag:$0x8], $0x80, s15, s0, $0xb8;
	[tilespmem:$0x1FB80] =	vst v63  }
0xd3: {  	_ =	swait.ge [sflag:s11], $0x4000  }
0xd4: {  	[sflag:s11] =	ssyncset.done $0x0  }
0xd5: {  	s17 =	simm.s32 @!p2 $0x0;
	s18 =	rddreg [dreg:$0xf];
	[sflag:s11] =	ssyncadd.s32 $0xFFFFC000  }
0xd6: {  	[tilespmem:s17], [sflag:$0x1] =	stream.linear.gather @!p2 [hbm4b:s18+s17], $0x100, $0x38;
	[tilespmem:$0x1FB80] =	vst v63  }
0xd7: {  	s18 =	simm.s32 @!p2 $0x1  }
0xd8: {  	_ =	swait.ge @!p2 [sflag:s18], $0x100  }
0xd9: {  	[sflag:s18] =	ssyncset.done @!p2 $0x0  }
0xda: {  	s26 =	simm.s32 @!p2 $0x300;
	[sflag:s18] =	ssyncadd.s32 @!p2 $0xFFFFFF00;
	s18 =	simm.s32 @!p2 $0x80  }
0xdb: {  	[tilespmem:s26], [sflag:$0x4] =	stream.indirect.gather @!p2 [hbm4b:s1+s18], $0x80, s17, s18, $0xb8;
	[tilespmem:$0x1FB80] =	vst v63  }
0xdc: {  	s17 =	simm.s32 @!p2 $0x4  }
0xdd: {  	_ =	swait.ge @!p2 [sflag:s17], $0x4000  }
0xde: {  	[sflag:s17] =	ssyncset.done @!p2 $0x0  }
0xdf: {  	[sflag:s17] =	ssyncadd.s32 @!p2 $0xFFFFC000;
	s17 =	simm.s32 @!p2 $0x8  }
0xe0: {  	[spmem:s3] =	stream.indirect.scatter.add.f32 @!p2 [tilespmem:s26], [sflag:$0x8], $0x80, s18, s18, $0xb8;
	[tilespmem:$0x1FB80] =	vst v63  }
0xe1: {  	_ =	swait.ge @!p2 [sflag:s17], $0x4000  }
0xe2: {  	[sflag:s17] =	ssyncset.done @!p2 $0x0  }
0xe3: {  	[sflag:s17] =	ssyncadd.s32 @!p2 $0xFFFFC000  }
0xe4: {  	s18 =	stileid.u32;
	[bflag:$0x0] =	sbarrier.arrive $0xFFFF  }
0xe5: {  	s17 =	sshll.u32 s18, $0x6;
	s26 =	rddreg [dreg:$0x11]  }
0xe6: {  	s17 =	sor.u32 $0x1C07, s17;
	s18 =	sshrl.u32 s26, $0x3;
	s26 =	rddreg [dreg:$0x6]  }
0xe7: {  	[hbm:s26], [sflag:s17] =	dma.local [spmem:s18], $0x500  }
0xe8: {  	s18 =	sshrl.u32 s19, $0x3;
	s26 =	rddreg [dreg:$0x7]  }
0xe9: {  	[hbm:s26], [sflag:s17] =	dma.local [spmem:s18], $0x500  }
0xea: {  	s18 =	sshrl.u32 s20, $0x3;
	s26 =	rddreg [dreg:$0x8]  }
0xeb: {  	[hbm:s26], [sflag:s17] =	dma.local [spmem:s18], $0x500  }
0xec: {  	s18 =	sshrl.u32 s21, $0x3;
	s26 =	rddreg [dreg:$0x9]  }
0xed: {  	[hbm:s26], [sflag:s17] =	dma.local [spmem:s18], $0x500  }
0xee: {  	s18 =	sshrl.u32 s22, $0x3;
	s26 =	rddreg [dreg:$0xa]  }
0xef: {  	[hbm:s26], [sflag:s17] =	dma.local [spmem:s18], $0x500  }
0xf0: {  	s18 =	sshrl.u32 s23, $0x3;
	s26 =	rddreg [dreg:$0xb]  }
0xf1: {  	[hbm:s26], [sflag:s17] =	dma.local [spmem:s18], $0x500  }
0xf2: {  	s18 =	sshrl.u32 s24, $0x3;
	s26 =	rddreg [dreg:$0xc]  }
0xf3: {  	[hbm:s26], [sflag:s17] =	dma.local [spmem:s18], $0x500  }
0xf4: {  	s18 =	sshrl.u32 @!p0 s25, $0x3;
	s26 =	rddreg [dreg:$0xd]  }
0xf5: {  	[hbm:s26], [sflag:s17] =	dma.local @!p0 [spmem:s18], $0x500  }
0xf6: {  	_ =	swait.ge [sflag:s29], $0x500  }
0xf7: {  	[sflag:s29] =	ssyncset.done $0x0  }
0xf8: {  	[sflag:s29] =	ssyncadd.s32 $0xFFFFFB00  }
0xf9: {  	_ =	swait.ge [sflag:s29], $0x500  }
0xfa: {  	[sflag:s29] =	ssyncset.done $0x0  }
0xfb: {  	[sflag:s29] =	ssyncadd.s32 $0xFFFFFB00  }
0xfc: {  	_ =	swait.ge [sflag:s29], $0x500  }
0xfd: {  	[sflag:s29] =	ssyncset.done $0x0  }
0xfe: {  	[sflag:s29] =	ssyncadd.s32 $0xFFFFFB00  }
0xff: {  	_ =	swait.ge [sflag:s29], $0x500  }
0x100: {  	[sflag:s29] =	ssyncset.done $0x0  }
0x101: {  	[sflag:s29] =	ssyncadd.s32 $0xFFFFFB00  }
0x102: {  	_ =	swait.ge [sflag:s29], $0x500  }
0x103: {  	[sflag:s29] =	ssyncset.done $0x0  }
0x104: {  	[sflag:s29] =	ssyncadd.s32 $0xFFFFFB00  }
0x105: {  	_ =	swait.ge [sflag:s29], $0x500  }
0x106: {  	[sflag:s29] =	ssyncset.done $0x0  }
0x107: {  	[sflag:s29] =	ssyncadd.s32 $0xFFFFFB00  }
0x108: {  	_ =	swait.ge [sflag:s29], $0x500  }
0x109: {  	[sflag:s29] =	ssyncset.done $0x0  }
0x10a: {  	s17 =	simm.s32 @!p1 $0x7;
	[sflag:s29] =	ssyncadd.s32 $0xFFFFFB00  }
0x10b: {  	_ =	swait.ge @!p1 [sflag:s17], $0x500  }
0x10c: {  	s16 =	sadd.s32 $0x1, s16;
	s26 =	rddreg [dreg:$0x10]  }
0x10d: {  	p3 =	sne.s32 s16, s26  }
.Ltmp2:
0x10e: {  	_ = 	snop;
	(pc) =	sbr.rel @p3 .LBB2_1-.Ltmp2, $3  }
0x10f: {  	_ =	sdelay $0x1  }
0x110: {  	[sflag:s17] =	ssyncset.done @!p1 $0x0  }
0x111: {  	[sflag:s17] =	ssyncadd.s32 @!p1 $0xFFFFFB00  }
0x112: {  	_ =	sfence.sel $0x180000  }
0x113: {  	[bflag:$0x0] =	sbarrier.arrive $0xFFFF  }
0x114: {  	_ =	strace $0x9000004D  }
0x115: {  	s0 =	stileid.u32;
	[bflag:$0x2] =	sbarrier.arrive $0xFFFF  }
0x116: {  	p0 =	sne.s32 s0, $0x0;
	s0 =	rddreg [dreg:$0x4]  }
0x117: {  	s0 =	sadd.s32 @!p0 $0x100000, s0  }
0x118: {  	[sflag:s0] =	ssyncadd.tile.s32 @!p0 $0x1;
	_ =	shalt  }
.Lfunc_end2:
_tile_overlayer_lowered:
.L_overlay_start_2:
0x119: {  	(tag) =	ssettag $0x2  }
0x11a: {  	s0 =	rddreg [dreg:$0x0];
	s2 =	stileid.u32  }
0x11b: {  	s1 =	rddreg [dreg:$0x1];
	p0 =	sne.s32 s2, $0x0  }
0x11c: {  	s3 =	rddreg [dreg:$0x2];
	[bflag:$0x3] =	sbarrier.arrive $0xFFFF;
	s2 =	simm.s32 @!p0 $0x1C08  }
0x11d: {  	[timem:s3], [sflag:s2] =	dma.local @!p0 [hbm:s0], s1  }
0x11e: {  	s0 =	simm.s32 @!p0 $0x8  }
0x11f: {  	_ =	swait.ge @!p0 [sflag:s0], s1  }
0x120: {  	s1 =	ssub.s32 @!p0 $0x0, s1;
	[sflag:s0] =	ssyncset.done @!p0 $0x0  }
0x121: {  	[sflag:s0] =	ssyncadd.s32 @!p0 s1  }
0x122: {  	[bflag:$0x3] =	sbarrier.arrive $0xFFFF  }
0x123: {  	_ =	shalt  }

// kernel: kernel.8.cloned.1.call-start
scs
__scs_entry_jumppad:
0x0: {  	(pc) =	sbr.rel $0x88, $3  }
0x1: {  	(tag) =	ssettag $0x0;
	lr =	simm.s32 $0x1  }
0x2: {  	[smem:$0x3F9B] =	sst lr;
	_ =	strace $0xD0000000  }
0x3: {  	_ = 	snop  }
0x4: {  	_ = 	snop  }
0x5: {  	_ = 	snop  }
0x6: {  	_ = 	snop  }
0x7: {  	_ = 	snop  }
__scs_overlays_trampoline_lowered:
0x8: {  	[smem:$0x3FAA] =	sst s0  }
0x9: {  	[smem:$0x3FAB] =	sst s1  }
0xa: {  	[smem:$0x3FAC] =	sst s2  }
0xb: {  	[smem:$0x3FAD] =	sst s3  }
0xc: {  	[smem:$0x3FAE] =	sst s4  }
0xd: {  	[smem:$0x3FAF] =	sst s5  }
0xe: {  	[smem:$0x3FB0] =	sst s6  }
0xf: {  	[smem:$0x3FB1] =	sst s7  }
0x10: {  	[smem:$0x3FB2] =	sst s8  }
0x11: {  	[smem:$0x3FB3] =	sst s9;
	s0 =	simm.s32 @!p0 $0x0  }
0x12: {  	s1 =	sld [smem:$0x3F99];
	s0 =	simm.s32 @p0 $0x1  }
0x13: {  	[smem:$0x3FB4] =	sst s0;
	s0 =	simm.s32 @!p1 $0x0  }
0x14: {  	s2 =	sld [smem:$0x3F98];
	s0 =	simm.s32 @p1 $0x1  }
0x15: {  	[smem:$0x3FB5] =	sst s0;
	s0 =	simm.s32 @!p2 $0x0  }
0x16: {  	s3 =	sld [smem:$0x3FDB];
	s0 =	simm.s32 @p2 $0x1  }
0x17: {  	s4 =	simm.s32 $0x1BF5;
	[smem:$0x3FB7] =	sst s0  }
0x18: {  	s0 =	sld [smem:$0x3F9A];
	_ =	swait.ge [sflag:s4], $0x0  }
0x19: {  	s7 =	sld [smem:$0x3F9B]  }
0x1a: {  	s8 =	sadd.s32 $0xFFFFE003, lr  }
0x1b: {  	s9 =	sadd.s32 $0xFFFFFEF7, lr;
	s5 =	simm.s32 $0xFFFFFFFF;
	p2 =	slt.u32 s8, $0xFFFFF086  }
0x1c: {  	p1 =	slt.u32 s9, $0xF7A;
	s5 =	simm.s32 @!p2 $0x0  }
0x1d: {  	s5 =	simm.s32 @p1 $0x1;
	p0 =	seq.s32 s7, s2  }
0x1e: {  	s7 =	smul.u32 @!p0 $0xF7A, s2;
	p2 =	seq.s32 @!p0 s5, $0x0  }
0x1f: {  	s9 =	smul.u32 $0xF7A, s1;
	s8 =	simm.s32 @!p0 $0x1BF5;
	p2 =	por !p2, p0  }
0x20: {  	[sflag:s8] =	ssyncset.s32 @!p0 $0xFFFFF086;
	s6 =	sadd.s32 @!p0 s3, s7;
	s7 =	simm.s32 @!p0 $0x108  }
0x21: {  	s3 =	sadd.s32 s3, s9;
	s6 =	sadd.s32 @!p0 $0x88, s6;
	s7 =	simm.s32 @p2 $0x1082  }
0x22: {  	[simem:s7], [sflag:s8] =	dma.local @!p0 [hbm:s6], $0xF7A  }
0x23: {  	s9 =	sor.u32 $0xD0000000, s2;
	s6 =	simm.s32 $0x108;
	_ =	swait.ge @!p0 [sflag:s8], $0x0  }
0x24: {  	s3 =	sadd.s32 $0x88, s3;
	s6 =	simm.s32 @!p1 $0x1082;
	[sflag:s4] =	ssyncset.s32 $0xFFFFF086  }
0x25: {  	[simem:s6], [sflag:s4] =	dma.local [hbm:s3], $0xF7A  }
0x26: {  	[smem:$0x3F9B] =	sst s1;
	(tag) =	ssettag s2;
	_ =	strace s9  }
0x27: {  	s1 =	sld [smem:$0x3FAB]  }
0x28: {  	s2 =	sld [smem:$0x3FAC]  }
0x29: {  	s4 =	sld [smem:$0x3FAE]  }
0x2a: {  	p0 =	seq.s32 s5, $0x0;
	s5 =	sld [smem:$0x3FAF]  }
0x2b: {  	s6 =	sld [smem:$0x3FB0]  }
0x2c: {  	s7 =	sld [smem:$0x3FB1]  }
0x2d: {  	s3 =	simm.s32 $0x108;
	s8 =	sld [smem:$0x3FB2]  }
0x2e: {  	s3 =	simm.s32 @!p0 $0x1082;
	s9 =	sld [smem:$0x3FB3]  }
0x2f: {  	lr =	sadd.s32 s0, s3;
	s0 =	sld [smem:$0x3FAA]  }
0x30: {  	s3 =	sld [smem:$0x3FAD]  }
0x31: {  	[smem:$0x3FB6] =	sst s10  }
0x32: {  	s10 =	sld [smem:$0x3FB4];
	_ =	sdelay $0x3  }
0x33: {  	p0 =	seq.s32 s10, $0x1;
	s10 =	sld [smem:$0x3FB6];
	_ =	sdelay $0x3  }
0x34: {  	[smem:$0x3FB6] =	sst s10  }
0x35: {  	s10 =	sld [smem:$0x3FB5];
	_ =	sdelay $0x3  }
0x36: {  	p1 =	seq.s32 s10, $0x1;
	s10 =	sld [smem:$0x3FB6];
	_ =	sdelay $0x3  }
0x37: {  	[smem:$0x3FB6] =	sst s10  }
0x38: {  	s10 =	sld [smem:$0x3FB7]  }
0x39: {  	_ = 	snop;
	(pc) =	sbr.ind lr, $3  }
0x3a: {  	_ = 	snop  }
0x3b: {  	_ = 	snop  }
0x3c: {  	p2 =	seq.s32 s10, $0x1;
	s10 =	sld [smem:$0x3FB6]  }
0x3d: {  	_ =	shalt  }
0x3e: {  	_ =	shalt  }
0x3f: {  	_ =	shalt  }
0x40: {  	_ =	shalt  }
0x41: {  	_ =	shalt  }
0x42: {  	_ =	shalt  }
0x43: {  	_ =	shalt  }
0x44: {  	_ =	shalt  }
0x45: {  	_ =	shalt  }
0x46: {  	_ =	shalt  }
0x47: {  	_ =	shalt  }
0x48: {  	_ =	shalt  }
0x49: {  	_ =	shalt  }
0x4a: {  	_ =	shalt  }
0x4b: {  	_ =	shalt  }
0x4c: {  	_ =	shalt  }
0x4d: {  	_ =	shalt  }
0x4e: {  	_ =	shalt  }
0x4f: {  	_ =	shalt  }
0x50: {  	_ =	shalt  }
0x51: {  	_ =	shalt  }
0x52: {  	_ =	shalt  }
0x53: {  	_ =	shalt  }
0x54: {  	_ =	shalt  }
0x55: {  	_ =	shalt  }
0x56: {  	_ =	shalt  }
0x57: {  	_ =	shalt  }
0x58: {  	_ =	shalt  }
0x59: {  	_ =	shalt  }
0x5a: {  	_ =	shalt  }
0x5b: {  	_ =	shalt  }
0x5c: {  	_ =	shalt  }
0x5d: {  	_ =	shalt  }
0x5e: {  	_ =	shalt  }
0x5f: {  	_ =	shalt  }
0x60: {  	_ =	shalt  }
0x61: {  	_ =	shalt  }
0x62: {  	_ =	shalt  }
0x63: {  	_ =	shalt  }
0x64: {  	_ =	shalt  }
0x65: {  	_ =	shalt  }
0x66: {  	_ =	shalt  }
0x67: {  	_ =	shalt  }
0x68: {  	_ =	shalt  }
0x69: {  	_ =	shalt  }
0x6a: {  	_ =	shalt  }
0x6b: {  	_ =	shalt  }
0x6c: {  	_ =	shalt  }
0x6d: {  	_ =	shalt  }
0x6e: {  	_ =	shalt  }
0x6f: {  	_ =	shalt  }
0x70: {  	_ =	shalt  }
0x71: {  	_ =	shalt  }
0x72: {  	_ =	shalt  }
0x73: {  	_ =	shalt  }
0x74: {  	_ =	shalt  }
0x75: {  	_ =	shalt  }
0x76: {  	_ =	shalt  }
0x77: {  	_ =	shalt  }
0x78: {  	_ =	shalt  }
0x79: {  	_ =	shalt  }
0x7a: {  	_ =	shalt  }
0x7b: {  	_ =	shalt  }
0x7c: {  	_ =	shalt  }
0x7d: {  	_ =	shalt  }
0x7e: {  	_ =	shalt  }
0x7f: {  	_ =	shalt  }
0x80: {  	_ =	shalt  }
0x81: {  	_ =	shalt  }
0x82: {  	_ =	shalt  }
0x83: {  	_ =	shalt  }
0x84: {  	_ =	shalt  }
0x85: {  	_ =	shalt  }
0x86: {  	_ =	shalt  }
0x87: {  	_ =	shalt  }
.Lfunc_end0:
.L_simem_size_0:
called_computation_lowered:
.L_overlay_start_0:
0x88: {  	s2 =	sld [smem:$0x3FD9]  }
0x89: {  	s3 =	sld [smem:$0x3FFE];
	_ =	sdelay $0x1  }
0x8a: {  	s1 =	srdreg.scid  }
0x8b: {  	s0 =	sand.u32 $0x1, s1  }
0x8c: {  	s17 =	sshll.u32 s0, $0xA;
	s2 =	sadd.s32 s3, s2  }
0x8d: {  	s2 =	sadd.s32 s2, s17  }
0x8e: {  	[smem:$0x3FC2] =	sst s2  }
0x8f: {  	_ = 	snop  }
0x90: {  	s2 =	sld [smem:$0x3FD0];
	(tm) =	ssettm $0x1  }
0x91: {  	s18 =	sld [smem:$0x3FFB];
	_ =	sdelay $0x3  }
0x92: {  	_ =	strace s18  }
0x93: {  	s3 =	sld [smem:$0x3FFC];
	_ =	sdelay $0x3  }
0x94: {  	_ =	strace s3  }
0x95: {  	s3 =	sld [smem:$0x3FFD];
	_ =	sdelay $0x3  }
0x96: {  	_ =	strace s3  }
0x97: {  	_ =	strace $0x8FFFFFFF  }
0x98: {  	s19 =	sld [smem:$0x3FDB];
	_ =	sdelay $0x1  }
0x99: {  	s4 =	simm.s32 $_scs_section_size  }
0x9a: {  	s5 =	simm.s32 $_size__tile_overlayer_lowered;
	s6 =	simm.s32 $_tile_overlayer_lowered  }
0x9b: {  	s22 =	simm.s32 $0x1BFF;
	s21 =	sshll.u32 s6, $0x1;
	s3 =	sadd.s32 s4, s19  }
0x9c: {  	s7 =	simm.s32 $0x0;
	s20 =	sshll.u32 s5, $0x1;
	s5 =	sadd.s32 s21, s3  }
0x9d: {  	[timem:s7], [sflag:s22] =	dma.local [hbm:s5], s20  }
0x9e: {  	_ =	swait.ge [sflag:s22], s20  }
0x9f: {  	s4 =	ssub.s32 $0x0, s20;
	[sflag:s22] =	ssyncset.done $0x0  }
0xa0: {  	[sflag:s22] =	ssyncadd.s32 s4;
	_ =	sdelay $0x1  }
0xa1: {  	s23 =	simm.s32 $0x1B8B  }
0xa2: {  	_ =	swait.ge [sflag:s23], $0x1  }
0xa3: {  	[sflag:s23] =	ssyncset.done $0x0  }
0xa4: {  	s25 =	simm.s32 $0x1B8E;
	s24 =	sld [smem:$0x3FFE];
	[sflag:s23] =	ssyncadd.s32 $0xFFFFFFFF  }
0xa5: {  	s26 =	simm.s32 $execute0_lowered;
	[smem:$0x3FD2] =	sst s25  }
0xa6: {  	s5 =	sshll.u32 s26, $0x1;
	_ =	strace $0x80000046;
	[dreg:$0x1] =	wrdreg $0xFFFFFFFF  }
0xa7: {  	s28 =	simm.s32 $_size_execute0_lowered;
	s3 =	sadd.s32 s3, s5;
	[dreg:$0x0] =	wrdreg $0x0  }
0xa8: {  	s5 =	sshll.u32 s28, $0x1;
	[dreg:$0x2] =	wrdreg s3  }
0xa9: {  	[dreg:$0x3] =	wrdreg s5  }
0xaa: {  	[dreg:$0x4] =	wrdreg $0xC0  }
0xab: {  	_ =	task [dreg:s7], $0x5FFFF  }
0xac: {  	[dreg:$0x1] =	wrdreg $0xFFFFFFFF  }
0xad: {  	[dreg:$0x0] =	wrdreg $0x60  }
0xae: {  	[dreg:$0x2] =	wrdreg s2  }
0xaf: {  	[dreg:$0x3] =	wrdreg s24  }
0xb0: {  	[dreg:$0x4] =	wrdreg $0x2000  }
0xb1: {  	[dreg:$0x5] =	wrdreg $0x9  }
0xb2: {  	_ =	task.clear_ibuf [dreg:s7], $0x6FFFF;
	_ =	strace $0x90000046  }
0xb3: {  	s29 =	simm.s32 $0x9;
	_ =	strace $0x80000048  }
0xb4: {  	_ =	swait.ge [sflag:s29], $0x1  }
0xb5: {  	[sflag:s29] =	ssyncadd.s32 $0xFFFFFFFF  }
0xb6: {  	_ =	strace $0x90000048  }
0xb7: {  	_ =	sfence  }
0xb8: {  	s30 =	sld [smem:$0x0];
	_ =	sdelay $0x2  }
0xb9: {  	s31 =	sshll.u32 s1, $0xD;
	s1 =	sshrl.u32 s1, $0x2  }
0xba: {  	s3 =	sand.u32 $0x4000, s31;
	s1 =	sadd.s32 s1, s30  }
0xbb: {  	s0 =	sor.u32 s3, s0;
	s1 =	sshll.u32 s1, $0x11  }
0xbc: {  	s0 =	sor.u32 s1, s0  }
0xbd: {  	s0 =	sadd.s32 $0x8F2B, s0  }
0xbe: {  	[sflag:s0] =	ssyncadd.remote.s32 $0x1  }
0xbf: {  	_ =	sfence.sel $0xFFFF  }
0xc0: {  	[dreg:$0x0] =	wrdreg $0xFFFFFFFF;
	(pc) =	sbr.abs _section_cstart, $3  }
0xc1: {  	[dreg:$0x1] =	wrdreg $0xFFFFFFFF  }
0xc2: {  	_ =	task.clear_ibuf [dreg:s7], $0x2FFFF;
	_ =	strace $0x9FFFFFFF  }
0xc3: {  	(tm) =	ssettm $0x7FFFFFFF  }
tec
execute0_lowered:
.L_overlay_start_1:
0x0: {  	(tag) =	ssettag $0x1  }
0x1: {  	s1 =	rddreg [dreg:$0x0]  }
0x2: {  	s0 =	rddreg [dreg:$0x1]  }
0x3: {  	s2 =	rddreg [dreg:$0x2]  }
0x4: {  	s4 =	simm.s32 $0x0;
	s3 =	srdreg.scid;
	s22 =	stileid.u32  }
0x5: {  	s28 =	simm.s32 $0x80;
	s29 =	simm.s32 $0x1;
	s30 =	simm.s32 $0x100  }
0x6: {  	s31 =	simm.s32 $0x2;
	[smem:$0x7FF] =	sst s4;
	s3 =	sand.u32 $0x1, s3  }
0x7: {  	s7 =	smul.u32 $0x2700, s22;
	s0 =	sadd.s32 $0x2200, s0;
	s17 =	sshll.u32 s22, $0x7  }
0x8: {  	p0 =	sgt.u32 s22, $0x1;
	s6 =	smul.u32 $0x27100, s3;
	_ =	strace $0x80000047  }
0x9: {  	s5 =	ssub.s32 $0x2, s3;
	s3 =	smul.u32 $0x2800, s3;
	s25 =	sor.u32 $0x800, s17  }
0xa: {  	s18 =	sor.u32 $0x1000, s17;
	s19 =	sor.u32 $0x1800, s17;
	s8 =	sshrl.u32 s5, $0x1  }
0xb: {  	s10 =	ssub.s32 s5, s8;
	s5 =	sadd.s32 s17, s2;
	s7 =	sadd.s32 s7, s6  }
0xc: {  	s6 =	sadd.s32 s17, s6;
	s9 =	sor.u32 s3, s17;
	s14 =	sadd.s32 s3, s25  }
0xd: {  	s16 =	sadd.s32 s3, s18;
	s20 =	sadd.s32 s3, s19;
	s21 =	sshrl.u32 s7, $0x3  }
0xe: {  	s23 =	sor.u32 $0x80, s7;
	s6 =	sadd.s32 $0x27000, s6;
	s24 =	sshrl.u32 s9, $0x3  }
0xf: {  	s10 =	smax.u32 s10, $0x1;
	s11 =	sadd.s32 $0x800, s5;
	s12 =	sadd.s32 $0x1000, s5  }
0x10: {  	s13 =	sadd.s32 $0x1800, s5;
	s15 =	sshrl.u32 s14, $0x3;
	s14 =	sadd.s32 $0x2000, s5  }
0x11: {  	s16 =	sshrl.u32 s16, $0x3;
	s26 =	sshrl.u32 s20, $0x3;
	s8 =	sadd.s32 s1, s21  }
0x12: {  	s6 =	sshrl.u32 s6, $0x3;
	s9 =	sadd.s32 s0, s24;
	s15 =	sadd.s32 s0, s15  }
0x13: {  	s16 =	sadd.s32 s0, s16;
	s21 =	sor.u32 $0x2000, s17;
	s17 =	sadd.s32 s0, s26  }
0x14: {  	s24 =	sadd.s32 s19, s2;
	s19 =	sadd.s32 $0x100, s7;
	[dreg:$0x4] =	wrdreg s8  }
0x15: {  	s8 =	sshrl.u32 s23, $0x3;
	s6 =	sadd.s32 s1, s6;
	s23 =	sadd.s32 s18, s2  }
0x16: {  	s3 =	sadd.s32 s3, s21;
	s26 =	sadd.s32 s21, s2;
	s21 =	simm.s32 $0x180  }
0x17: {  	s24 =	sshrl.u32 s24, $0x3;
	s8 =	sadd.s32 s1, s8;
	[dreg:$0x6] =	wrdreg s6  }
0x18: {  	s6 =	sadd.s32 s25, s2;
	s3 =	sshrl.u32 s3, $0x3;
	s23 =	sshrl.u32 s23, $0x3  }
0x19: {  	[dreg:$0x5] =	wrdreg s8;
	s8 =	sadd.s32 $0x180, s7;
	s18 =	sadd.s32 s0, s3  }
0x1a: {  	s22 =	sshrl.u32 s6, $0x3;
	s0 =	simm.s32 $0x0;
	s25 =	sshrl.u32 s8, $0x3  }
0x1b: {  	v0 =	vimm.f32 $1.000000000e+00;
	v1 =	vimm.f32 $0.0e+00;
	s20 =	sadd.s32 s25, s1;
	s25 =	sshrl.u32 s26, $0x3;
	s26 =	simm.s32 $0x3  }
.LBB2_1:
0x1c: {  	[tilespmem:$0x100] =	vst v0  }
0x1d: {  	[tilespmem:$0x180] =	vst v1  }
0x1e: {  	[tilespmem:$0x110] =	vst v0  }
0x1f: {  	[tilespmem:$0x190] =	vst v1  }
0x20: {  	[tilespmem:$0x120] =	vst v0  }
0x21: {  	[tilespmem:$0x1A0] =	vst v1  }
0x22: {  	[tilespmem:$0x130] =	vst v0  }
0x23: {  	[tilespmem:$0x1B0] =	vst v1  }
0x24: {  	[tilespmem:$0x140] =	vst v0  }
0x25: {  	[tilespmem:$0x1C0] =	vst v1  }
0x26: {  	[tilespmem:$0x150] =	vst v0  }
0x27: {  	[tilespmem:$0x1D0] =	vst v1  }
0x28: {  	[tilespmem:$0x160] =	vst v0  }
0x29: {  	[tilespmem:$0x1E0] =	vst v1  }
0x2a: {  	[tilespmem:$0x170] =	vst v0  }
0x2b: {  	[tilespmem:$0x1F0] =	vst v1  }
0x2c: {  	[spmem:s5] =	stream.linear.scatter [tilespmem:s21], [sflag:$0x3], $0x80, $0x38;
	[tilespmem:$0x480] =	vst v63  }
0x2d: {  	_ =	swait.ge [sflag:s26], $0x80  }
0x2e: {  	[sflag:s26] =	ssyncset.done $0x0  }
0x2f: {  	[sflag:s26] =	ssyncadd.s32 $0xFFFFFF80  }
0x30: {  	[spmem:s11] =	stream.linear.scatter [tilespmem:s21], [sflag:$0x3], $0x80, $0x38;
	[tilespmem:$0x480] =	vst v63  }
0x31: {  	_ =	swait.ge [sflag:s26], $0x80  }
0x32: {  	[sflag:s26] =	ssyncset.done $0x0  }
0x33: {  	[sflag:s26] =	ssyncadd.s32 $0xFFFFFF80  }
0x34: {  	[spmem:s12] =	stream.linear.scatter [tilespmem:s21], [sflag:$0x3], $0x80, $0x38;
	[tilespmem:$0x480] =	vst v63  }
0x35: {  	_ =	swait.ge [sflag:s26], $0x80  }
0x36: {  	[sflag:s26] =	ssyncset.done $0x0  }
0x37: {  	[sflag:s26] =	ssyncadd.s32 $0xFFFFFF80  }
0x38: {  	[spmem:s13] =	stream.linear.scatter [tilespmem:s21], [sflag:$0x3], $0x80, $0x38;
	[tilespmem:$0x480] =	vst v63  }
0x39: {  	_ =	swait.ge [sflag:s26], $0x80  }
0x3a: {  	[sflag:s26] =	ssyncset.done $0x0  }
0x3b: {  	[sflag:s26] =	ssyncadd.s32 $0xFFFFFF80  }
0x3c: {  	[spmem:s14] =	stream.linear.scatter [tilespmem:s21], [sflag:$0x3], $0x80, $0x38;
	[tilespmem:$0x480] =	vst v63  }
0x3d: {  	_ =	swait.ge [sflag:s26], $0x80  }
0x3e: {  	[sflag:s26] =	ssyncset.done $0x0  }
0x3f: {  	[sflag:s26] =	ssyncadd.s32 $0xFFFFFF80  }
0x40: {  	[bflag:$0x0] =	sbarrier.arrive $0xFFFF  }
0x41: {  	s3 =	rddreg [dreg:$0x4]  }
0x42: {  	[tilespmem:s4], [sflag:$0x1] =	stream.linear.gather [hbm4b:s3+s4], $0x80, $0x38;
	[tilespmem:$0x480] =	vst v63  }
0x43: {  	s7 =	rddreg [dreg:$0x5]  }
0x44: {  	[tilespmem:s28], [sflag:$0x2] =	stream.linear.gather [hbm4b:s7+s4], $0x80, $0x38;
	[tilespmem:$0x480] =	vst v63  }
0x45: {  	_ =	swait.ge [sflag:s29], $0x80  }
0x46: {  	[sflag:s29] =	ssyncset.done $0x0  }
0x47: {  	[sflag:s29] =	ssyncadd.s32 $0xFFFFFF80  }
0x48: {  	[spmem:s2] =	stream.indirect.scatter.add.f32 [tilespmem:s30], [sflag:$0x3], $0x1, s4, s28, $0xb8;
	[tilespmem:$0x480] =	vst v63  }
0x49: {  	_ =	swait.ge [sflag:s26], $0x80  }
0x4a: {  	s8 =	sshrl.u32 s19, $0x3;
	[sflag:s26] =	ssyncset.done $0x0  }
0x4b: {  	s3 =	sadd.s32 s1, s8;
	[sflag:s26] =	ssyncadd.s32 $0xFFFFFF80  }
0x4c: {  	[tilespmem:s4], [sflag:$0x1] =	stream.linear.gather [hbm4b:s3+s4], $0x80, $0x38;
	[tilespmem:$0x480] =	vst v63  }
0x4d: {  	_ =	swait.ge [sflag:s31], $0x80  }
0x4e: {  	[sflag:s31] =	ssyncset.done $0x0  }
0x4f: {  	[sflag:s31] =	ssyncadd.s32 $0xFFFFFF80  }
0x50: {  	[spmem:s2] =	stream.indirect.scatter.add.f32 [tilespmem:s30], [sflag:$0x3], $0x1, s28, s28, $0xb8;
	[tilespmem:$0x480] =	vst v63  }
0x51: {  	_ =	swait.ge [sflag:s26], $0x80  }
0x52: {  	s6 =	sadd.s32 $0x100, s19;
	[sflag:s26] =	ssyncset.done $0x0  }
0x53: {  	s7 =	sadd.s32 $0x0, s20;
	s3 =	simm.s32 $0x20;
	[sflag:s26] =	ssyncadd.s32 $0xFFFFFF80  }
.LBB2_2:
0x54: {  	[tilespmem:s28], [sflag:$0x2] =	stream.linear.gather [hbm4b:s7+s4], $0x80, $0x38;
	[tilespmem:$0x480] =	vst v63  }
0x55: {  	s7 =	smov.u32 s3  }
0x56: {  	p1 =	sne.s32 s3, $0x4A0;
	s3 =	sadd.s32 $0x20, s3;
	_ =	swait.ge [sflag:s29], $0x80  }
0x57: {  	[sflag:s29] =	ssyncset.done $0x0  }
0x58: {  	[sflag:s29] =	ssyncadd.s32 $0xFFFFFF80  }
0x59: {  	[spmem:s2] =	stream.indirect.scatter.add.f32 [tilespmem:s30], [sflag:$0x3], $0x1, s4, s28, $0xb8;
	[tilespmem:$0x480] =	vst v63  }
0x5a: {  	_ =	swait.ge [sflag:s26], $0x80  }
0x5b: {  	s8 =	sshrl.u32 s6, $0x3;
	[sflag:s26] =	ssyncset.done $0x0  }
0x5c: {  	s8 =	sadd.s32 s1, s8;
	[sflag:s26] =	ssyncadd.s32 $0xFFFFFF80  }
0x5d: {  	[tilespmem:s4], [sflag:$0x1] =	stream.linear.gather [hbm4b:s8+s4], $0x80, $0x38;
	[tilespmem:$0x480] =	vst v63  }
0x5e: {  	_ =	swait.ge [sflag:s31], $0x80  }
0x5f: {  	[sflag:s31] =	ssyncset.done $0x0  }
.Ltmp0:
0x60: {  	[sflag:s31] =	ssyncadd.s32 $0xFFFFFF80;
	(pc) =	sbr.rel @p1 .LBB2_2-.Ltmp0, $4  }
0x61: {  	[spmem:s2] =	stream.indirect.scatter.add.f32 [tilespmem:s30], [sflag:$0x3], $0x1, s28, s28, $0xb8;
	[tilespmem:$0x480] =	vst v63  }
0x62: {  	_ =	swait.ge [sflag:s26], $0x80  }
0x63: {  	[sflag:s26] =	ssyncset.done $0x0  }
0x64: {  	s6 =	sadd.s32 $0x100, s6;
	s7 =	sadd.s32 s7, s20;
	[sflag:s26] =	ssyncadd.s32 $0xFFFFFF80  }
0x65: {  	[tilespmem:s28], [sflag:$0x2] =	stream.linear.gather [hbm4b:s7+s4], $0x80, $0x38;
	[tilespmem:$0x480] =	vst v63  }
0x66: {  	_ =	swait.ge [sflag:s29], $0x80  }
0x67: {  	[sflag:s29] =	ssyncset.done $0x0  }
0x68: {  	[sflag:s29] =	ssyncadd.s32 $0xFFFFFF80  }
0x69: {  	[spmem:s2] =	stream.indirect.scatter.add.f32 [tilespmem:s30], [sflag:$0x3], $0x1, s4, s28, $0xb8;
	[tilespmem:$0x480] =	vst v63  }
0x6a: {  	_ =	swait.ge [sflag:s26], $0x80  }
0x6b: {  	[sflag:s26] =	ssyncset.done $0x0  }
0x6c: {  	[sflag:s26] =	ssyncadd.s32 $0xFFFFFF80  }
0x6d: {  	_ =	swait.ge [sflag:s31], $0x80  }
0x6e: {  	[sflag:s31] =	ssyncset.done $0x0  }
0x6f: {  	[sflag:s31] =	ssyncadd.s32 $0xFFFFFF80  }
0x70: {  	[spmem:s2] =	stream.indirect.scatter.add.f32 [tilespmem:s30], [sflag:$0x3], $0x1, s28, s28, $0xb8;
	[tilespmem:$0x480] =	vst v63  }
0x71: {  	_ =	swait.ge [sflag:s26], $0x80  }
0x72: {  	[sflag:s26] =	ssyncset.done $0x0  }
0x73: {  	s3 =	simm.s32 @!p0 $0x0;
	s6 =	rddreg [dreg:$0x6];
	[sflag:s26] =	ssyncadd.s32 $0xFFFFFF80  }
0x74: {  	[tilespmem:s3], [sflag:$0x1] =	stream.linear.gather @!p0 [hbm4b:s6+s3], $0x80, $0x38;
	[tilespmem:$0x480] =	vst v63  }
0x75: {  	s6 =	simm.s32 @!p0 $0x1  }
0x76: {  	_ =	swait.ge @!p0 [sflag:s6], $0x80  }
0x77: {  	[sflag:s6] =	ssyncset.done @!p0 $0x0  }
0x78: {  	s7 =	simm.s32 @!p0 $0x100;
	[sflag:s6] =	ssyncadd.s32 @!p0 $0xFFFFFF80;
	s6 =	simm.s32 @!p0 $0x80  }
0x79: {  	[spmem:s2] =	stream.indirect.scatter.add.f32 @!p0 [tilespmem:s7], [sflag:$0x3], $0x1, s3, s6, $0xb8;
	[tilespmem:$0x480] =	vst v63  }
0x7a: {  	s3 =	simm.s32 @!p0 $0x3  }
0x7b: {  	_ =	swait.ge @!p0 [sflag:s3], $0x80  }
0x7c: {  	s7 =	stileid.u32;
	[sflag:s3] =	ssyncset.done @!p0 $0x0  }
0x7d: {  	[sflag:s3] =	ssyncadd.s32 @!p0 $0xFFFFFF80;
	s3 =	sshll.u32 s7, $0x6  }
0x7e: {  	s8 =	sshrl.u32 s5, $0x3;
	[bflag:$0x0] =	sbarrier.arrive $0xFFFF;
	s3 =	sor.u32 $0x1C03, s3  }
0x7f: {  	[hbm:s9], [sflag:s3] =	dma.local [spmem:s8], $0x10  }
0x80: {  	_ =	swait.ge [sflag:s26], $0x10  }
0x81: {  	[sflag:s26] =	ssyncset.done $0x0  }
0x82: {  	[sflag:s26] =	ssyncadd.s32 $0xFFFFFFF0  }
0x83: {  	[hbm:s15], [sflag:s3] =	dma.local [spmem:s22], $0x10  }
0x84: {  	_ =	swait.ge [sflag:s26], $0x10  }
0x85: {  	[sflag:s26] =	ssyncset.done $0x0  }
0x86: {  	[sflag:s26] =	ssyncadd.s32 $0xFFFFFFF0  }
0x87: {  	[hbm:s16], [sflag:s3] =	dma.local [spmem:s23], $0x10  }
0x88: {  	_ =	swait.ge [sflag:s26], $0x10  }
0x89: {  	[sflag:s26] =	ssyncset.done $0x0  }
0x8a: {  	[sflag:s26] =	ssyncadd.s32 $0xFFFFFFF0  }
0x8b: {  	[hbm:s17], [sflag:s3] =	dma.local [spmem:s24], $0x10  }
0x8c: {  	s0 =	sadd.s32 $0x1, s0;
	_ =	swait.ge [sflag:s26], $0x10  }
0x8d: {  	p1 =	sne.s32 s0, s10;
	[sflag:s26] =	ssyncset.done $0x0  }
.Ltmp1:
0x8e: {  	[sflag:s26] =	ssyncadd.s32 $0xFFFFFFF0;
	(pc) =	sbr.rel @p1 .LBB2_1-.Ltmp1, $4  }
0x8f: {  	[hbm:s18], [sflag:s3] =	dma.local [spmem:s25], $0x10  }
0x90: {  	_ =	swait.ge [sflag:s26], $0x10  }
0x91: {  	[sflag:s26] =	ssyncset.done $0x0  }
0x92: {  	[sflag:s26] =	ssyncadd.s32 $0xFFFFFFF0  }
0x93: {  	_ =	sfence.sel $0x180000  }
0x94: {  	[bflag:$0x0] =	sbarrier.arrive $0xFFFF  }
0x95: {  	_ =	strace $0x90000047  }
0x96: {  	s0 =	stileid.u32;
	[bflag:$0x2] =	sbarrier.arrive $0xFFFF  }
0x97: {  	p0 =	sne.s32 s0, $0x0;
	s0 =	rddreg [dreg:$0x3]  }
0x98: {  	s0 =	sadd.s32 @!p0 $0x100000, s0  }
0x99: {  	[sflag:s0] =	ssyncadd.tile.s32 @!p0 $0x1;
	_ =	shalt  }
.Lfunc_end2:
_tile_overlayer_lowered:
.L_overlay_start_2:
0x9a: {  	(tag) =	ssettag $0x2  }
0x9b: {  	s0 =	rddreg [dreg:$0x0];
	s2 =	stileid.u32  }
0x9c: {  	s1 =	rddreg [dreg:$0x1];
	p0 =	sne.s32 s2, $0x0  }
0x9d: {  	s3 =	rddreg [dreg:$0x2];
	[bflag:$0x3] =	sbarrier.arrive $0xFFFF;
	s2 =	simm.s32 @!p0 $0x1C03  }
0x9e: {  	[timem:s3], [sflag:s2] =	dma.local @!p0 [hbm:s0], s1  }
0x9f: {  	s0 =	simm.s32 @!p0 $0x3  }
0xa0: {  	_ =	swait.ge @!p0 [sflag:s0], s1  }
0xa1: {  	s1 =	ssub.s32 @!p0 $0x0, s1;
	[sflag:s0] =	ssyncset.done @!p0 $0x0  }
0xa2: {  	[sflag:s0] =	ssyncadd.s32 @!p0 s1  }
0xa3: {  	[bflag:$0x3] =	sbarrier.arrive $0xFFFF  }
0xa4: {  	_ =	shalt  }

</sc_bundles>
